<compile_context>
chip_gen: v7x
topology: tpu7x:2x2x1
jax: 0.10.2.dev20260603
libtpu: 0.0.44.dev20260713+nightly
codegen_flags: <defaults>
</compile_context>

<pallas_src>
import functools

import jax
import jax.numpy as jnp
from jax import lax
from jax.experimental import pallas as pl
from jax.experimental.pallas import tpu as pltpu
from jax.experimental.pallas import tpu_sc as plsc

LANES = 16
CHUNK = 128
EMBW = 2
WIDE = 128
ROWS_PER_BLOCK = 16384


def _sigmoid(x):
    return 1.0 / (1.0 + jnp.exp(-x))


def _widen(table):
    n = table.shape[0]
    r = ROWS_PER_BLOCK

    def body(t_ref, y_ref):
        sel = (lax.broadcasted_iota(jnp.int32, (2, WIDE), 0) ==
               lax.broadcasted_iota(jnp.int32, (2, WIDE), 1)).astype(jnp.float32)
        y_ref[...] = jnp.dot(t_ref[...], sel,
                             preferred_element_type=jnp.float32)

    return pl.pallas_call(
        body,
        grid=((n + r - 1) // r,),
        in_specs=[pl.BlockSpec((r, 2), lambda i: (i, 0))],
        out_specs=pl.BlockSpec((r, WIDE), lambda i: (i, 0)),
        out_shape=jax.ShapeDtypeStruct((n, WIDE), jnp.float32),
    )(table)


def kernel(x_uid, x_mid, uid_table, mid_table):
    batch = x_uid.shape[0]
    info = plsc.get_sparse_core_info()
    nc, ns = info.num_cores, info.num_subcores
    nw = nc * ns
    bpw = batch // nw
    nchunk = bpw // CHUNK

    mesh = plsc.VectorSubcoreMesh(core_axis_name="c", subcore_axis_name="s")

    @functools.partial(
        pl.kernel,
        mesh=mesh,
        out_type=jax.ShapeDtypeStruct((batch,), jnp.float32),
        scratch_types=[
            pltpu.VMEM((bpw,), jnp.int32),
            pltpu.VMEM((bpw,), jnp.int32),
            pltpu.VMEM((bpw,), jnp.int32),
            pltpu.VMEM((bpw,), jnp.int32),
            pltpu.VMEM((bpw,), jnp.int32),
            pltpu.VMEM((bpw,), jnp.int32),
            pltpu.VMEM((bpw,), jnp.float32),
            pltpu.VMEM((bpw,), jnp.float32),
            pltpu.VMEM((bpw,), jnp.float32),
            pltpu.VMEM((bpw,), jnp.float32),
            pltpu.VMEM((bpw,), jnp.float32),
            pltpu.SemaphoreType.DMA,
        ],
    )
    def sc_kernel(xu_hbm, xm_hbm, ut_hbm, mt_hbm, out_hbm,
                  idx_u, idx_m, iu0, iu1, im0, im1,
                  u0v, u1v, m0v, m1v, out_v, sem):
        wid = lax.axis_index("s") * nc + lax.axis_index("c")
        base = wid * bpw

        cu = pltpu.async_copy(xu_hbm.at[pl.ds(base, bpw)], idx_u, sem)
        cm = pltpu.async_copy(xm_hbm.at[pl.ds(base, bpw)], idx_m, sem)
        cu.wait()
        cm.wait()

        for k in range(bpw // LANES):
            sl = pl.ds(k * LANES, LANES)
            eu = idx_u[sl] * WIDE
            em = idx_m[sl] * WIDE
            iu0[sl] = eu
            iu1[sl] = eu + 1
            im0[sl] = em
            im1[sl] = em + 1

        cps = []
        for j in range(nchunk):
            sl = pl.ds(j * CHUNK, CHUNK)
            cps.append(pltpu.async_copy(ut_hbm.at[iu0.at[sl]], u0v.at[sl], sem))
            cps.append(pltpu.async_copy(ut_hbm.at[iu1.at[sl]], u1v.at[sl], sem))
            cps.append(pltpu.async_copy(mt_hbm.at[im0.at[sl]], m0v.at[sl], sem))
            cps.append(pltpu.async_copy(mt_hbm.at[im1.at[sl]], m1v.at[sl], sem))
        for c in cps:
            c.wait()

        for k in range(bpw // LANES):
            sl = pl.ds(k * LANES, LANES)
            out_v[sl] = (_sigmoid(u0v[sl] - m0v[sl]) +
                         _sigmoid(u1v[sl] - m1v[sl])) * 0.5

        pltpu.sync_copy(out_v, out_hbm.at[pl.ds(base, bpw)])

    ut_wide = _widen(uid_table).reshape(-1)
    mt_wide = _widen(mid_table).reshape(-1)
    return sc_kernel(x_uid, x_mid, ut_wide, mt_wide)

# --- scband reference (transcript-rebuilt; emitter-appended) ---
"""Pipeline reference for scband-model-73658689127051 (READ-ONLY COPY).

The authoritative reference and input builder live on the scoring server;
editing this copy changes nothing except your own understanding.
"""

import jax, jax.numpy as jnp
import numpy as np

N_UID = 1000000
N_MID = 1000000
EMB_DIM = 2
BATCH = 16384

def setup_inputs(seed: int = 0) -> dict:
    key = jax.random.key(seed)
    k1, k2, k3, k4 = jax.random.split(key, 4)
    x_uid = jax.random.randint(k1, (BATCH,), 0, N_UID, dtype=jnp.int64 if jax.config.jax_enable_x64 else jnp.int32).astype(jnp.int32)
    x_mid = jax.random.randint(k2, (BATCH,), 0, N_MID, dtype=jnp.int64 if jax.config.jax_enable_x64 else jnp.int32).astype(jnp.int32)
    uid_table = jax.random.normal(k3, (N_UID, EMB_DIM), dtype=jnp.float32)
    mid_table = jax.random.normal(k4, (N_MID, EMB_DIM), dtype=jnp.float32)
    return {"x_uid": x_uid, "x_mid": x_mid, "uid_table": uid_table, "mid_table": mid_table}

def reference(x_uid, x_mid, uid_table, mid_table):
    x_uid_emb = jnp.take(uid_table, x_uid, axis=0)
    x_mid_emb = jnp.take(mid_table, x_mid, axis=0)
    return jax.nn.sigmoid(x_uid_emb - x_mid_emb).mean(axis=-1)

if __name__ == "__main__":
    import jax
    _d = setup_inputs()
    print(jax.jit(kernel)(*tuple(_d.values())))

</pallas_src>

<mosaic_0001>
#map = affine_map<(d0, d1) -> (0)>
module attributes {stable_mosaic.version = 14 : i64} {
  func.func @sc_kernel(%arg0: i32, %arg1: i32, %arg2: memref<16384xi32, #tpu.memory_space<hbm>>, %arg3: memref<16384xi32, #tpu.memory_space<hbm>>, %arg4: memref<128000000xf32, #tpu.memory_space<hbm>>, %arg5: memref<128000000xf32, #tpu.memory_space<hbm>>, %arg6: memref<16384xf32, #tpu.memory_space<hbm>>, %arg7: memref<512xi32, #tpu.memory_space<vmem>>, %arg8: memref<512xi32, #tpu.memory_space<vmem>>, %arg9: memref<512xi32, #tpu.memory_space<vmem>>, %arg10: memref<512xi32, #tpu.memory_space<vmem>>, %arg11: memref<512xi32, #tpu.memory_space<vmem>>, %arg12: memref<512xi32, #tpu.memory_space<vmem>>, %arg13: memref<512xf32, #tpu.memory_space<vmem>>, %arg14: memref<512xf32, #tpu.memory_space<vmem>>, %arg15: memref<512xf32, #tpu.memory_space<vmem>>, %arg16: memref<512xf32, #tpu.memory_space<vmem>>, %arg17: memref<512xf32, #tpu.memory_space<vmem>>, %arg18: memref<!tpu.dma_semaphore, #tpu.memory_space<semaphore_mem>>) attributes {dimension_semantics = [#tpu.dimension_semantics<core_parallel>, #tpu.dimension_semantics<subcore_parallel>], iteration_bounds = array<i64: 2, 16>, scalar_prefetch = 0 : i64, scratch_operands = 12 : i64, tpu.core_type = #tpu.core_type<sc_vector_subcore>, window_params = [{transform_indices = #map}, {transform_indices = #map}, {transform_indices = #map}, {transform_indices = #map}, {transform_indices = #map}]} {
    %mul3A = arith.constant 2 : i32
    %mul3A_0 = arith.muli %arg1, %mul3A : i32
    %add3A = arith.addi %mul3A_0, %arg0 : i32
    %mul3A_1 = arith.constant 512 : i32
    %mul3A_2 = arith.muli %add3A, %mul3A_1 : i32
    %dma_start3A = tpu.memref_slice %arg2[%mul3A_2] : memref<16384xi32, #tpu.memory_space<hbm>> -> memref<512xi32, #tpu.memory_space<hbm>>
    %dma_start3A_3 = tpu.memref_slice %arg2[%mul3A_2] : memref<16384xi32, #tpu.memory_space<hbm>> -> memref<512xi32, #tpu.memory_space<hbm>>
    tpu.enqueue_dma source(%dma_start3A_3 : memref<512xi32, #tpu.memory_space<hbm>>) target(%arg7 : memref<512xi32, #tpu.memory_space<vmem>>) target_semaphore(%arg18 : memref<!tpu.dma_semaphore, #tpu.memory_space<semaphore_mem>>)
    %dma_start3A_4 = tpu.memref_slice %arg3[%mul3A_2] : memref<16384xi32, #tpu.memory_space<hbm>> -> memref<512xi32, #tpu.memory_space<hbm>>
    %dma_start3A_5 = tpu.memref_slice %arg3[%mul3A_2] : memref<16384xi32, #tpu.memory_space<hbm>> -> memref<512xi32, #tpu.memory_space<hbm>>
    tpu.enqueue_dma source(%dma_start3A_5 : memref<512xi32, #tpu.memory_space<hbm>>) target(%arg8 : memref<512xi32, #tpu.memory_space<vmem>>) target_semaphore(%arg18 : memref<!tpu.dma_semaphore, #tpu.memory_space<semaphore_mem>>)
    %dma_wait3A = tpu.memref_slice %arg2[%mul3A_2] : memref<16384xi32, #tpu.memory_space<hbm>> -> memref<512xi32, #tpu.memory_space<hbm>>
    %dma_wait3A_6 = tpu.memref_slice %arg2[%mul3A_2] : memref<16384xi32, #tpu.memory_space<hbm>> -> memref<512xi32, #tpu.memory_space<hbm>>
    tpu.wait_dma2 semaphore(%arg18 : memref<!tpu.dma_semaphore, #tpu.memory_space<semaphore_mem>>) src(%dma_wait3A_6 : memref<512xi32, #tpu.memory_space<hbm>>) dst(%arg7 : memref<512xi32, #tpu.memory_space<vmem>>)
    %dma_wait3A_7 = tpu.memref_slice %arg3[%mul3A_2] : memref<16384xi32, #tpu.memory_space<hbm>> -> memref<512xi32, #tpu.memory_space<hbm>>
    %dma_wait3A_8 = tpu.memref_slice %arg3[%mul3A_2] : memref<16384xi32, #tpu.memory_space<hbm>> -> memref<512xi32, #tpu.memory_space<hbm>>
    tpu.wait_dma2 semaphore(%arg18 : memref<!tpu.dma_semaphore, #tpu.memory_space<semaphore_mem>>) src(%dma_wait3A_8 : memref<512xi32, #tpu.memory_space<hbm>>) dst(%arg8 : memref<512xi32, #tpu.memory_space<vmem>>)
    %get3A = arith.constant 0 : index
    %get3A_9 = tpu.vector_load %arg7[%get3A] {strides = array<i32>} : memref<512xi32, #tpu.memory_space<vmem>>, vector<16xi32>,
    %get3A_10 = vector.shape_cast %get3A_9 : vector<16xi32> to vector<16xi32>
    %mul3A_11 = arith.constant 128 : i32
    %mul3A_12 = vector.broadcast %mul3A_11 : i32 to vector<16xi32>
    %mul3A_13 = arith.muli %get3A_10, %mul3A_12 : vector<16xi32>
    %get3A_14 = arith.constant 0 : index
    %get3A_15 = tpu.vector_load %arg8[%get3A_14] {strides = array<i32>} : memref<512xi32, #tpu.memory_space<vmem>>, vector<16xi32>,
    %get3A_16 = vector.shape_cast %get3A_15 : vector<16xi32> to vector<16xi32>
    %mul3A_17 = arith.constant 128 : i32
    %mul3A_18 = vector.broadcast %mul3A_17 : i32 to vector<16xi32>
    %mul3A_19 = arith.muli %get3A_16, %mul3A_18 : vector<16xi32>
    %swap3A = arith.constant 0 : index
    %swap3A_20 = tpu.vector_load %arg9[%swap3A] {strides = array<i32>} : memref<512xi32, #tpu.memory_space<vmem>>, vector<16xi32>,
    %swap3A_21 = vector.shape_cast %swap3A_20 : vector<16xi32> to vector<16xi32>
    %swap3A_22 = vector.shape_cast %mul3A_13 : vector<16xi32> to vector<16xi32>
    tpu.vector_store %arg9[%swap3A], %swap3A_22 {strides = array<i32>} : memref<512xi32, #tpu.memory_space<vmem>>, vector<16xi32>,
    %add3A_23 = arith.constant 1 : i32
    %add3A_24 = vector.broadcast %add3A_23 : i32 to vector<16xi32>
    %add3A_25 = arith.addi %mul3A_13, %add3A_24 : vector<16xi32>
    %swap3A_26 = arith.constant 0 : index
    %swap3A_27 = tpu.vector_load %arg10[%swap3A_26] {strides = array<i32>} : memref<512xi32, #tpu.memory_space<vmem>>, vector<16xi32>,
    %swap3A_28 = vector.shape_cast %swap3A_27 : vector<16xi32> to vector<16xi32>
    %swap3A_29 = vector.shape_cast %add3A_25 : vector<16xi32> to vector<16xi32>
    tpu.vector_store %arg10[%swap3A_26], %swap3A_29 {strides = array<i32>} : memref<512xi32, #tpu.memory_space<vmem>>, vector<16xi32>,
    %swap3A_30 = arith.constant 0 : index
    %swap3A_31 = tpu.vector_load %arg11[%swap3A_30] {strides = array<i32>} : memref<512xi32, #tpu.memory_space<vmem>>, vector<16xi32>,
    %swap3A_32 = vector.shape_cast %swap3A_31 : vector<16xi32> to vector<16xi32>
    %swap3A_33 = vector.shape_cast %mul3A_19 : vector<16xi32> to vector<16xi32>
    tpu.vector_store %arg11[%swap3A_30], %swap3A_33 {strides = array<i32>} : memref<512xi32, #tpu.memory_space<vmem>>, vector<16xi32>,
    %add3A_34 = arith.constant 1 : i32
    %add3A_35 = vector.broadcast %add3A_34 : i32 to vector<16xi32>
    %add3A_36 = arith.addi %mul3A_19, %add3A_35 : vector<16xi32>
    %swap3A_37 = arith.constant 0 : index
    %swap3A_38 = tpu.vector_load %arg12[%swap3A_37] {strides = array<i32>} : memref<512xi32, #tpu.memory_space<vmem>>, vector<16xi32>,
    %swap3A_39 = vector.shape_cast %swap3A_38 : vector<16xi32> to vector<16xi32>
    %swap3A_40 = vector.shape_cast %add3A_36 : vector<16xi32> to vector<16xi32>
    tpu.vector_store %arg12[%swap3A_37], %swap3A_40 {strides = array<i32>} : memref<512xi32, #tpu.memory_space<vmem>>, vector<16xi32>,
    %get3A_41 = arith.constant 16 : index
    %get3A_42 = tpu.vector_load %arg7[%get3A_41] {strides = array<i32>} : memref<512xi32, #tpu.memory_space<vmem>>, vector<16xi32>,
    %get3A_43 = vector.shape_cast %get3A_42 : vector<16xi32> to vector<16xi32>
    %mul3A_44 = arith.constant 128 : i32
    %mul3A_45 = vector.broadcast %mul3A_44 : i32 to vector<16xi32>
    %mul3A_46 = arith.muli %get3A_43, %mul3A_45 : vector<16xi32>
    %get3A_47 = arith.constant 16 : index
    %get3A_48 = tpu.vector_load %arg8[%get3A_47] {strides = array<i32>} : memref<512xi32, #tpu.memory_space<vmem>>, vector<16xi32>,
    %get3A_49 = vector.shape_cast %get3A_48 : vector<16xi32> to vector<16xi32>
    %mul3A_50 = arith.constant 128 : i32
    %mul3A_51 = vector.broadcast %mul3A_50 : i32 to vector<16xi32>
    %mul3A_52 = arith.muli %get3A_49, %mul3A_51 : vector<16xi32>
    %swap3A_53 = arith.constant 16 : index
    %swap3A_54 = tpu.vector_load %arg9[%swap3A_53] {strides = array<i32>} : memref<512xi32, #tpu.memory_space<vmem>>, vector<16xi32>,
    %swap3A_55 = vector.shape_cast %swap3A_54 : vector<16xi32> to vector<16xi32>
    %swap3A_56 = vector.shape_cast %mul3A_46 : vector<16xi32> to vector<16xi32>
    tpu.vector_store %arg9[%swap3A_53], %swap3A_56 {strides = array<i32>} : memref<512xi32, #tpu.memory_space<vmem>>, vector<16xi32>,
    %add3A_57 = arith.constant 1 : i32
    %add3A_58 = vector.broadcast %add3A_57 : i32 to vector<16xi32>
    %add3A_59 = arith.addi %mul3A_46, %add3A_58 : vector<16xi32>
    %swap3A_60 = arith.constant 16 : index
    %swap3A_61 = tpu.vector_load %arg10[%swap3A_60] {strides = array<i32>} : memref<512xi32, #tpu.memory_space<vmem>>, vector<16xi32>,
    %swap3A_62 = vector.shape_cast %swap3A_61 : vector<16xi32> to vector<16xi32>
    %swap3A_63 = vector.shape_cast %add3A_59 : vector<16xi32> to vector<16xi32>
    tpu.vector_store %arg10[%swap3A_60], %swap3A_63 {strides = array<i32>} : memref<512xi32, #tpu.memory_space<vmem>>, vector<16xi32>,
    %swap3A_64 = arith.constant 16 : index
    %swap3A_65 = tpu.vector_load %arg11[%swap3A_64] {strides = array<i32>} : memref<512xi32, #tpu.memory_space<vmem>>, vector<16xi32>,
    %swap3A_66 = vector.shape_cast %swap3A_65 : vector<16xi32> to vector<16xi32>
    %swap3A_67 = vector.shape_cast %mul3A_52 : vector<16xi32> to vector<16xi32>
    tpu.vector_store %arg11[%swap3A_64], %swap3A_67 {strides = array<i32>} : memref<512xi32, #tpu.memory_space<vmem>>, vector<16xi32>,
    %add3A_68 = arith.constant 1 : i32
    %add3A_69 = vector.broadcast %add3A_68 : i32 to vector<16xi32>
    %add3A_70 = arith.addi %mul3A_52, %add3A_69 : vector<16xi32>
    %swap3A_71 = arith.constant 16 : index
    %swap3A_72 = tpu.vector_load %arg12[%swap3A_71] {strides = array<i32>} : memref<512xi32, #tpu.memory_space<vmem>>, vector<16xi32>,
    %swap3A_73 = vector.shape_cast %swap3A_72 : vector<16xi32> to vector<16xi32>
    %swap3A_74 = vector.shape_cast %add3A_70 : vector<16xi32> to vector<16xi32>
    tpu.vector_store %arg12[%swap3A_71], %swap3A_74 {strides = array<i32>} : memref<512xi32, #tpu.memory_space<vmem>>, vector<16xi32>,
    %get3A_75 = arith.constant 32 : index
    %get3A_76 = tpu.vector_load %arg7[%get3A_75] {strides = array<i32>} : memref<512xi32, #tpu.memory_space<vmem>>, vector<16xi32>,
    %get3A_77 = vector.shape_cast %get3A_76 : vector<16xi32> to vector<16xi32>
    %mul3A_78 = arith.constant 128 : i32
    %mul3A_79 = vector.broadcast %mul3A_78 : i32 to vector<16xi32>
    %mul3A_80 = arith.muli %get3A_77, %mul3A_79 : vector<16xi32>
    %get3A_81 = arith.constant 32 : index
    %get3A_82 = tpu.vector_load %arg8[%get3A_81] {strides = array<i32>} : memref<512xi32, #tpu.memory_space<vmem>>, vector<16xi32>,
    %get3A_83 = vector.shape_cast %get3A_82 : vector<16xi32> to vector<16xi32>
    %mul3A_84 = arith.constant 128 : i32
    %mul3A_85 = vector.broadcast %mul3A_84 : i32 to vector<16xi32>
    %mul3A_86 = arith.muli %get3A_83, %mul3A_85 : vector<16xi32>
    %swap3A_87 = arith.constant 32 : index
    %swap3A_88 = tpu.vector_load %arg9[%swap3A_87] {strides = array<i32>} : memref<512xi32, #tpu.memory_space<vmem>>, vector<16xi32>,
    %swap3A_89 = vector.shape_cast %swap3A_88 : vector<16xi32> to vector<16xi32>
    %swap3A_90 = vector.shape_cast %mul3A_80 : vector<16xi32> to vector<16xi32>
    tpu.vector_store %arg9[%swap3A_87], %swap3A_90 {strides = array<i32>} : memref<512xi32, #tpu.memory_space<vmem>>, vector<16xi32>,
    %add3A_91 = arith.constant 1 : i32
    %add3A_92 = vector.broadcast %add3A_91 : i32 to vector<16xi32>
    %add3A_93 = arith.addi %mul3A_80, %add3A_92 : vector<16xi32>
    %swap3A_94 = arith.constant 32 : index
    %swap3A_95 = tpu.vector_load %arg10[%swap3A_94] {strides = array<i32>} : memref<512xi32, #tpu.memory_space<vmem>>, vector<16xi32>,
    %swap3A_96 = vector.shape_cast %swap3A_95 : vector<16xi32> to vector<16xi32>
    %swap3A_97 = vector.shape_cast %add3A_93 : vector<16xi32> to vector<16xi32>
    tpu.vector_store %arg10[%swap3A_94], %swap3A_97 {strides = array<i32>} : memref<512xi32, #tpu.memory_space<vmem>>, vector<16xi32>,
    %swap3A_98 = arith.constant 32 : index
    %swap3A_99 = tpu.vector_load %arg11[%swap3A_98] {strides = array<i32>} : memref<512xi32, #tpu.memory_space<vmem>>, vector<16xi32>,
    %swap3A_100 = vector.shape_cast %swap3A_99 : vector<16xi32> to vector<16xi32>
    %swap3A_101 = vector.shape_cast %mul3A_86 : vector<16xi32> to vector<16xi32>
    tpu.vector_store %arg11[%swap3A_98], %swap3A_101 {strides = array<i32>} : memref<512xi32, #tpu.memory_space<vmem>>, vector<16xi32>,
    %add3A_102 = arith.constant 1 : i32
    %add3A_103 = vector.broadcast %add3A_102 : i32 to vector<16xi32>
    %add3A_104 = arith.addi %mul3A_86, %add3A_103 : vector<16xi32>
    %swap3A_105 = arith.constant 32 : index
    %swap3A_106 = tpu.vector_load %arg12[%swap3A_105] {strides = array<i32>} : memref<512xi32, #tpu.memory_space<vmem>>, vector<16xi32>,
    %swap3A_107 = vector.shape_cast %swap3A_106 : vector<16xi32> to vector<16xi32>
    %swap3A_108 = vector.shape_cast %add3A_104 : vector<16xi32> to vector<16xi32>
    tpu.vector_store %arg12[%swap3A_105], %swap3A_108 {strides = array<i32>} : memref<512xi32, #tpu.memory_space<vmem>>, vector<16xi32>,
    %get3A_109 = arith.constant 48 : index
    %get3A_110 = tpu.vector_load %arg7[%get3A_109] {strides = array<i32>} : memref<512xi32, #tpu.memory_space<vmem>>, vector<16xi32>,
    %get3A_111 = vector.shape_cast %get3A_110 : vector<16xi32> to vector<16xi32>
    %mul3A_112 = arith.constant 128 : i32
    %mul3A_113 = vector.broadcast %mul3A_112 : i32 to vector<16xi32>
    %mul3A_114 = arith.muli %get3A_111, %mul3A_113 : vector<16xi32>
    %get3A_115 = arith.constant 48 : index
    %get3A_116 = tpu.vector_load %arg8[%get3A_115] {strides = array<i32>} : memref<512xi32, #tpu.memory_space<vmem>>, vector<16xi32>,
    %get3A_117 = vector.shape_cast %get3A_116 : vector<16xi32> to vector<16xi32>
    %mul3A_118 = arith.constant 128 : i32
    %mul3A_119 = vector.broadcast %mul3A_118 : i32 to vector<16xi32>
    %mul3A_120 = arith.muli %get3A_117, %mul3A_119 : vector<16xi32>
    %swap3A_121 = arith.constant 48 : index
    %swap3A_122 = tpu.vector_load %arg9[%swap3A_121] {strides = array<i32>} : memref<512xi32, #tpu.memory_space<vmem>>, vector<16xi32>,
    %swap3A_123 = vector.shape_cast %swap3A_122 : vector<16xi32> to vector<16xi32>
    %swap3A_124 = vector.shape_cast %mul3A_114 : vector<16xi32> to vector<16xi32>
    tpu.vector_store %arg9[%swap3A_121], %swap3A_124 {strides = array<i32>} : memref<512xi32, #tpu.memory_space<vmem>>, vector<16xi32>,
    %add3A_125 = arith.constant 1 : i32
    %add3A_126 = vector.broadcast %add3A_125 : i32 to vector<16xi32>
    %add3A_127 = arith.addi %mul3A_114, %add3A_126 : vector<16xi32>
    %swap3A_128 = arith.constant 48 : index
    %swap3A_129 = tpu.vector_load %arg10[%swap3A_128] {strides = array<i32>} : memref<512xi32, #tpu.memory_space<vmem>>, vector<16xi32>,
    %swap3A_130 = vector.shape_cast %swap3A_129 : vector<16xi32> to vector<16xi32>
    %swap3A_131 = vector.shape_cast %add3A_127 : vector<16xi32> to vector<16xi32>
    tpu.vector_store %arg10[%swap3A_128], %swap3A_131 {strides = array<i32>} : memref<512xi32, #tpu.memory_space<vmem>>, vector<16xi32>,
    %swap3A_132 = arith.constant 48 : index
    %swap3A_133 = tpu.vector_load %arg11[%swap3A_132] {strides = array<i32>} : memref<512xi32, #tpu.memory_space<vmem>>, vector<16xi32>,
    %swap3A_134 = vector.shape_cast %swap3A_133 : vector<16xi32> to vector<16xi32>
    %swap3A_135 = vector.shape_cast %mul3A_120 : vector<16xi32> to vector<16xi32>
    tpu.vector_store %arg11[%swap3A_132], %swap3A_135 {strides = array<i32>} : memref<512xi32, #tpu.memory_space<vmem>>, vector<16xi32>,
    %add3A_136 = arith.constant 1 : i32
    %add3A_137 = vector.broadcast %add3A_136 : i32 to vector<16xi32>
    %add3A_138 = arith.addi %mul3A_120, %add3A_137 : vector<16xi32>
    %swap3A_139 = arith.constant 48 : index
    %swap3A_140 = tpu.vector_load %arg12[%swap3A_139] {strides = array<i32>} : memref<512xi32, #tpu.memory_space<vmem>>, vector<16xi32>,
    %swap3A_141 = vector.shape_cast %swap3A_140 : vector<16xi32> to vector<16xi32>
    %swap3A_142 = vector.shape_cast %add3A_138 : vector<16xi32> to vector<16xi32>
    tpu.vector_store %arg12[%swap3A_139], %swap3A_142 {strides = array<i32>} : memref<512xi32, #tpu.memory_space<vmem>>, vector<16xi32>,
    %get3A_143 = arith.constant 64 : index
    %get3A_144 = tpu.vector_load %arg7[%get3A_143] {strides = array<i32>} : memref<512xi32, #tpu.memory_space<vmem>>, vector<16xi32>,
    %get3A_145 = vector.shape_cast %get3A_144 : vector<16xi32> to vector<16xi32>
    %mul3A_146 = arith.constant 128 : i32
    %mul3A_147 = vector.broadcast %mul3A_146 : i32 to vector<16xi32>
    %mul3A_148 = arith.muli %get3A_145, %mul3A_147 : vector<16xi32>
    %get3A_149 = arith.constant 64 : index
    %get3A_150 = tpu.vector_load %arg8[%get3A_149] {strides = array<i32>} : memref<512xi32, #tpu.memory_space<vmem>>, vector<16xi32>,
    %get3A_151 = vector.shape_cast %get3A_150 : vector<16xi32> to vector<16xi32>
    %mul3A_152 = arith.constant 128 : i32
    %mul3A_153 = vector.broadcast %mul3A_152 : i32 to vector<16xi32>
    %mul3A_154 = arith.muli %get3A_151, %mul3A_153 : vector<16xi32>
    %swap3A_155 = arith.constant 64 : index
    %swap3A_156 = tpu.vector_load %arg9[%swap3A_155] {strides = array<i32>} : memref<512xi32, #tpu.memory_space<vmem>>, vector<16xi32>,
    %swap3A_157 = vector.shape_cast %swap3A_156 : vector<16xi32> to vector<16xi32>
    %swap3A_158 = vector.shape_cast %mul3A_148 : vector<16xi32> to vector<16xi32>
    tpu.vector_store %arg9[%swap3A_155], %swap3A_158 {strides = array<i32>} : memref<512xi32, #tpu.memory_space<vmem>>, vector<16xi32>,
    %add3A_159 = arith.constant 1 : i32
    %add3A_160 = vector.broadcast %add3A_159 : i32 to vector<16xi32>
    %add3A_161 = arith.addi %mul3A_148, %add3A_160 : vector<16xi32>
    %swap3A_162 = arith.constant 64 : index
    %swap3A_163 = tpu.vector_load %arg10[%swap3A_162] {strides = array<i32>} : memref<512xi32, #tpu.memory_space<vmem>>, vector<16xi32>,
    %swap3A_164 = vector.shape_cast %swap3A_163 : vector<16xi32> to vector<16xi32>
    %swap3A_165 = vector.shape_cast %add3A_161 : vector<16xi32> to vector<16xi32>
    tpu.vector_store %arg10[%swap3A_162], %swap3A_165 {strides = array<i32>} : memref<512xi32, #tpu.memory_space<vmem>>, vector<16xi32>,
    %swap3A_166 = arith.constant 64 : index
    %swap3A_167 = tpu.vector_load %arg11[%swap3A_166] {strides = array<i32>} : memref<512xi32, #tpu.memory_space<vmem>>, vector<16xi32>,
    %swap3A_168 = vector.shape_cast %swap3A_167 : vector<16xi32> to vector<16xi32>
    %swap3A_169 = vector.shape_cast %mul3A_154 : vector<16xi32> to vector<16xi32>
    tpu.vector_store %arg11[%swap3A_166], %swap3A_169 {strides = array<i32>} : memref<512xi32, #tpu.memory_space<vmem>>, vector<16xi32>,
    %add3A_170 = arith.constant 1 : i32
    %add3A_171 = vector.broadcast %add3A_170 : i32 to vector<16xi32>
    %add3A_172 = arith.addi %mul3A_154, %add3A_171 : vector<16xi32>
    %swap3A_173 = arith.constant 64 : index
    %swap3A_174 = tpu.vector_load %arg12[%swap3A_173] {strides = array<i32>} : memref<512xi32, #tpu.memory_space<vmem>>, vector<16xi32>,
    %swap3A_175 = vector.shape_cast %swap3A_174 : vector<16xi32> to vector<16xi32>
    %swap3A_176 = vector.shape_cast %add3A_172 : vector<16xi32> to vector<16xi32>
    tpu.vector_store %arg12[%swap3A_173], %swap3A_176 {strides = array<i32>} : memref<512xi32, #tpu.memory_space<vmem>>, vector<16xi32>,
    %get3A_177 = arith.constant 80 : index
    %get3A_178 = tpu.vector_load %arg7[%get3A_177] {strides = array<i32>} : memref<512xi32, #tpu.memory_space<vmem>>, vector<16xi32>,
    %get3A_179 = vector.shape_cast %get3A_178 : vector<16xi32> to vector<16xi32>
    %mul3A_180 = arith.constant 128 : i32
    %mul3A_181 = vector.broadcast %mul3A_180 : i32 to vector<16xi32>
    %mul3A_182 = arith.muli %get3A_179, %mul3A_181 : vector<16xi32>
    %get3A_183 = arith.constant 80 : index
    %get3A_184 = tpu.vector_load %arg8[%get3A_183] {strides = array<i32>} : memref<512xi32, #tpu.memory_space<vmem>>, vector<16xi32>,
    %get3A_185 = vector.shape_cast %get3A_184 : vector<16xi32> to vector<16xi32>
    %mul3A_186 = arith.constant 128 : i32
    %mul3A_187 = vector.broadcast %mul3A_186 : i32 to vector<16xi32>
    %mul3A_188 = arith.muli %get3A_185, %mul3A_187 : vector<16xi32>
    %swap3A_189 = arith.constant 80 : index
    %swap3A_190 = tpu.vector_load %arg9[%swap3A_189] {strides = array<i32>} : memref<512xi32, #tpu.memory_space<vmem>>, vector<16xi32>,
    %swap3A_191 = vector.shape_cast %swap3A_190 : vector<16xi32> to vector<16xi32>
    %swap3A_192 = vector.shape_cast %mul3A_182 : vector<16xi32> to vector<16xi32>
    tpu.vector_store %arg9[%swap3A_189], %swap3A_192 {strides = array<i32>} : memref<512xi32, #tpu.memory_space<vmem>>, vector<16xi32>,
    %add3A_193 = arith.constant 1 : i32
    %add3A_194 = vector.broadcast %add3A_193 : i32 to vector<16xi32>
    %add3A_195 = arith.addi %mul3A_182, %add3A_194 : vector<16xi32>
    %swap3A_196 = arith.constant 80 : index
    %swap3A_197 = tpu.vector_load %arg10[%swap3A_196] {strides = array<i32>} : memref<512xi32, #tpu.memory_space<vmem>>, vector<16xi32>,
    %swap3A_198 = vector.shape_cast %swap3A_197 : vector<16xi32> to vector<16xi32>
    %swap3A_199 = vector.shape_cast %add3A_195 : vector<16xi32> to vector<16xi32>
    tpu.vector_store %arg10[%swap3A_196], %swap3A_199 {strides = array<i32>} : memref<512xi32, #tpu.memory_space<vmem>>, vector<16xi32>,
    %swap3A_200 = arith.constant 80 : index
    %swap3A_201 = tpu.vector_load %arg11[%swap3A_200] {strides = array<i32>} : memref<512xi32, #tpu.memory_space<vmem>>, vector<16xi32>,
    %swap3A_202 = vector.shape_cast %swap3A_201 : vector<16xi32> to vector<16xi32>
    %swap3A_203 = vector.shape_cast %mul3A_188 : vector<16xi32> to vector<16xi32>
    tpu.vector_store %arg11[%swap3A_200], %swap3A_203 {strides = array<i32>} : memref<512xi32, #tpu.memory_space<vmem>>, vector<16xi32>,
    %add3A_204 = arith.constant 1 : i32
    %add3A_205 = vector.broadcast %add3A_204 : i32 to vector<16xi32>
    %add3A_206 = arith.addi %mul3A_188, %add3A_205 : vector<16xi32>
    %swap3A_207 = arith.constant 80 : index
    %swap3A_208 = tpu.vector_load %arg12[%swap3A_207] {strides = array<i32>} : memref<512xi32, #tpu.memory_space<vmem>>, vector<16xi32>,
    %swap3A_209 = vector.shape_cast %swap3A_208 : vector<16xi32> to vector<16xi32>
    %swap3A_210 = vector.shape_cast %add3A_206 : vector<16xi32> to vector<16xi32>
    tpu.vector_store %arg12[%swap3A_207], %swap3A_210 {strides = array<i32>} : memref<512xi32, #tpu.memory_space<vmem>>, vector<16xi32>,
    %get3A_211 = arith.constant 96 : index
    %get3A_212 = tpu.vector_load %arg7[%get3A_211] {strides = array<i32>} : memref<512xi32, #tpu.memory_space<vmem>>, vector<16xi32>,
    %get3A_213 = vector.shape_cast %get3A_212 : vector<16xi32> to vector<16xi32>
    %mul3A_214 = arith.constant 128 : i32
    %mul3A_215 = vector.broadcast %mul3A_214 : i32 to vector<16xi32>
    %mul3A_216 = arith.muli %get3A_213, %mul3A_215 : vector<16xi32>
    %get3A_217 = arith.constant 96 : index
    %get3A_218 = tpu.vector_load %arg8[%get3A_217] {strides = array<i32>} : memref<512xi32, #tpu.memory_space<vmem>>, vector<16xi32>,
    %get3A_219 = vector.shape_cast %get3A_218 : vector<16xi32> to vector<16xi32>
    %mul3A_220 = arith.constant 128 : i32
    %mul3A_221 = vector.broadcast %mul3A_220 : i32 to vector<16xi32>
    %mul3A_222 = arith.muli %get3A_219, %mul3A_221 : vector<16xi32>
    %swap3A_223 = arith.constant 96 : index
    %swap3A_224 = tpu.vector_load %arg9[%swap3A_223] {strides = array<i32>} : memref<512xi32, #tpu.memory_space<vmem>>, vector<16xi32>,
    %swap3A_225 = vector.shape_cast %swap3A_224 : vector<16xi32> to vector<16xi32>
    %swap3A_226 = vector.shape_cast %mul3A_216 : vector<16xi32> to vector<16xi32>
    tpu.vector_store %arg9[%swap3A_223], %swap3A_226 {strides = array<i32>} : memref<512xi32, #tpu.memory_space<vmem>>, vector<16xi32>,
    %add3A_227 = arith.constant 1 : i32
    %add3A_228 = vector.broadcast %add3A_227 : i32 to vector<16xi32>
    %add3A_229 = arith.addi %mul3A_216, %add3A_228 : vector<16xi32>
    %swap3A_230 = arith.constant 96 : index
    %swap3A_231 = tpu.vector_load %arg10[%swap3A_230] {strides = array<i32>} : memref<512xi32, #tpu.memory_space<vmem>>, vector<16xi32>,
    %swap3A_232 = vector.shape_cast %swap3A_231 : vector<16xi32> to vector<16xi32>
    %swap3A_233 = vector.shape_cast %add3A_229 : vector<16xi32> to vector<16xi32>
    tpu.vector_store %arg10[%swap3A_230], %swap3A_233 {strides = array<i32>} : memref<512xi32, #tpu.memory_space<vmem>>, vector<16xi32>,
    %swap3A_234 = arith.constant 96 : index
    %swap3A_235 = tpu.vector_load %arg11[%swap3A_234] {strides = array<i32>} : memref<512xi32, #tpu.memory_space<vmem>>, vector<16xi32>,
    %swap3A_236 = vector.shape_cast %swap3A_235 : vector<16xi32> to vector<16xi32>
    %swap3A_237 = vector.shape_cast %mul3A_222 : vector<16xi32> to vector<16xi32>
    tpu.vector_store %arg11[%swap3A_234], %swap3A_237 {strides = array<i32>} : memref<512xi32, #tpu.memory_space<vmem>>, vector<16xi32>,
    %add3A_238 = arith.constant 1 : i32
    %add3A_239 = vector.broadcast %add3A_238 : i32 to vector<16xi32>
    %add3A_240 = arith.addi %mul3A_222, %add3A_239 : vector<16xi32>
    %swap3A_241 = arith.constant 96 : index
    %swap3A_242 = tpu.vector_load %arg12[%swap3A_241] {strides = array<i32>} : memref<512xi32, #tpu.memory_space<vmem>>, vector<16xi32>,
    %swap3A_243 = vector.shape_cast %swap3A_242 : vector<16xi32> to vector<16xi32>
    %swap3A_244 = vector.shape_cast %add3A_240 : vector<16xi32> to vector<16xi32>
    tpu.vector_store %arg12[%swap3A_241], %swap3A_244 {strides = array<i32>} : memref<512xi32, #tpu.memory_space<vmem>>, vector<16xi32>,
    %get3A_245 = arith.constant 112 : index
    %get3A_246 = tpu.vector_load %arg7[%get3A_245] {strides = array<i32>} : memref<512xi32, #tpu.memory_space<vmem>>, vector<16xi32>,
    %get3A_247 = vector.shape_cast %get3A_246 : vector<16xi32> to vector<16xi32>
    %mul3A_248 = arith.constant 128 : i32
    %mul3A_249 = vector.broadcast %mul3A_248 : i32 to vector<16xi32>
    %mul3A_250 = arith.muli %get3A_247, %mul3A_249 : vector<16xi32>
    %get3A_251 = arith.constant 112 : index
    %get3A_252 = tpu.vector_load %arg8[%get3A_251] {strides = array<i32>} : memref<512xi32, #tpu.memory_space<vmem>>, vector<16xi32>,
    %get3A_253 = vector.shape_cast %get3A_252 : vector<16xi32> to vector<16xi32>
    %mul3A_254 = arith.constant 128 : i32
    %mul3A_255 = vector.broadcast %mul3A_254 : i32 to vector<16xi32>
    %mul3A_256 = arith.muli %get3A_253, %mul3A_255 : vector<16xi32>
    %swap3A_257 = arith.constant 112 : index
    %swap3A_258 = tpu.vector_load %arg9[%swap3A_257] {strides = array<i32>} : memref<512xi32, #tpu.memory_space<vmem>>, vector<16xi32>,
    %swap3A_259 = vector.shape_cast %swap3A_258 : vector<16xi32> to vector<16xi32>
    %swap3A_260 = vector.shape_cast %mul3A_250 : vector<16xi32> to vector<16xi32>
    tpu.vector_store %arg9[%swap3A_257], %swap3A_260 {strides = array<i32>} : memref<512xi32, #tpu.memory_space<vmem>>, vector<16xi32>,
    %add3A_261 = arith.constant 1 : i32
    %add3A_262 = vector.broadcast %add3A_261 : i32 to vector<16xi32>
    %add3A_263 = arith.addi %mul3A_250, %add3A_262 : vector<16xi32>
    %swap3A_264 = arith.constant 112 : index
    %swap3A_265 = tpu.vector_load %arg10[%swap3A_264] {strides = array<i32>} : memref<512xi32, #tpu.memory_space<vmem>>, vector<16xi32>,
    %swap3A_266 = vector.shape_cast %swap3A_265 : vector<16xi32> to vector<16xi32>
    %swap3A_267 = vector.shape_cast %add3A_263 : vector<16xi32> to vector<16xi32>
    tpu.vector_store %arg10[%swap3A_264], %swap3A_267 {strides = array<i32>} : memref<512xi32, #tpu.memory_space<vmem>>, vector<16xi32>,
    %swap3A_268 = arith.constant 112 : index
    %swap3A_269 = tpu.vector_load %arg11[%swap3A_268] {strides = array<i32>} : memref<512xi32, #tpu.memory_space<vmem>>, vector<16xi32>,
    %swap3A_270 = vector.shape_cast %swap3A_269 : vector<16xi32> to vector<16xi32>
    %swap3A_271 = vector.shape_cast %mul3A_256 : vector<16xi32> to vector<16xi32>
    tpu.vector_store %arg11[%swap3A_268], %swap3A_271 {strides = array<i32>} : memref<512xi32, #tpu.memory_space<vmem>>, vector<16xi32>,
    %add3A_272 = arith.constant 1 : i32
    %add3A_273 = vector.broadcast %add3A_272 : i32 to vector<16xi32>
    %add3A_274 = arith.addi %mul3A_256, %add3A_273 : vector<16xi32>
    %swap3A_275 = arith.constant 112 : index
    %swap3A_276 = tpu.vector_load %arg12[%swap3A_275] {strides = array<i32>} : memref<512xi32, #tpu.memory_space<vmem>>, vector<16xi32>,
    %swap3A_277 = vector.shape_cast %swap3A_276 : vector<16xi32> to vector<16xi32>
    %swap3A_278 = vector.shape_cast %add3A_274 : vector<16xi32> to vector<16xi32>
    tpu.vector_store %arg12[%swap3A_275], %swap3A_278 {strides = array<i32>} : memref<512xi32, #tpu.memory_space<vmem>>, vector<16xi32>,
    %get3A_279 = arith.constant 128 : index
    %get3A_280 = tpu.vector_load %arg7[%get3A_279] {strides = array<i32>} : memref<512xi32, #tpu.memory_space<vmem>>, vector<16xi32>,
    %get3A_281 = vector.shape_cast %get3A_280 : vector<16xi32> to vector<16xi32>
    %mul3A_282 = arith.constant 128 : i32
    %mul3A_283 = vector.broadcast %mul3A_282 : i32 to vector<16xi32>
    %mul3A_284 = arith.muli %get3A_281, %mul3A_283 : vector<16xi32>
    %get3A_285 = arith.constant 128 : index
    %get3A_286 = tpu.vector_load %arg8[%get3A_285] {strides = array<i32>} : memref<512xi32, #tpu.memory_space<vmem>>, vector<16xi32>,
    %get3A_287 = vector.shape_cast %get3A_286 : vector<16xi32> to vector<16xi32>
    %mul3A_288 = arith.constant 128 : i32
    %mul3A_289 = vector.broadcast %mul3A_288 : i32 to vector<16xi32>
    %mul3A_290 = arith.muli %get3A_287, %mul3A_289 : vector<16xi32>
    %swap3A_291 = arith.constant 128 : index
    %swap3A_292 = tpu.vector_load %arg9[%swap3A_291] {strides = array<i32>} : memref<512xi32, #tpu.memory_space<vmem>>, vector<16xi32>,
    %swap3A_293 = vector.shape_cast %swap3A_292 : vector<16xi32> to vector<16xi32>
    %swap3A_294 = vector.shape_cast %mul3A_284 : vector<16xi32> to vector<16xi32>
    tpu.vector_store %arg9[%swap3A_291], %swap3A_294 {strides = array<i32>} : memref<512xi32, #tpu.memory_space<vmem>>, vector<16xi32>,
    %add3A_295 = arith.constant 1 : i32
    %add3A_296 = vector.broadcast %add3A_295 : i32 to vector<16xi32>
    %add3A_297 = arith.addi %mul3A_284, %add3A_296 : vector<16xi32>
    %swap3A_298 = arith.constant 128 : index
    %swap3A_299 = tpu.vector_load %arg10[%swap3A_298] {strides = array<i32>} : memref<512xi32, #tpu.memory_space<vmem>>, vector<16xi32>,
    %swap3A_300 = vector.shape_cast %swap3A_299 : vector<16xi32> to vector<16xi32>
    %swap3A_301 = vector.shape_cast %add3A_297 : vector<16xi32> to vector<16xi32>
    tpu.vector_store %arg10[%swap3A_298], %swap3A_301 {strides = array<i32>} : memref<512xi32, #tpu.memory_space<vmem>>, vector<16xi32>,
    %swap3A_302 = arith.constant 128 : index
    %swap3A_303 = tpu.vector_load %arg11[%swap3A_302] {strides = array<i32>} : memref<512xi32, #tpu.memory_space<vmem>>, vector<16xi32>,
    %swap3A_304 = vector.shape_cast %swap3A_303 : vector<16xi32> to vector<16xi32>
    %swap3A_305 = vector.shape_cast %mul3A_290 : vector<16xi32> to vector<16xi32>
    tpu.vector_store %arg11[%swap3A_302], %swap3A_305 {strides = array<i32>} : memref<512xi32, #tpu.memory_space<vmem>>, vector<16xi32>,
    %add3A_306 = arith.constant 1 : i32
    %add3A_307 = vector.broadcast %add3A_306 : i32 to vector<16xi32>
    %add3A_308 = arith.addi %mul3A_290, %add3A_307 : vector<16xi32>
    %swap3A_309 = arith.constant 128 : index
    %swap3A_310 = tpu.vector_load %arg12[%swap3A_309] {strides = array<i32>} : memref<512xi32, #tpu.memory_space<vmem>>, vector<16xi32>,
    %swap3A_311 = vector.shape_cast %swap3A_310 : vector<16xi32> to vector<16xi32>
    %swap3A_312 = vector.shape_cast %add3A_308 : vector<16xi32> to vector<16xi32>
    tpu.vector_store %arg12[%swap3A_309], %swap3A_312 {strides = array<i32>} : memref<512xi32, #tpu.memory_space<vmem>>, vector<16xi32>,
    %get3A_313 = arith.constant 144 : index
    %get3A_314 = tpu.vector_load %arg7[%get3A_313] {strides = array<i32>} : memref<512xi32, #tpu.memory_space<vmem>>, vector<16xi32>,
    %get3A_315 = vector.shape_cast %get3A_314 : vector<16xi32> to vector<16xi32>
    %mul3A_316 = arith.constant 128 : i32
    %mul3A_317 = vector.broadcast %mul3A_316 : i32 to vector<16xi32>
    %mul3A_318 = arith.muli %get3A_315, %mul3A_317 : vector<16xi32>
    %get3A_319 = arith.constant 144 : index
    %get3A_320 = tpu.vector_load %arg8[%get3A_319] {strides = array<i32>} : memref<512xi32, #tpu.memory_space<vmem>>, vector<16xi32>,
    %get3A_321 = vector.shape_cast %get3A_320 : vector<16xi32> to vector<16xi32>
    %mul3A_322 = arith.constant 128 : i32
    %mul3A_323 = vector.broadcast %mul3A_322 : i32 to vector<16xi32>
    %mul3A_324 = arith.muli %get3A_321, %mul3A_323 : vector<16xi32>
    %swap3A_325 = arith.constant 144 : index
    %swap3A_326 = tpu.vector_load %arg9[%swap3A_325] {strides = array<i32>} : memref<512xi32, #tpu.memory_space<vmem>>, vector<16xi32>,
    %swap3A_327 = vector.shape_cast %swap3A_326 : vector<16xi32> to vector<16xi32>
    %swap3A_328 = vector.shape_cast %mul3A_318 : vector<16xi32> to vector<16xi32>
    tpu.vector_store %arg9[%swap3A_325], %swap3A_328 {strides = array<i32>} : memref<512xi32, #tpu.memory_space<vmem>>, vector<16xi32>,
    %add3A_329 = arith.constant 1 : i32
    %add3A_330 = vector.broadcast %add3A_329 : i32 to vector<16xi32>
    %add3A_331 = arith.addi %mul3A_318, %add3A_330 : vector<16xi32>
    %swap3A_332 = arith.constant 144 : index
    %swap3A_333 = tpu.vector_load %arg10[%swap3A_332] {strides = array<i32>} : memref<512xi32, #tpu.memory_space<vmem>>, vector<16xi32>,
    %swap3A_334 = vector.shape_cast %swap3A_333 : vector<16xi32> to vector<16xi32>
    %swap3A_335 = vector.shape_cast %add3A_331 : vector<16xi32> to vector<16xi32>
    tpu.vector_store %arg10[%swap3A_332], %swap3A_335 {strides = array<i32>} : memref<512xi32, #tpu.memory_space<vmem>>, vector<16xi32>,
    %swap3A_336 = arith.constant 144 : index
    %swap3A_337 = tpu.vector_load %arg11[%swap3A_336] {strides = array<i32>} : memref<512xi32, #tpu.memory_space<vmem>>, vector<16xi32>,
    %swap3A_338 = vector.shape_cast %swap3A_337 : vector<16xi32> to vector<16xi32>
    %swap3A_339 = vector.shape_cast %mul3A_324 : vector<16xi32> to vector<16xi32>
    tpu.vector_store %arg11[%swap3A_336], %swap3A_339 {strides = array<i32>} : memref<512xi32, #tpu.memory_space<vmem>>, vector<16xi32>,
    %add3A_340 = arith.constant 1 : i32
    %add3A_341 = vector.broadcast %add3A_340 : i32 to vector<16xi32>
    %add3A_342 = arith.addi %mul3A_324, %add3A_341 : vector<16xi32>
    %swap3A_343 = arith.constant 144 : index
    %swap3A_344 = tpu.vector_load %arg12[%swap3A_343] {strides = array<i32>} : memref<512xi32, #tpu.memory_space<vmem>>, vector<16xi32>,
    %swap3A_345 = vector.shape_cast %swap3A_344 : vector<16xi32> to vector<16xi32>
    %swap3A_346 = vector.shape_cast %add3A_342 : vector<16xi32> to vector<16xi32>
    tpu.vector_store %arg12[%swap3A_343], %swap3A_346 {strides = array<i32>} : memref<512xi32, #tpu.memory_space<vmem>>, vector<16xi32>,
    %get3A_347 = arith.constant 160 : index
    %get3A_348 = tpu.vector_load %arg7[%get3A_347] {strides = array<i32>} : memref<512xi32, #tpu.memory_space<vmem>>, vector<16xi32>,
    %get3A_349 = vector.shape_cast %get3A_348 : vector<16xi32> to vector<16xi32>
    %mul3A_350 = arith.constant 128 : i32
    %mul3A_351 = vector.broadcast %mul3A_350 : i32 to vector<16xi32>
    %mul3A_352 = arith.muli %get3A_349, %mul3A_351 : vector<16xi32>
    %get3A_353 = arith.constant 160 : index
    %get3A_354 = tpu.vector_load %arg8[%get3A_353] {strides = array<i32>} : memref<512xi32, #tpu.memory_space<vmem>>, vector<16xi32>,
    %get3A_355 = vector.shape_cast %get3A_354 : vector<16xi32> to vector<16xi32>
    %mul3A_356 = arith.constant 128 : i32
    %mul3A_357 = vector.broadcast %mul3A_356 : i32 to vector<16xi32>
    %mul3A_358 = arith.muli %get3A_355, %mul3A_357 : vector<16xi32>
    %swap3A_359 = arith.constant 160 : index
    %swap3A_360 = tpu.vector_load %arg9[%swap3A_359] {strides = array<i32>} : memref<512xi32, #tpu.memory_space<vmem>>, vector<16xi32>,
    %swap3A_361 = vector.shape_cast %swap3A_360 : vector<16xi32> to vector<16xi32>
    %swap3A_362 = vector.shape_cast %mul3A_352 : vector<16xi32> to vector<16xi32>
    tpu.vector_store %arg9[%swap3A_359], %swap3A_362 {strides = array<i32>} : memref<512xi32, #tpu.memory_space<vmem>>, vector<16xi32>,
    %add3A_363 = arith.constant 1 : i32
    %add3A_364 = vector.broadcast %add3A_363 : i32 to vector<16xi32>
    %add3A_365 = arith.addi %mul3A_352, %add3A_364 : vector<16xi32>
    %swap3A_366 = arith.constant 160 : index
    %swap3A_367 = tpu.vector_load %arg10[%swap3A_366] {strides = array<i32>} : memref<512xi32, #tpu.memory_space<vmem>>, vector<16xi32>,
    %swap3A_368 = vector.shape_cast %swap3A_367 : vector<16xi32> to vector<16xi32>
    %swap3A_369 = vector.shape_cast %add3A_365 : vector<16xi32> to vector<16xi32>
    tpu.vector_store %arg10[%swap3A_366], %swap3A_369 {strides = array<i32>} : memref<512xi32, #tpu.memory_space<vmem>>, vector<16xi32>,
    %swap3A_370 = arith.constant 160 : index
    %swap3A_371 = tpu.vector_load %arg11[%swap3A_370] {strides = array<i32>} : memref<512xi32, #tpu.memory_space<vmem>>, vector<16xi32>,
    %swap3A_372 = vector.shape_cast %swap3A_371 : vector<16xi32> to vector<16xi32>
    %swap3A_373 = vector.shape_cast %mul3A_358 : vector<16xi32> to vector<16xi32>
    tpu.vector_store %arg11[%swap3A_370], %swap3A_373 {strides = array<i32>} : memref<512xi32, #tpu.memory_space<vmem>>, vector<16xi32>,
    %add3A_374 = arith.constant 1 : i32
    %add3A_375 = vector.broadcast %add3A_374 : i32 to vector<16xi32>
    %add3A_376 = arith.addi %mul3A_358, %add3A_375 : vector<16xi32>
    %swap3A_377 = arith.constant 160 : index
    %swap3A_378 = tpu.vector_load %arg12[%swap3A_377] {strides = array<i32>} : memref<512xi32, #tpu.memory_space<vmem>>, vector<16xi32>,
    %swap3A_379 = vector.shape_cast %swap3A_378 : vector<16xi32> to vector<16xi32>
    %swap3A_380 = vector.shape_cast %add3A_376 : vector<16xi32> to vector<16xi32>
    tpu.vector_store %arg12[%swap3A_377], %swap3A_380 {strides = array<i32>} : memref<512xi32, #tpu.memory_space<vmem>>, vector<16xi32>,
    %get3A_381 = arith.constant 176 : index
    %get3A_382 = tpu.vector_load %arg7[%get3A_381] {strides = array<i32>} : memref<512xi32, #tpu.memory_space<vmem>>, vector<16xi32>,
    %get3A_383 = vector.shape_cast %get3A_382 : vector<16xi32> to vector<16xi32>
    %mul3A_384 = arith.constant 128 : i32
    %mul3A_385 = vector.broadcast %mul3A_384 : i32 to vector<16xi32>
    %mul3A_386 = arith.muli %get3A_383, %mul3A_385 : vector<16xi32>
    %get3A_387 = arith.constant 176 : index
    %get3A_388 = tpu.vector_load %arg8[%get3A_387] {strides = array<i32>} : memref<512xi32, #tpu.memory_space<vmem>>, vector<16xi32>,
    %get3A_389 = vector.shape_cast %get3A_388 : vector<16xi32> to vector<16xi32>
    %mul3A_390 = arith.constant 128 : i32
    %mul3A_391 = vector.broadcast %mul3A_390 : i32 to vector<16xi32>
    %mul3A_392 = arith.muli %get3A_389, %mul3A_391 : vector<16xi32>
    %swap3A_393 = arith.constant 176 : index
    %swap3A_394 = tpu.vector_load %arg9[%swap3A_393] {strides = array<i32>} : memref<512xi32, #tpu.memory_space<vmem>>, vector<16xi32>,
    %swap3A_395 = vector.shape_cast %swap3A_394 : vector<16xi32> to vector<16xi32>
    %swap3A_396 = vector.shape_cast %mul3A_386 : vector<16xi32> to vector<16xi32>
    tpu.vector_store %arg9[%swap3A_393], %swap3A_396 {strides = array<i32>} : memref<512xi32, #tpu.memory_space<vmem>>, vector<16xi32>,
    %add3A_397 = arith.constant 1 : i32
    %add3A_398 = vector.broadcast %add3A_397 : i32 to vector<16xi32>
    %add3A_399 = arith.addi %mul3A_386, %add3A_398 : vector<16xi32>
    %swap3A_400 = arith.constant 176 : index
    %swap3A_401 = tpu.vector_load %arg10[%swap3A_400] {strides = array<i32>} : memref<512xi32, #tpu.memory_space<vmem>>, vector<16xi32>,
    %swap3A_402 = vector.shape_cast %swap3A_401 : vector<16xi32> to vector<16xi32>
    %swap3A_403 = vector.shape_cast %add3A_399 : vector<16xi32> to vector<16xi32>
    tpu.vector_store %arg10[%swap3A_400], %swap3A_403 {strides = array<i32>} : memref<512xi32, #tpu.memory_space<vmem>>, vector<16xi32>,
    %swap3A_404 = arith.constant 176 : index
    %swap3A_405 = tpu.vector_load %arg11[%swap3A_404] {strides = array<i32>} : memref<512xi32, #tpu.memory_space<vmem>>, vector<16xi32>,
    %swap3A_406 = vector.shape_cast %swap3A_405 : vector<16xi32> to vector<16xi32>
    %swap3A_407 = vector.shape_cast %mul3A_392 : vector<16xi32> to vector<16xi32>
    tpu.vector_store %arg11[%swap3A_404], %swap3A_407 {strides = array<i32>} : memref<512xi32, #tpu.memory_space<vmem>>, vector<16xi32>,
    %add3A_408 = arith.constant 1 : i32
    %add3A_409 = vector.broadcast %add3A_408 : i32 to vector<16xi32>
    %add3A_410 = arith.addi %mul3A_392, %add3A_409 : vector<16xi32>
    %swap3A_411 = arith.constant 176 : index
    %swap3A_412 = tpu.vector_load %arg12[%swap3A_411] {strides = array<i32>} : memref<512xi32, #tpu.memory_space<vmem>>, vector<16xi32>,
    %swap3A_413 = vector.shape_cast %swap3A_412 : vector<16xi32> to vector<16xi32>
    %swap3A_414 = vector.shape_cast %add3A_410 : vector<16xi32> to vector<16xi32>
    tpu.vector_store %arg12[%swap3A_411], %swap3A_414 {strides = array<i32>} : memref<512xi32, #tpu.memory_space<vmem>>, vector<16xi32>,
    %get3A_415 = arith.constant 192 : index
    %get3A_416 = tpu.vector_load %arg7[%get3A_415] {strides = array<i32>} : memref<512xi32, #tpu.memory_space<vmem>>, vector<16xi32>,
    %get3A_417 = vector.shape_cast %get3A_416 : vector<16xi32> to vector<16xi32>
    %mul3A_418 = arith.constant 128 : i32
    %mul3A_419 = vector.broadcast %mul3A_418 : i32 to vector<16xi32>
    %mul3A_420 = arith.muli %get3A_417, %mul3A_419 : vector<16xi32>
    %get3A_421 = arith.constant 192 : index
    %get3A_422 = tpu.vector_load %arg8[%get3A_421] {strides = array<i32>} : memref<512xi32, #tpu.memory_space<vmem>>, vector<16xi32>,
    %get3A_423 = vector.shape_cast %get3A_422 : vector<16xi32> to vector<16xi32>
    %mul3A_424 = arith.constant 128 : i32
    %mul3A_425 = vector.broadcast %mul3A_424 : i32 to vector<16xi32>
    %mul3A_426 = arith.muli %get3A_423, %mul3A_425 : vector<16xi32>
    %swap3A_427 = arith.constant 192 : index
    %swap3A_428 = tpu.vector_load %arg9[%swap3A_427] {strides = array<i32>} : memref<512xi32, #tpu.memory_space<vmem>>, vector<16xi32>,
    %swap3A_429 = vector.shape_cast %swap3A_428 : vector<16xi32> to vector<16xi32>
    %swap3A_430 = vector.shape_cast %mul3A_420 : vector<16xi32> to vector<16xi32>
    tpu.vector_store %arg9[%swap3A_427], %swap3A_430 {strides = array<i32>} : memref<512xi32, #tpu.memory_space<vmem>>, vector<16xi32>,
    %add3A_431 = arith.constant 1 : i32
    %add3A_432 = vector.broadcast %add3A_431 : i32 to vector<16xi32>
    %add3A_433 = arith.addi %mul3A_420, %add3A_432 : vector<16xi32>
    %swap3A_434 = arith.constant 192 : index
    %swap3A_435 = tpu.vector_load %arg10[%swap3A_434] {strides = array<i32>} : memref<512xi32, #tpu.memory_space<vmem>>, vector<16xi32>,
    %swap3A_436 = vector.shape_cast %swap3A_435 : vector<16xi32> to vector<16xi32>
    %swap3A_437 = vector.shape_cast %add3A_433 : vector<16xi32> to vector<16xi32>
    tpu.vector_store %arg10[%swap3A_434], %swap3A_437 {strides = array<i32>} : memref<512xi32, #tpu.memory_space<vmem>>, vector<16xi32>,
    %swap3A_438 = arith.constant 192 : index
    %swap3A_439 = tpu.vector_load %arg11[%swap3A_438] {strides = array<i32>} : memref<512xi32, #tpu.memory_space<vmem>>, vector<16xi32>,
    %swap3A_440 = vector.shape_cast %swap3A_439 : vector<16xi32> to vector<16xi32>
    %swap3A_441 = vector.shape_cast %mul3A_426 : vector<16xi32> to vector<16xi32>
    tpu.vector_store %arg11[%swap3A_438], %swap3A_441 {strides = array<i32>} : memref<512xi32, #tpu.memory_space<vmem>>, vector<16xi32>,
    %add3A_442 = arith.constant 1 : i32
    %add3A_443 = vector.broadcast %add3A_442 : i32 to vector<16xi32>
    %add3A_444 = arith.addi %mul3A_426, %add3A_443 : vector<16xi32>
    %swap3A_445 = arith.constant 192 : index
    %swap3A_446 = tpu.vector_load %arg12[%swap3A_445] {strides = array<i32>} : memref<512xi32, #tpu.memory_space<vmem>>, vector<16xi32>,
    %swap3A_447 = vector.shape_cast %swap3A_446 : vector<16xi32> to vector<16xi32>
    %swap3A_448 = vector.shape_cast %add3A_444 : vector<16xi32> to vector<16xi32>
    tpu.vector_store %arg12[%swap3A_445], %swap3A_448 {strides = array<i32>} : memref<512xi32, #tpu.memory_space<vmem>>, vector<16xi32>,
    %get3A_449 = arith.constant 208 : index
    %get3A_450 = tpu.vector_load %arg7[%get3A_449] {strides = array<i32>} : memref<512xi32, #tpu.memory_space<vmem>>, vector<16xi32>,
    %get3A_451 = vector.shape_cast %get3A_450 : vector<16xi32> to vector<16xi32>
    %mul3A_452 = arith.constant 128 : i32
    %mul3A_453 = vector.broadcast %mul3A_452 : i32 to vector<16xi32>
    %mul3A_454 = arith.muli %get3A_451, %mul3A_453 : vector<16xi32>
    %get3A_455 = arith.constant 208 : index
    %get3A_456 = tpu.vector_load %arg8[%get3A_455] {strides = array<i32>} : memref<512xi32, #tpu.memory_space<vmem>>, vector<16xi32>,
    %get3A_457 = vector.shape_cast %get3A_456 : vector<16xi32> to vector<16xi32>
    %mul3A_458 = arith.constant 128 : i32
    %mul3A_459 = vector.broadcast %mul3A_458 : i32 to vector<16xi32>
    %mul3A_460 = arith.muli %get3A_457, %mul3A_459 : vector<16xi32>
    %swap3A_461 = arith.constant 208 : index
    %swap3A_462 = tpu.vector_load %arg9[%swap3A_461] {strides = array<i32>} : memref<512xi32, #tpu.memory_space<vmem>>, vector<16xi32>,
    %swap3A_463 = vector.shape_cast %swap3A_462 : vector<16xi32> to vector<16xi32>
    %swap3A_464 = vector.shape_cast %mul3A_454 : vector<16xi32> to vector<16xi32>
    tpu.vector_store %arg9[%swap3A_461], %swap3A_464 {strides = array<i32>} : memref<512xi32, #tpu.memory_space<vmem>>, vector<16xi32>,
    %add3A_465 = arith.constant 1 : i32
    %add3A_466 = vector.broadcast %add3A_465 : i32 to vector<16xi32>
    %add3A_467 = arith.addi %mul3A_454, %add3A_466 : vector<16xi32>
    %swap3A_468 = arith.constant 208 : index
    %swap3A_469 = tpu.vector_load %arg10[%swap3A_468] {strides = array<i32>} : memref<512xi32, #tpu.memory_space<vmem>>, vector<16xi32>,
    %swap3A_470 = vector.shape_cast %swap3A_469 : vector<16xi32> to vector<16xi32>
    %swap3A_471 = vector.shape_cast %add3A_467 : vector<16xi32> to vector<16xi32>
    tpu.vector_store %arg10[%swap3A_468], %swap3A_471 {strides = array<i32>} : memref<512xi32, #tpu.memory_space<vmem>>, vector<16xi32>,
    %swap3A_472 = arith.constant 208 : index
    %swap3A_473 = tpu.vector_load %arg11[%swap3A_472] {strides = array<i32>} : memref<512xi32, #tpu.memory_space<vmem>>, vector<16xi32>,
    %swap3A_474 = vector.shape_cast %swap3A_473 : vector<16xi32> to vector<16xi32>
    %swap3A_475 = vector.shape_cast %mul3A_460 : vector<16xi32> to vector<16xi32>
    tpu.vector_store %arg11[%swap3A_472], %swap3A_475 {strides = array<i32>} : memref<512xi32, #tpu.memory_space<vmem>>, vector<16xi32>,
    %add3A_476 = arith.constant 1 : i32
    %add3A_477 = vector.broadcast %add3A_476 : i32 to vector<16xi32>
    %add3A_478 = arith.addi %mul3A_460, %add3A_477 : vector<16xi32>
    %swap3A_479 = arith.constant 208 : index
    %swap3A_480 = tpu.vector_load %arg12[%swap3A_479] {strides = array<i32>} : memref<512xi32, #tpu.memory_space<vmem>>, vector<16xi32>,
    %swap3A_481 = vector.shape_cast %swap3A_480 : vector<16xi32> to vector<16xi32>
    %swap3A_482 = vector.shape_cast %add3A_478 : vector<16xi32> to vector<16xi32>
    tpu.vector_store %arg12[%swap3A_479], %swap3A_482 {strides = array<i32>} : memref<512xi32, #tpu.memory_space<vmem>>, vector<16xi32>,
    %get3A_483 = arith.constant 224 : index
    %get3A_484 = tpu.vector_load %arg7[%get3A_483] {strides = array<i32>} : memref<512xi32, #tpu.memory_space<vmem>>, vector<16xi32>,
    %get3A_485 = vector.shape_cast %get3A_484 : vector<16xi32> to vector<16xi32>
    %mul3A_486 = arith.constant 128 : i32
    %mul3A_487 = vector.broadcast %mul3A_486 : i32 to vector<16xi32>
    %mul3A_488 = arith.muli %get3A_485, %mul3A_487 : vector<16xi32>
    %get3A_489 = arith.constant 224 : index
    %get3A_490 = tpu.vector_load %arg8[%get3A_489] {strides = array<i32>} : memref<512xi32, #tpu.memory_space<vmem>>, vector<16xi32>,
    %get3A_491 = vector.shape_cast %get3A_490 : vector<16xi32> to vector<16xi32>
    %mul3A_492 = arith.constant 128 : i32
    %mul3A_493 = vector.broadcast %mul3A_492 : i32 to vector<16xi32>
    %mul3A_494 = arith.muli %get3A_491, %mul3A_493 : vector<16xi32>
    %swap3A_495 = arith.constant 224 : index
    %swap3A_496 = tpu.vector_load %arg9[%swap3A_495] {strides = array<i32>} : memref<512xi32, #tpu.memory_space<vmem>>, vector<16xi32>,
    %swap3A_497 = vector.shape_cast %swap3A_496 : vector<16xi32> to vector<16xi32>
    %swap3A_498 = vector.shape_cast %mul3A_488 : vector<16xi32> to vector<16xi32>
    tpu.vector_store %arg9[%swap3A_495], %swap3A_498 {strides = array<i32>} : memref<512xi32, #tpu.memory_space<vmem>>, vector<16xi32>,
    %add3A_499 = arith.constant 1 : i32
    %add3A_500 = vector.broadcast %add3A_499 : i32 to vector<16xi32>
    %add3A_501 = arith.addi %mul3A_488, %add3A_500 : vector<16xi32>
    %swap3A_502 = arith.constant 224 : index
    %swap3A_503 = tpu.vector_load %arg10[%swap3A_502] {strides = array<i32>} : memref<512xi32, #tpu.memory_space<vmem>>, vector<16xi32>,
    %swap3A_504 = vector.shape_cast %swap3A_503 : vector<16xi32> to vector<16xi32>
    %swap3A_505 = vector.shape_cast %add3A_501 : vector<16xi32> to vector<16xi32>
    tpu.vector_store %arg10[%swap3A_502], %swap3A_505 {strides = array<i32>} : memref<512xi32, #tpu.memory_space<vmem>>, vector<16xi32>,
    %swap3A_506 = arith.constant 224 : index
    %swap3A_507 = tpu.vector_load %arg11[%swap3A_506] {strides = array<i32>} : memref<512xi32, #tpu.memory_space<vmem>>, vector<16xi32>,
    %swap3A_508 = vector.shape_cast %swap3A_507 : vector<16xi32> to vector<16xi32>
    %swap3A_509 = vector.shape_cast %mul3A_494 : vector<16xi32> to vector<16xi32>
    tpu.vector_store %arg11[%swap3A_506], %swap3A_509 {strides = array<i32>} : memref<512xi32, #tpu.memory_space<vmem>>, vector<16xi32>,
    %add3A_510 = arith.constant 1 : i32
    %add3A_511 = vector.broadcast %add3A_510 : i32 to vector<16xi32>
    %add3A_512 = arith.addi %mul3A_494, %add3A_511 : vector<16xi32>
    %swap3A_513 = arith.constant 224 : index
    %swap3A_514 = tpu.vector_load %arg12[%swap3A_513] {strides = array<i32>} : memref<512xi32, #tpu.memory_space<vmem>>, vector<16xi32>,
    %swap3A_515 = vector.shape_cast %swap3A_514 : vector<16xi32> to vector<16xi32>
    %swap3A_516 = vector.shape_cast %add3A_512 : vector<16xi32> to vector<16xi32>
    tpu.vector_store %arg12[%swap3A_513], %swap3A_516 {strides = array<i32>} : memref<512xi32, #tpu.memory_space<vmem>>, vector<16xi32>,
    %get3A_517 = arith.constant 240 : index
    %get3A_518 = tpu.vector_load %arg7[%get3A_517] {strides = array<i32>} : memref<512xi32, #tpu.memory_space<vmem>>, vector<16xi32>,
    %get3A_519 = vector.shape_cast %get3A_518 : vector<16xi32> to vector<16xi32>
    %mul3A_520 = arith.constant 128 : i32
    %mul3A_521 = vector.broadcast %mul3A_520 : i32 to vector<16xi32>
    %mul3A_522 = arith.muli %get3A_519, %mul3A_521 : vector<16xi32>
    %get3A_523 = arith.constant 240 : index
    %get3A_524 = tpu.vector_load %arg8[%get3A_523] {strides = array<i32>} : memref<512xi32, #tpu.memory_space<vmem>>, vector<16xi32>,
    %get3A_525 = vector.shape_cast %get3A_524 : vector<16xi32> to vector<16xi32>
    %mul3A_526 = arith.constant 128 : i32
    %mul3A_527 = vector.broadcast %mul3A_526 : i32 to vector<16xi32>
    %mul3A_528 = arith.muli %get3A_525, %mul3A_527 : vector<16xi32>
    %swap3A_529 = arith.constant 240 : index
    %swap3A_530 = tpu.vector_load %arg9[%swap3A_529] {strides = array<i32>} : memref<512xi32, #tpu.memory_space<vmem>>, vector<16xi32>,
    %swap3A_531 = vector.shape_cast %swap3A_530 : vector<16xi32> to vector<16xi32>
    %swap3A_532 = vector.shape_cast %mul3A_522 : vector<16xi32> to vector<16xi32>
    tpu.vector_store %arg9[%swap3A_529], %swap3A_532 {strides = array<i32>} : memref<512xi32, #tpu.memory_space<vmem>>, vector<16xi32>,
    %add3A_533 = arith.constant 1 : i32
    %add3A_534 = vector.broadcast %add3A_533 : i32 to vector<16xi32>
    %add3A_535 = arith.addi %mul3A_522, %add3A_534 : vector<16xi32>
    %swap3A_536 = arith.constant 240 : index
    %swap3A_537 = tpu.vector_load %arg10[%swap3A_536] {strides = array<i32>} : memref<512xi32, #tpu.memory_space<vmem>>, vector<16xi32>,
    %swap3A_538 = vector.shape_cast %swap3A_537 : vector<16xi32> to vector<16xi32>
    %swap3A_539 = vector.shape_cast %add3A_535 : vector<16xi32> to vector<16xi32>
    tpu.vector_store %arg10[%swap3A_536], %swap3A_539 {strides = array<i32>} : memref<512xi32, #tpu.memory_space<vmem>>, vector<16xi32>,
    %swap3A_540 = arith.constant 240 : index
    %swap3A_541 = tpu.vector_load %arg11[%swap3A_540] {strides = array<i32>} : memref<512xi32, #tpu.memory_space<vmem>>, vector<16xi32>,
    %swap3A_542 = vector.shape_cast %swap3A_541 : vector<16xi32> to vector<16xi32>
    %swap3A_543 = vector.shape_cast %mul3A_528 : vector<16xi32> to vector<16xi32>
    tpu.vector_store %arg11[%swap3A_540], %swap3A_543 {strides = array<i32>} : memref<512xi32, #tpu.memory_space<vmem>>, vector<16xi32>,
    %add3A_544 = arith.constant 1 : i32
    %add3A_545 = vector.broadcast %add3A_544 : i32 to vector<16xi32>
    %add3A_546 = arith.addi %mul3A_528, %add3A_545 : vector<16xi32>
    %swap3A_547 = arith.constant 240 : index
    %swap3A_548 = tpu.vector_load %arg12[%swap3A_547] {strides = array<i32>} : memref<512xi32, #tpu.memory_space<vmem>>, vector<16xi32>,
    %swap3A_549 = vector.shape_cast %swap3A_548 : vector<16xi32> to vector<16xi32>
    %swap3A_550 = vector.shape_cast %add3A_546 : vector<16xi32> to vector<16xi32>
    tpu.vector_store %arg12[%swap3A_547], %swap3A_550 {strides = array<i32>} : memref<512xi32, #tpu.memory_space<vmem>>, vector<16xi32>,
    %get3A_551 = arith.constant 256 : index
    %get3A_552 = tpu.vector_load %arg7[%get3A_551] {strides = array<i32>} : memref<512xi32, #tpu.memory_space<vmem>>, vector<16xi32>,
    %get3A_553 = vector.shape_cast %get3A_552 : vector<16xi32> to vector<16xi32>
    %mul3A_554 = arith.constant 128 : i32
    %mul3A_555 = vector.broadcast %mul3A_554 : i32 to vector<16xi32>
    %mul3A_556 = arith.muli %get3A_553, %mul3A_555 : vector<16xi32>
    %get3A_557 = arith.constant 256 : index
    %get3A_558 = tpu.vector_load %arg8[%get3A_557] {strides = array<i32>} : memref<512xi32, #tpu.memory_space<vmem>>, vector<16xi32>,
    %get3A_559 = vector.shape_cast %get3A_558 : vector<16xi32> to vector<16xi32>
    %mul3A_560 = arith.constant 128 : i32
    %mul3A_561 = vector.broadcast %mul3A_560 : i32 to vector<16xi32>
    %mul3A_562 = arith.muli %get3A_559, %mul3A_561 : vector<16xi32>
    %swap3A_563 = arith.constant 256 : index
    %swap3A_564 = tpu.vector_load %arg9[%swap3A_563] {strides = array<i32>} : memref<512xi32, #tpu.memory_space<vmem>>, vector<16xi32>,
    %swap3A_565 = vector.shape_cast %swap3A_564 : vector<16xi32> to vector<16xi32>
    %swap3A_566 = vector.shape_cast %mul3A_556 : vector<16xi32> to vector<16xi32>
    tpu.vector_store %arg9[%swap3A_563], %swap3A_566 {strides = array<i32>} : memref<512xi32, #tpu.memory_space<vmem>>, vector<16xi32>,
    %add3A_567 = arith.constant 1 : i32
    %add3A_568 = vector.broadcast %add3A_567 : i32 to vector<16xi32>
    %add3A_569 = arith.addi %mul3A_556, %add3A_568 : vector<16xi32>
    %swap3A_570 = arith.constant 256 : index
    %swap3A_571 = tpu.vector_load %arg10[%swap3A_570] {strides = array<i32>} : memref<512xi32, #tpu.memory_space<vmem>>, vector<16xi32>,
    %swap3A_572 = vector.shape_cast %swap3A_571 : vector<16xi32> to vector<16xi32>
    %swap3A_573 = vector.shape_cast %add3A_569 : vector<16xi32> to vector<16xi32>
    tpu.vector_store %arg10[%swap3A_570], %swap3A_573 {strides = array<i32>} : memref<512xi32, #tpu.memory_space<vmem>>, vector<16xi32>,
    %swap3A_574 = arith.constant 256 : index
    %swap3A_575 = tpu.vector_load %arg11[%swap3A_574] {strides = array<i32>} : memref<512xi32, #tpu.memory_space<vmem>>, vector<16xi32>,
    %swap3A_576 = vector.shape_cast %swap3A_575 : vector<16xi32> to vector<16xi32>
    %swap3A_577 = vector.shape_cast %mul3A_562 : vector<16xi32> to vector<16xi32>
    tpu.vector_store %arg11[%swap3A_574], %swap3A_577 {strides = array<i32>} : memref<512xi32, #tpu.memory_space<vmem>>, vector<16xi32>,
    %add3A_578 = arith.constant 1 : i32
    %add3A_579 = vector.broadcast %add3A_578 : i32 to vector<16xi32>
    %add3A_580 = arith.addi %mul3A_562, %add3A_579 : vector<16xi32>
    %swap3A_581 = arith.constant 256 : index
    %swap3A_582 = tpu.vector_load %arg12[%swap3A_581] {strides = array<i32>} : memref<512xi32, #tpu.memory_space<vmem>>, vector<16xi32>,
    %swap3A_583 = vector.shape_cast %swap3A_582 : vector<16xi32> to vector<16xi32>
    %swap3A_584 = vector.shape_cast %add3A_580 : vector<16xi32> to vector<16xi32>
    tpu.vector_store %arg12[%swap3A_581], %swap3A_584 {strides = array<i32>} : memref<512xi32, #tpu.memory_space<vmem>>, vector<16xi32>,
    %get3A_585 = arith.constant 272 : index
    %get3A_586 = tpu.vector_load %arg7[%get3A_585] {strides = array<i32>} : memref<512xi32, #tpu.memory_space<vmem>>, vector<16xi32>,
    %get3A_587 = vector.shape_cast %get3A_586 : vector<16xi32> to vector<16xi32>
    %mul3A_588 = arith.constant 128 : i32
    %mul3A_589 = vector.broadcast %mul3A_588 : i32 to vector<16xi32>
    %mul3A_590 = arith.muli %get3A_587, %mul3A_589 : vector<16xi32>
    %get3A_591 = arith.constant 272 : index
    %get3A_592 = tpu.vector_load %arg8[%get3A_591] {strides = array<i32>} : memref<512xi32, #tpu.memory_space<vmem>>, vector<16xi32>,
    %get3A_593 = vector.shape_cast %get3A_592 : vector<16xi32> to vector<16xi32>
    %mul3A_594 = arith.constant 128 : i32
    %mul3A_595 = vector.broadcast %mul3A_594 : i32 to vector<16xi32>
    %mul3A_596 = arith.muli %get3A_593, %mul3A_595 : vector<16xi32>
    %swap3A_597 = arith.constant 272 : index
    %swap3A_598 = tpu.vector_load %arg9[%swap3A_597] {strides = array<i32>} : memref<512xi32, #tpu.memory_space<vmem>>, vector<16xi32>,
    %swap3A_599 = vector.shape_cast %swap3A_598 : vector<16xi32> to vector<16xi32>
    %swap3A_600 = vector.shape_cast %mul3A_590 : vector<16xi32> to vector<16xi32>
    tpu.vector_store %arg9[%swap3A_597], %swap3A_600 {strides = array<i32>} : memref<512xi32, #tpu.memory_space<vmem>>, vector<16xi32>,
    %add3A_601 = arith.constant 1 : i32
    %add3A_602 = vector.broadcast %add3A_601 : i32 to vector<16xi32>
    %add3A_603 = arith.addi %mul3A_590, %add3A_602 : vector<16xi32>
    %swap3A_604 = arith.constant 272 : index
    %swap3A_605 = tpu.vector_load %arg10[%swap3A_604] {strides = array<i32>} : memref<512xi32, #tpu.memory_space<vmem>>, vector<16xi32>,
    %swap3A_606 = vector.shape_cast %swap3A_605 : vector<16xi32> to vector<16xi32>
    %swap3A_607 = vector.shape_cast %add3A_603 : vector<16xi32> to vector<16xi32>
    tpu.vector_store %arg10[%swap3A_604], %swap3A_607 {strides = array<i32>} : memref<512xi32, #tpu.memory_space<vmem>>, vector<16xi32>,
    %swap3A_608 = arith.constant 272 : index
    %swap3A_609 = tpu.vector_load %arg11[%swap3A_608] {strides = array<i32>} : memref<512xi32, #tpu.memory_space<vmem>>, vector<16xi32>,
    %swap3A_610 = vector.shape_cast %swap3A_609 : vector<16xi32> to vector<16xi32>
    %swap3A_611 = vector.shape_cast %mul3A_596 : vector<16xi32> to vector<16xi32>
    tpu.vector_store %arg11[%swap3A_608], %swap3A_611 {strides = array<i32>} : memref<512xi32, #tpu.memory_space<vmem>>, vector<16xi32>,
    %add3A_612 = arith.constant 1 : i32
    %add3A_613 = vector.broadcast %add3A_612 : i32 to vector<16xi32>
    %add3A_614 = arith.addi %mul3A_596, %add3A_613 : vector<16xi32>
    %swap3A_615 = arith.constant 272 : index
    %swap3A_616 = tpu.vector_load %arg12[%swap3A_615] {strides = array<i32>} : memref<512xi32, #tpu.memory_space<vmem>>, vector<16xi32>,
    %swap3A_617 = vector.shape_cast %swap3A_616 : vector<16xi32> to vector<16xi32>
    %swap3A_618 = vector.shape_cast %add3A_614 : vector<16xi32> to vector<16xi32>
    tpu.vector_store %arg12[%swap3A_615], %swap3A_618 {strides = array<i32>} : memref<512xi32, #tpu.memory_space<vmem>>, vector<16xi32>,
    %get3A_619 = arith.constant 288 : index
    %get3A_620 = tpu.vector_load %arg7[%get3A_619] {strides = array<i32>} : memref<512xi32, #tpu.memory_space<vmem>>, vector<16xi32>,
    %get3A_621 = vector.shape_cast %get3A_620 : vector<16xi32> to vector<16xi32>
    %mul3A_622 = arith.constant 128 : i32
    %mul3A_623 = vector.broadcast %mul3A_622 : i32 to vector<16xi32>
    %mul3A_624 = arith.muli %get3A_621, %mul3A_623 : vector<16xi32>
    %get3A_625 = arith.constant 288 : index
    %get3A_626 = tpu.vector_load %arg8[%get3A_625] {strides = array<i32>} : memref<512xi32, #tpu.memory_space<vmem>>, vector<16xi32>,
    %get3A_627 = vector.shape_cast %get3A_626 : vector<16xi32> to vector<16xi32>
    %mul3A_628 = arith.constant 128 : i32
    %mul3A_629 = vector.broadcast %mul3A_628 : i32 to vector<16xi32>
    %mul3A_630 = arith.muli %get3A_627, %mul3A_629 : vector<16xi32>
    %swap3A_631 = arith.constant 288 : index
    %swap3A_632 = tpu.vector_load %arg9[%swap3A_631] {strides = array<i32>} : memref<512xi32, #tpu.memory_space<vmem>>, vector<16xi32>,
    %swap3A_633 = vector.shape_cast %swap3A_632 : vector<16xi32> to vector<16xi32>
    %swap3A_634 = vector.shape_cast %mul3A_624 : vector<16xi32> to vector<16xi32>
    tpu.vector_store %arg9[%swap3A_631], %swap3A_634 {strides = array<i32>} : memref<512xi32, #tpu.memory_space<vmem>>, vector<16xi32>,
    %add3A_635 = arith.constant 1 : i32
    %add3A_636 = vector.broadcast %add3A_635 : i32 to vector<16xi32>
    %add3A_637 = arith.addi %mul3A_624, %add3A_636 : vector<16xi32>
    %swap3A_638 = arith.constant 288 : index
    %swap3A_639 = tpu.vector_load %arg10[%swap3A_638] {strides = array<i32>} : memref<512xi32, #tpu.memory_space<vmem>>, vector<16xi32>,
    %swap3A_640 = vector.shape_cast %swap3A_639 : vector<16xi32> to vector<16xi32>
    %swap3A_641 = vector.shape_cast %add3A_637 : vector<16xi32> to vector<16xi32>
    tpu.vector_store %arg10[%swap3A_638], %swap3A_641 {strides = array<i32>} : memref<512xi32, #tpu.memory_space<vmem>>, vector<16xi32>,
    %swap3A_642 = arith.constant 288 : index
    %swap3A_643 = tpu.vector_load %arg11[%swap3A_642] {strides = array<i32>} : memref<512xi32, #tpu.memory_space<vmem>>, vector<16xi32>,
    %swap3A_644 = vector.shape_cast %swap3A_643 : vector<16xi32> to vector<16xi32>
    %swap3A_645 = vector.shape_cast %mul3A_630 : vector<16xi32> to vector<16xi32>
    tpu.vector_store %arg11[%swap3A_642], %swap3A_645 {strides = array<i32>} : memref<512xi32, #tpu.memory_space<vmem>>, vector<16xi32>,
    %add3A_646 = arith.constant 1 : i32
    %add3A_647 = vector.broadcast %add3A_646 : i32 to vector<16xi32>
    %add3A_648 = arith.addi %mul3A_630, %add3A_647 : vector<16xi32>
    %swap3A_649 = arith.constant 288 : index
    %swap3A_650 = tpu.vector_load %arg12[%swap3A_649] {strides = array<i32>} : memref<512xi32, #tpu.memory_space<vmem>>, vector<16xi32>,
    %swap3A_651 = vector.shape_cast %swap3A_650 : vector<16xi32> to vector<16xi32>
    %swap3A_652 = vector.shape_cast %add3A_648 : vector<16xi32> to vector<16xi32>
    tpu.vector_store %arg12[%swap3A_649], %swap3A_652 {strides = array<i32>} : memref<512xi32, #tpu.memory_space<vmem>>, vector<16xi32>,
    %get3A_653 = arith.constant 304 : index
    %get3A_654 = tpu.vector_load %arg7[%get3A_653] {strides = array<i32>} : memref<512xi32, #tpu.memory_space<vmem>>, vector<16xi32>,
    %get3A_655 = vector.shape_cast %get3A_654 : vector<16xi32> to vector<16xi32>
    %mul3A_656 = arith.constant 128 : i32
    %mul3A_657 = vector.broadcast %mul3A_656 : i32 to vector<16xi32>
    %mul3A_658 = arith.muli %get3A_655, %mul3A_657 : vector<16xi32>
    %get3A_659 = arith.constant 304 : index
    %get3A_660 = tpu.vector_load %arg8[%get3A_659] {strides = array<i32>} : memref<512xi32, #tpu.memory_space<vmem>>, vector<16xi32>,
    %get3A_661 = vector.shape_cast %get3A_660 : vector<16xi32> to vector<16xi32>
    %mul3A_662 = arith.constant 128 : i32
    %mul3A_663 = vector.broadcast %mul3A_662 : i32 to vector<16xi32>
    %mul3A_664 = arith.muli %get3A_661, %mul3A_663 : vector<16xi32>
    %swap3A_665 = arith.constant 304 : index
    %swap3A_666 = tpu.vector_load %arg9[%swap3A_665] {strides = array<i32>} : memref<512xi32, #tpu.memory_space<vmem>>, vector<16xi32>,
    %swap3A_667 = vector.shape_cast %swap3A_666 : vector<16xi32> to vector<16xi32>
    %swap3A_668 = vector.shape_cast %mul3A_658 : vector<16xi32> to vector<16xi32>
    tpu.vector_store %arg9[%swap3A_665], %swap3A_668 {strides = array<i32>} : memref<512xi32, #tpu.memory_space<vmem>>, vector<16xi32>,
    %add3A_669 = arith.constant 1 : i32
    %add3A_670 = vector.broadcast %add3A_669 : i32 to vector<16xi32>
    %add3A_671 = arith.addi %mul3A_658, %add3A_670 : vector<16xi32>
    %swap3A_672 = arith.constant 304 : index
    %swap3A_673 = tpu.vector_load %arg10[%swap3A_672] {strides = array<i32>} : memref<512xi32, #tpu.memory_space<vmem>>, vector<16xi32>,
    %swap3A_674 = vector.shape_cast %swap3A_673 : vector<16xi32> to vector<16xi32>
    %swap3A_675 = vector.shape_cast %add3A_671 : vector<16xi32> to vector<16xi32>
    tpu.vector_store %arg10[%swap3A_672], %swap3A_675 {strides = array<i32>} : memref<512xi32, #tpu.memory_space<vmem>>, vector<16xi32>,
    %swap3A_676 = arith.constant 304 : index
    %swap3A_677 = tpu.vector_load %arg11[%swap3A_676] {strides = array<i32>} : memref<512xi32, #tpu.memory_space<vmem>>, vector<16xi32>,
    %swap3A_678 = vector.shape_cast %swap3A_677 : vector<16xi32> to vector<16xi32>
    %swap3A_679 = vector.shape_cast %mul3A_664 : vector<16xi32> to vector<16xi32>
    tpu.vector_store %arg11[%swap3A_676], %swap3A_679 {strides = array<i32>} : memref<512xi32, #tpu.memory_space<vmem>>, vector<16xi32>,
    %add3A_680 = arith.constant 1 : i32
    %add3A_681 = vector.broadcast %add3A_680 : i32 to vector<16xi32>
    %add3A_682 = arith.addi %mul3A_664, %add3A_681 : vector<16xi32>
    %swap3A_683 = arith.constant 304 : index
    %swap3A_684 = tpu.vector_load %arg12[%swap3A_683] {strides = array<i32>} : memref<512xi32, #tpu.memory_space<vmem>>, vector<16xi32>,
    %swap3A_685 = vector.shape_cast %swap3A_684 : vector<16xi32> to vector<16xi32>
    %swap3A_686 = vector.shape_cast %add3A_682 : vector<16xi32> to vector<16xi32>
    tpu.vector_store %arg12[%swap3A_683], %swap3A_686 {strides = array<i32>} : memref<512xi32, #tpu.memory_space<vmem>>, vector<16xi32>,
    %get3A_687 = arith.constant 320 : index
    %get3A_688 = tpu.vector_load %arg7[%get3A_687] {strides = array<i32>} : memref<512xi32, #tpu.memory_space<vmem>>, vector<16xi32>,
    %get3A_689 = vector.shape_cast %get3A_688 : vector<16xi32> to vector<16xi32>
    %mul3A_690 = arith.constant 128 : i32
    %mul3A_691 = vector.broadcast %mul3A_690 : i32 to vector<16xi32>
    %mul3A_692 = arith.muli %get3A_689, %mul3A_691 : vector<16xi32>
    %get3A_693 = arith.constant 320 : index
    %get3A_694 = tpu.vector_load %arg8[%get3A_693] {strides = array<i32>} : memref<512xi32, #tpu.memory_space<vmem>>, vector<16xi32>,
    %get3A_695 = vector.shape_cast %get3A_694 : vector<16xi32> to vector<16xi32>
    %mul3A_696 = arith.constant 128 : i32
    %mul3A_697 = vector.broadcast %mul3A_696 : i32 to vector<16xi32>
    %mul3A_698 = arith.muli %get3A_695, %mul3A_697 : vector<16xi32>
    %swap3A_699 = arith.constant 320 : index
    %swap3A_700 = tpu.vector_load %arg9[%swap3A_699] {strides = array<i32>} : memref<512xi32, #tpu.memory_space<vmem>>, vector<16xi32>,
    %swap3A_701 = vector.shape_cast %swap3A_700 : vector<16xi32> to vector<16xi32>
    %swap3A_702 = vector.shape_cast %mul3A_692 : vector<16xi32> to vector<16xi32>
    tpu.vector_store %arg9[%swap3A_699], %swap3A_702 {strides = array<i32>} : memref<512xi32, #tpu.memory_space<vmem>>, vector<16xi32>,
    %add3A_703 = arith.constant 1 : i32
    %add3A_704 = vector.broadcast %add3A_703 : i32 to vector<16xi32>
    %add3A_705 = arith.addi %mul3A_692, %add3A_704 : vector<16xi32>
    %swap3A_706 = arith.constant 320 : index
    %swap3A_707 = tpu.vector_load %arg10[%swap3A_706] {strides = array<i32>} : memref<512xi32, #tpu.memory_space<vmem>>, vector<16xi32>,
    %swap3A_708 = vector.shape_cast %swap3A_707 : vector<16xi32> to vector<16xi32>
    %swap3A_709 = vector.shape_cast %add3A_705 : vector<16xi32> to vector<16xi32>
    tpu.vector_store %arg10[%swap3A_706], %swap3A_709 {strides = array<i32>} : memref<512xi32, #tpu.memory_space<vmem>>, vector<16xi32>,
    %swap3A_710 = arith.constant 320 : index
    %swap3A_711 = tpu.vector_load %arg11[%swap3A_710] {strides = array<i32>} : memref<512xi32, #tpu.memory_space<vmem>>, vector<16xi32>,
    %swap3A_712 = vector.shape_cast %swap3A_711 : vector<16xi32> to vector<16xi32>
    %swap3A_713 = vector.shape_cast %mul3A_698 : vector<16xi32> to vector<16xi32>
    tpu.vector_store %arg11[%swap3A_710], %swap3A_713 {strides = array<i32>} : memref<512xi32, #tpu.memory_space<vmem>>, vector<16xi32>,
    %add3A_714 = arith.constant 1 : i32
    %add3A_715 = vector.broadcast %add3A_714 : i32 to vector<16xi32>
    %add3A_716 = arith.addi %mul3A_698, %add3A_715 : vector<16xi32>
    %swap3A_717 = arith.constant 320 : index
    %swap3A_718 = tpu.vector_load %arg12[%swap3A_717] {strides = array<i32>} : memref<512xi32, #tpu.memory_space<vmem>>, vector<16xi32>,
    %swap3A_719 = vector.shape_cast %swap3A_718 : vector<16xi32> to vector<16xi32>
    %swap3A_720 = vector.shape_cast %add3A_716 : vector<16xi32> to vector<16xi32>
    tpu.vector_store %arg12[%swap3A_717], %swap3A_720 {strides = array<i32>} : memref<512xi32, #tpu.memory_space<vmem>>, vector<16xi32>,
    %get3A_721 = arith.constant 336 : index
    %get3A_722 = tpu.vector_load %arg7[%get3A_721] {strides = array<i32>} : memref<512xi32, #tpu.memory_space<vmem>>, vector<16xi32>,
    %get3A_723 = vector.shape_cast %get3A_722 : vector<16xi32> to vector<16xi32>
    %mul3A_724 = arith.constant 128 : i32
    %mul3A_725 = vector.broadcast %mul3A_724 : i32 to vector<16xi32>
    %mul3A_726 = arith.muli %get3A_723, %mul3A_725 : vector<16xi32>
    %get3A_727 = arith.constant 336 : index
    %get3A_728 = tpu.vector_load %arg8[%get3A_727] {strides = array<i32>} : memref<512xi32, #tpu.memory_space<vmem>>, vector<16xi32>,
    %get3A_729 = vector.shape_cast %get3A_728 : vector<16xi32> to vector<16xi32>
    %mul3A_730 = arith.constant 128 : i32
    %mul3A_731 = vector.broadcast %mul3A_730 : i32 to vector<16xi32>
    %mul3A_732 = arith.muli %get3A_729, %mul3A_731 : vector<16xi32>
    %swap3A_733 = arith.constant 336 : index
    %swap3A_734 = tpu.vector_load %arg9[%swap3A_733] {strides = array<i32>} : memref<512xi32, #tpu.memory_space<vmem>>, vector<16xi32>,
    %swap3A_735 = vector.shape_cast %swap3A_734 : vector<16xi32> to vector<16xi32>
    %swap3A_736 = vector.shape_cast %mul3A_726 : vector<16xi32> to vector<16xi32>
    tpu.vector_store %arg9[%swap3A_733], %swap3A_736 {strides = array<i32>} : memref<512xi32, #tpu.memory_space<vmem>>, vector<16xi32>,
    %add3A_737 = arith.constant 1 : i32
    %add3A_738 = vector.broadcast %add3A_737 : i32 to vector<16xi32>
    %add3A_739 = arith.addi %mul3A_726, %add3A_738 : vector<16xi32>
    %swap3A_740 = arith.constant 336 : index
    %swap3A_741 = tpu.vector_load %arg10[%swap3A_740] {strides = array<i32>} : memref<512xi32, #tpu.memory_space<vmem>>, vector<16xi32>,
    %swap3A_742 = vector.shape_cast %swap3A_741 : vector<16xi32> to vector<16xi32>
    %swap3A_743 = vector.shape_cast %add3A_739 : vector<16xi32> to vector<16xi32>
    tpu.vector_store %arg10[%swap3A_740], %swap3A_743 {strides = array<i32>} : memref<512xi32, #tpu.memory_space<vmem>>, vector<16xi32>,
    %swap3A_744 = arith.constant 336 : index
    %swap3A_745 = tpu.vector_load %arg11[%swap3A_744] {strides = array<i32>} : memref<512xi32, #tpu.memory_space<vmem>>, vector<16xi32>,
    %swap3A_746 = vector.shape_cast %swap3A_745 : vector<16xi32> to vector<16xi32>
    %swap3A_747 = vector.shape_cast %mul3A_732 : vector<16xi32> to vector<16xi32>
    tpu.vector_store %arg11[%swap3A_744], %swap3A_747 {strides = array<i32>} : memref<512xi32, #tpu.memory_space<vmem>>, vector<16xi32>,
    %add3A_748 = arith.constant 1 : i32
    %add3A_749 = vector.broadcast %add3A_748 : i32 to vector<16xi32>
    %add3A_750 = arith.addi %mul3A_732, %add3A_749 : vector<16xi32>
    %swap3A_751 = arith.constant 336 : index
    %swap3A_752 = tpu.vector_load %arg12[%swap3A_751] {strides = array<i32>} : memref<512xi32, #tpu.memory_space<vmem>>, vector<16xi32>,
    %swap3A_753 = vector.shape_cast %swap3A_752 : vector<16xi32> to vector<16xi32>
    %swap3A_754 = vector.shape_cast %add3A_750 : vector<16xi32> to vector<16xi32>
    tpu.vector_store %arg12[%swap3A_751], %swap3A_754 {strides = array<i32>} : memref<512xi32, #tpu.memory_space<vmem>>, vector<16xi32>,
    %get3A_755 = arith.constant 352 : index
    %get3A_756 = tpu.vector_load %arg7[%get3A_755] {strides = array<i32>} : memref<512xi32, #tpu.memory_space<vmem>>, vector<16xi32>,
    %get3A_757 = vector.shape_cast %get3A_756 : vector<16xi32> to vector<16xi32>
    %mul3A_758 = arith.constant 128 : i32
    %mul3A_759 = vector.broadcast %mul3A_758 : i32 to vector<16xi32>
    %mul3A_760 = arith.muli %get3A_757, %mul3A_759 : vector<16xi32>
    %get3A_761 = arith.constant 352 : index
    %get3A_762 = tpu.vector_load %arg8[%get3A_761] {strides = array<i32>} : memref<512xi32, #tpu.memory_space<vmem>>, vector<16xi32>,
    %get3A_763 = vector.shape_cast %get3A_762 : vector<16xi32> to vector<16xi32>
    %mul3A_764 = arith.constant 128 : i32
    %mul3A_765 = vector.broadcast %mul3A_764 : i32 to vector<16xi32>
    %mul3A_766 = arith.muli %get3A_763, %mul3A_765 : vector<16xi32>
    %swap3A_767 = arith.constant 352 : index
    %swap3A_768 = tpu.vector_load %arg9[%swap3A_767] {strides = array<i32>} : memref<512xi32, #tpu.memory_space<vmem>>, vector<16xi32>,
    %swap3A_769 = vector.shape_cast %swap3A_768 : vector<16xi32> to vector<16xi32>
    %swap3A_770 = vector.shape_cast %mul3A_760 : vector<16xi32> to vector<16xi32>
    tpu.vector_store %arg9[%swap3A_767], %swap3A_770 {strides = array<i32>} : memref<512xi32, #tpu.memory_space<vmem>>, vector<16xi32>,
    %add3A_771 = arith.constant 1 : i32
    %add3A_772 = vector.broadcast %add3A_771 : i32 to vector<16xi32>
    %add3A_773 = arith.addi %mul3A_760, %add3A_772 : vector<16xi32>
    %swap3A_774 = arith.constant 352 : index
    %swap3A_775 = tpu.vector_load %arg10[%swap3A_774] {strides = array<i32>} : memref<512xi32, #tpu.memory_space<vmem>>, vector<16xi32>,
    %swap3A_776 = vector.shape_cast %swap3A_775 : vector<16xi32> to vector<16xi32>
    %swap3A_777 = vector.shape_cast %add3A_773 : vector<16xi32> to vector<16xi32>
    tpu.vector_store %arg10[%swap3A_774], %swap3A_777 {strides = array<i32>} : memref<512xi32, #tpu.memory_space<vmem>>, vector<16xi32>,
    %swap3A_778 = arith.constant 352 : index
    %swap3A_779 = tpu.vector_load %arg11[%swap3A_778] {strides = array<i32>} : memref<512xi32, #tpu.memory_space<vmem>>, vector<16xi32>,
    %swap3A_780 = vector.shape_cast %swap3A_779 : vector<16xi32> to vector<16xi32>
    %swap3A_781 = vector.shape_cast %mul3A_766 : vector<16xi32> to vector<16xi32>
    tpu.vector_store %arg11[%swap3A_778], %swap3A_781 {strides = array<i32>} : memref<512xi32, #tpu.memory_space<vmem>>, vector<16xi32>,
    %add3A_782 = arith.constant 1 : i32
    %add3A_783 = vector.broadcast %add3A_782 : i32 to vector<16xi32>
    %add3A_784 = arith.addi %mul3A_766, %add3A_783 : vector<16xi32>
    %swap3A_785 = arith.constant 352 : index
    %swap3A_786 = tpu.vector_load %arg12[%swap3A_785] {strides = array<i32>} : memref<512xi32, #tpu.memory_space<vmem>>, vector<16xi32>,
    %swap3A_787 = vector.shape_cast %swap3A_786 : vector<16xi32> to vector<16xi32>
    %swap3A_788 = vector.shape_cast %add3A_784 : vector<16xi32> to vector<16xi32>
    tpu.vector_store %arg12[%swap3A_785], %swap3A_788 {strides = array<i32>} : memref<512xi32, #tpu.memory_space<vmem>>, vector<16xi32>,
    %get3A_789 = arith.constant 368 : index
    %get3A_790 = tpu.vector_load %arg7[%get3A_789] {strides = array<i32>} : memref<512xi32, #tpu.memory_space<vmem>>, vector<16xi32>,
    %get3A_791 = vector.shape_cast %get3A_790 : vector<16xi32> to vector<16xi32>
    %mul3A_792 = arith.constant 128 : i32
    %mul3A_793 = vector.broadcast %mul3A_792 : i32 to vector<16xi32>
    %mul3A_794 = arith.muli %get3A_791, %mul3A_793 : vector<16xi32>
    %get3A_795 = arith.constant 368 : index
    %get3A_796 = tpu.vector_load %arg8[%get3A_795] {strides = array<i32>} : memref<512xi32, #tpu.memory_space<vmem>>, vector<16xi32>,
    %get3A_797 = vector.shape_cast %get3A_796 : vector<16xi32> to vector<16xi32>
    %mul3A_798 = arith.constant 128 : i32
    %mul3A_799 = vector.broadcast %mul3A_798 : i32 to vector<16xi32>
    %mul3A_800 = arith.muli %get3A_797, %mul3A_799 : vector<16xi32>
    %swap3A_801 = arith.constant 368 : index
    %swap3A_802 = tpu.vector_load %arg9[%swap3A_801] {strides = array<i32>} : memref<512xi32, #tpu.memory_space<vmem>>, vector<16xi32>,
    %swap3A_803 = vector.shape_cast %swap3A_802 : vector<16xi32> to vector<16xi32>
    %swap3A_804 = vector.shape_cast %mul3A_794 : vector<16xi32> to vector<16xi32>
    tpu.vector_store %arg9[%swap3A_801], %swap3A_804 {strides = array<i32>} : memref<512xi32, #tpu.memory_space<vmem>>, vector<16xi32>,
    %add3A_805 = arith.constant 1 : i32
    %add3A_806 = vector.broadcast %add3A_805 : i32 to vector<16xi32>
    %add3A_807 = arith.addi %mul3A_794, %add3A_806 : vector<16xi32>
    %swap3A_808 = arith.constant 368 : index
    %swap3A_809 = tpu.vector_load %arg10[%swap3A_808] {strides = array<i32>} : memref<512xi32, #tpu.memory_space<vmem>>, vector<16xi32>,
    %swap3A_810 = vector.shape_cast %swap3A_809 : vector<16xi32> to vector<16xi32>
    %swap3A_811 = vector.shape_cast %add3A_807 : vector<16xi32> to vector<16xi32>
    tpu.vector_store %arg10[%swap3A_808], %swap3A_811 {strides = array<i32>} : memref<512xi32, #tpu.memory_space<vmem>>, vector<16xi32>,
    %swap3A_812 = arith.constant 368 : index
    %swap3A_813 = tpu.vector_load %arg11[%swap3A_812] {strides = array<i32>} : memref<512xi32, #tpu.memory_space<vmem>>, vector<16xi32>,
    %swap3A_814 = vector.shape_cast %swap3A_813 : vector<16xi32> to vector<16xi32>
    %swap3A_815 = vector.shape_cast %mul3A_800 : vector<16xi32> to vector<16xi32>
    tpu.vector_store %arg11[%swap3A_812], %swap3A_815 {strides = array<i32>} : memref<512xi32, #tpu.memory_space<vmem>>, vector<16xi32>,
    %add3A_816 = arith.constant 1 : i32
    %add3A_817 = vector.broadcast %add3A_816 : i32 to vector<16xi32>
    %add3A_818 = arith.addi %mul3A_800, %add3A_817 : vector<16xi32>
    %swap3A_819 = arith.constant 368 : index
    %swap3A_820 = tpu.vector_load %arg12[%swap3A_819] {strides = array<i32>} : memref<512xi32, #tpu.memory_space<vmem>>, vector<16xi32>,
    %swap3A_821 = vector.shape_cast %swap3A_820 : vector<16xi32> to vector<16xi32>
    %swap3A_822 = vector.shape_cast %add3A_818 : vector<16xi32> to vector<16xi32>
    tpu.vector_store %arg12[%swap3A_819], %swap3A_822 {strides = array<i32>} : memref<512xi32, #tpu.memory_space<vmem>>, vector<16xi32>,
    %get3A_823 = arith.constant 384 : index
    %get3A_824 = tpu.vector_load %arg7[%get3A_823] {strides = array<i32>} : memref<512xi32, #tpu.memory_space<vmem>>, vector<16xi32>,
    %get3A_825 = vector.shape_cast %get3A_824 : vector<16xi32> to vector<16xi32>
    %mul3A_826 = arith.constant 128 : i32
    %mul3A_827 = vector.broadcast %mul3A_826 : i32 to vector<16xi32>
    %mul3A_828 = arith.muli %get3A_825, %mul3A_827 : vector<16xi32>
    %get3A_829 = arith.constant 384 : index
    %get3A_830 = tpu.vector_load %arg8[%get3A_829] {strides = array<i32>} : memref<512xi32, #tpu.memory_space<vmem>>, vector<16xi32>,
    %get3A_831 = vector.shape_cast %get3A_830 : vector<16xi32> to vector<16xi32>
    %mul3A_832 = arith.constant 128 : i32
    %mul3A_833 = vector.broadcast %mul3A_832 : i32 to vector<16xi32>
    %mul3A_834 = arith.muli %get3A_831, %mul3A_833 : vector<16xi32>
    %swap3A_835 = arith.constant 384 : index
    %swap3A_836 = tpu.vector_load %arg9[%swap3A_835] {strides = array<i32>} : memref<512xi32, #tpu.memory_space<vmem>>, vector<16xi32>,
    %swap3A_837 = vector.shape_cast %swap3A_836 : vector<16xi32> to vector<16xi32>
    %swap3A_838 = vector.shape_cast %mul3A_828 : vector<16xi32> to vector<16xi32>
    tpu.vector_store %arg9[%swap3A_835], %swap3A_838 {strides = array<i32>} : memref<512xi32, #tpu.memory_space<vmem>>, vector<16xi32>,
    %add3A_839 = arith.constant 1 : i32
    %add3A_840 = vector.broadcast %add3A_839 : i32 to vector<16xi32>
    %add3A_841 = arith.addi %mul3A_828, %add3A_840 : vector<16xi32>
    %swap3A_842 = arith.constant 384 : index
    %swap3A_843 = tpu.vector_load %arg10[%swap3A_842] {strides = array<i32>} : memref<512xi32, #tpu.memory_space<vmem>>, vector<16xi32>,
    %swap3A_844 = vector.shape_cast %swap3A_843 : vector<16xi32> to vector<16xi32>
    %swap3A_845 = vector.shape_cast %add3A_841 : vector<16xi32> to vector<16xi32>
    tpu.vector_store %arg10[%swap3A_842], %swap3A_845 {strides = array<i32>} : memref<512xi32, #tpu.memory_space<vmem>>, vector<16xi32>,
    %swap3A_846 = arith.constant 384 : index
    %swap3A_847 = tpu.vector_load %arg11[%swap3A_846] {strides = array<i32>} : memref<512xi32, #tpu.memory_space<vmem>>, vector<16xi32>,
    %swap3A_848 = vector.shape_cast %swap3A_847 : vector<16xi32> to vector<16xi32>
    %swap3A_849 = vector.shape_cast %mul3A_834 : vector<16xi32> to vector<16xi32>
    tpu.vector_store %arg11[%swap3A_846], %swap3A_849 {strides = array<i32>} : memref<512xi32, #tpu.memory_space<vmem>>, vector<16xi32>,
    %add3A_850 = arith.constant 1 : i32
    %add3A_851 = vector.broadcast %add3A_850 : i32 to vector<16xi32>
    %add3A_852 = arith.addi %mul3A_834, %add3A_851 : vector<16xi32>
    %swap3A_853 = arith.constant 384 : index
    %swap3A_854 = tpu.vector_load %arg12[%swap3A_853] {strides = array<i32>} : memref<512xi32, #tpu.memory_space<vmem>>, vector<16xi32>,
    %swap3A_855 = vector.shape_cast %swap3A_854 : vector<16xi32> to vector<16xi32>
    %swap3A_856 = vector.shape_cast %add3A_852 : vector<16xi32> to vector<16xi32>
    tpu.vector_store %arg12[%swap3A_853], %swap3A_856 {strides = array<i32>} : memref<512xi32, #tpu.memory_space<vmem>>, vector<16xi32>,
    %get3A_857 = arith.constant 400 : index
    %get3A_858 = tpu.vector_load %arg7[%get3A_857] {strides = array<i32>} : memref<512xi32, #tpu.memory_space<vmem>>, vector<16xi32>,
    %get3A_859 = vector.shape_cast %get3A_858 : vector<16xi32> to vector<16xi32>
    %mul3A_860 = arith.constant 128 : i32
    %mul3A_861 = vector.broadcast %mul3A_860 : i32 to vector<16xi32>
    %mul3A_862 = arith.muli %get3A_859, %mul3A_861 : vector<16xi32>
    %get3A_863 = arith.constant 400 : index
    %get3A_864 = tpu.vector_load %arg8[%get3A_863] {strides = array<i32>} : memref<512xi32, #tpu.memory_space<vmem>>, vector<16xi32>,
    %get3A_865 = vector.shape_cast %get3A_864 : vector<16xi32> to vector<16xi32>
    %mul3A_866 = arith.constant 128 : i32
    %mul3A_867 = vector.broadcast %mul3A_866 : i32 to vector<16xi32>
    %mul3A_868 = arith.muli %get3A_865, %mul3A_867 : vector<16xi32>
    %swap3A_869 = arith.constant 400 : index
    %swap3A_870 = tpu.vector_load %arg9[%swap3A_869] {strides = array<i32>} : memref<512xi32, #tpu.memory_space<vmem>>, vector<16xi32>,
    %swap3A_871 = vector.shape_cast %swap3A_870 : vector<16xi32> to vector<16xi32>
    %swap3A_872 = vector.shape_cast %mul3A_862 : vector<16xi32> to vector<16xi32>
    tpu.vector_store %arg9[%swap3A_869], %swap3A_872 {strides = array<i32>} : memref<512xi32, #tpu.memory_space<vmem>>, vector<16xi32>,
    %add3A_873 = arith.constant 1 : i32
    %add3A_874 = vector.broadcast %add3A_873 : i32 to vector<16xi32>
    %add3A_875 = arith.addi %mul3A_862, %add3A_874 : vector<16xi32>
    %swap3A_876 = arith.constant 400 : index
    %swap3A_877 = tpu.vector_load %arg10[%swap3A_876] {strides = array<i32>} : memref<512xi32, #tpu.memory_space<vmem>>, vector<16xi32>,
    %swap3A_878 = vector.shape_cast %swap3A_877 : vector<16xi32> to vector<16xi32>
    %swap3A_879 = vector.shape_cast %add3A_875 : vector<16xi32> to vector<16xi32>
    tpu.vector_store %arg10[%swap3A_876], %swap3A_879 {strides = array<i32>} : memref<512xi32, #tpu.memory_space<vmem>>, vector<16xi32>,
    %swap3A_880 = arith.constant 400 : index
    %swap3A_881 = tpu.vector_load %arg11[%swap3A_880] {strides = array<i32>} : memref<512xi32, #tpu.memory_space<vmem>>, vector<16xi32>,
    %swap3A_882 = vector.shape_cast %swap3A_881 : vector<16xi32> to vector<16xi32>
    %swap3A_883 = vector.shape_cast %mul3A_868 : vector<16xi32> to vector<16xi32>
    tpu.vector_store %arg11[%swap3A_880], %swap3A_883 {strides = array<i32>} : memref<512xi32, #tpu.memory_space<vmem>>, vector<16xi32>,
    %add3A_884 = arith.constant 1 : i32
    %add3A_885 = vector.broadcast %add3A_884 : i32 to vector<16xi32>
    %add3A_886 = arith.addi %mul3A_868, %add3A_885 : vector<16xi32>
    %swap3A_887 = arith.constant 400 : index
    %swap3A_888 = tpu.vector_load %arg12[%swap3A_887] {strides = array<i32>} : memref<512xi32, #tpu.memory_space<vmem>>, vector<16xi32>,
    %swap3A_889 = vector.shape_cast %swap3A_888 : vector<16xi32> to vector<16xi32>
    %swap3A_890 = vector.shape_cast %add3A_886 : vector<16xi32> to vector<16xi32>
    tpu.vector_store %arg12[%swap3A_887], %swap3A_890 {strides = array<i32>} : memref<512xi32, #tpu.memory_space<vmem>>, vector<16xi32>,
    %get3A_891 = arith.constant 416 : index
    %get3A_892 = tpu.vector_load %arg7[%get3A_891] {strides = array<i32>} : memref<512xi32, #tpu.memory_space<vmem>>, vector<16xi32>,
    %get3A_893 = vector.shape_cast %get3A_892 : vector<16xi32> to vector<16xi32>
    %mul3A_894 = arith.constant 128 : i32
    %mul3A_895 = vector.broadcast %mul3A_894 : i32 to vector<16xi32>
    %mul3A_896 = arith.muli %get3A_893, %mul3A_895 : vector<16xi32>
    %get3A_897 = arith.constant 416 : index
    %get3A_898 = tpu.vector_load %arg8[%get3A_897] {strides = array<i32>} : memref<512xi32, #tpu.memory_space<vmem>>, vector<16xi32>,
    %get3A_899 = vector.shape_cast %get3A_898 : vector<16xi32> to vector<16xi32>
    %mul3A_900 = arith.constant 128 : i32
    %mul3A_901 = vector.broadcast %mul3A_900 : i32 to vector<16xi32>
    %mul3A_902 = arith.muli %get3A_899, %mul3A_901 : vector<16xi32>
    %swap3A_903 = arith.constant 416 : index
    %swap3A_904 = tpu.vector_load %arg9[%swap3A_903] {strides = array<i32>} : memref<512xi32, #tpu.memory_space<vmem>>, vector<16xi32>,
    %swap3A_905 = vector.shape_cast %swap3A_904 : vector<16xi32> to vector<16xi32>
    %swap3A_906 = vector.shape_cast %mul3A_896 : vector<16xi32> to vector<16xi32>
    tpu.vector_store %arg9[%swap3A_903], %swap3A_906 {strides = array<i32>} : memref<512xi32, #tpu.memory_space<vmem>>, vector<16xi32>,
    %add3A_907 = arith.constant 1 : i32
    %add3A_908 = vector.broadcast %add3A_907 : i32 to vector<16xi32>
    %add3A_909 = arith.addi %mul3A_896, %add3A_908 : vector<16xi32>
    %swap3A_910 = arith.constant 416 : index
    %swap3A_911 = tpu.vector_load %arg10[%swap3A_910] {strides = array<i32>} : memref<512xi32, #tpu.memory_space<vmem>>, vector<16xi32>,
    %swap3A_912 = vector.shape_cast %swap3A_911 : vector<16xi32> to vector<16xi32>
    %swap3A_913 = vector.shape_cast %add3A_909 : vector<16xi32> to vector<16xi32>
    tpu.vector_store %arg10[%swap3A_910], %swap3A_913 {strides = array<i32>} : memref<512xi32, #tpu.memory_space<vmem>>, vector<16xi32>,
    %swap3A_914 = arith.constant 416 : index
    %swap3A_915 = tpu.vector_load %arg11[%swap3A_914] {strides = array<i32>} : memref<512xi32, #tpu.memory_space<vmem>>, vector<16xi32>,
    %swap3A_916 = vector.shape_cast %swap3A_915 : vector<16xi32> to vector<16xi32>
    %swap3A_917 = vector.shape_cast %mul3A_902 : vector<16xi32> to vector<16xi32>
    tpu.vector_store %arg11[%swap3A_914], %swap3A_917 {strides = array<i32>} : memref<512xi32, #tpu.memory_space<vmem>>, vector<16xi32>,
    %add3A_918 = arith.constant 1 : i32
    %add3A_919 = vector.broadcast %add3A_918 : i32 to vector<16xi32>
    %add3A_920 = arith.addi %mul3A_902, %add3A_919 : vector<16xi32>
    %swap3A_921 = arith.constant 416 : index
    %swap3A_922 = tpu.vector_load %arg12[%swap3A_921] {strides = array<i32>} : memref<512xi32, #tpu.memory_space<vmem>>, vector<16xi32>,
    %swap3A_923 = vector.shape_cast %swap3A_922 : vector<16xi32> to vector<16xi32>
    %swap3A_924 = vector.shape_cast %add3A_920 : vector<16xi32> to vector<16xi32>
    tpu.vector_store %arg12[%swap3A_921], %swap3A_924 {strides = array<i32>} : memref<512xi32, #tpu.memory_space<vmem>>, vector<16xi32>,
    %get3A_925 = arith.constant 432 : index
    %get3A_926 = tpu.vector_load %arg7[%get3A_925] {strides = array<i32>} : memref<512xi32, #tpu.memory_space<vmem>>, vector<16xi32>,
    %get3A_927 = vector.shape_cast %get3A_926 : vector<16xi32> to vector<16xi32>
    %mul3A_928 = arith.constant 128 : i32
    %mul3A_929 = vector.broadcast %mul3A_928 : i32 to vector<16xi32>
    %mul3A_930 = arith.muli %get3A_927, %mul3A_929 : vector<16xi32>
    %get3A_931 = arith.constant 432 : index
    %get3A_932 = tpu.vector_load %arg8[%get3A_931] {strides = array<i32>} : memref<512xi32, #tpu.memory_space<vmem>>, vector<16xi32>,
    %get3A_933 = vector.shape_cast %get3A_932 : vector<16xi32> to vector<16xi32>
    %mul3A_934 = arith.constant 128 : i32
    %mul3A_935 = vector.broadcast %mul3A_934 : i32 to vector<16xi32>
    %mul3A_936 = arith.muli %get3A_933, %mul3A_935 : vector<16xi32>
    %swap3A_937 = arith.constant 432 : index
    %swap3A_938 = tpu.vector_load %arg9[%swap3A_937] {strides = array<i32>} : memref<512xi32, #tpu.memory_space<vmem>>, vector<16xi32>,
    %swap3A_939 = vector.shape_cast %swap3A_938 : vector<16xi32> to vector<16xi32>
    %swap3A_940 = vector.shape_cast %mul3A_930 : vector<16xi32> to vector<16xi32>
    tpu.vector_store %arg9[%swap3A_937], %swap3A_940 {strides = array<i32>} : memref<512xi32, #tpu.memory_space<vmem>>, vector<16xi32>,
    %add3A_941 = arith.constant 1 : i32
    %add3A_942 = vector.broadcast %add3A_941 : i32 to vector<16xi32>
    %add3A_943 = arith.addi %mul3A_930, %add3A_942 : vector<16xi32>
    %swap3A_944 = arith.constant 432 : index
    %swap3A_945 = tpu.vector_load %arg10[%swap3A_944] {strides = array<i32>} : memref<512xi32, #tpu.memory_space<vmem>>, vector<16xi32>,
    %swap3A_946 = vector.shape_cast %swap3A_945 : vector<16xi32> to vector<16xi32>
    %swap3A_947 = vector.shape_cast %add3A_943 : vector<16xi32> to vector<16xi32>
    tpu.vector_store %arg10[%swap3A_944], %swap3A_947 {strides = array<i32>} : memref<512xi32, #tpu.memory_space<vmem>>, vector<16xi32>,
    %swap3A_948 = arith.constant 432 : index
    %swap3A_949 = tpu.vector_load %arg11[%swap3A_948] {strides = array<i32>} : memref<512xi32, #tpu.memory_space<vmem>>, vector<16xi32>,
    %swap3A_950 = vector.shape_cast %swap3A_949 : vector<16xi32> to vector<16xi32>
    %swap3A_951 = vector.shape_cast %mul3A_936 : vector<16xi32> to vector<16xi32>
    tpu.vector_store %arg11[%swap3A_948], %swap3A_951 {strides = array<i32>} : memref<512xi32, #tpu.memory_space<vmem>>, vector<16xi32>,
    %add3A_952 = arith.constant 1 : i32
    %add3A_953 = vector.broadcast %add3A_952 : i32 to vector<16xi32>
    %add3A_954 = arith.addi %mul3A_936, %add3A_953 : vector<16xi32>
    %swap3A_955 = arith.constant 432 : index
    %swap3A_956 = tpu.vector_load %arg12[%swap3A_955] {strides = array<i32>} : memref<512xi32, #tpu.memory_space<vmem>>, vector<16xi32>,
    %swap3A_957 = vector.shape_cast %swap3A_956 : vector<16xi32> to vector<16xi32>
    %swap3A_958 = vector.shape_cast %add3A_954 : vector<16xi32> to vector<16xi32>
    tpu.vector_store %arg12[%swap3A_955], %swap3A_958 {strides = array<i32>} : memref<512xi32, #tpu.memory_space<vmem>>, vector<16xi32>,
    %get3A_959 = arith.constant 448 : index
    %get3A_960 = tpu.vector_load %arg7[%get3A_959] {strides = array<i32>} : memref<512xi32, #tpu.memory_space<vmem>>, vector<16xi32>,
    %get3A_961 = vector.shape_cast %get3A_960 : vector<16xi32> to vector<16xi32>
    %mul3A_962 = arith.constant 128 : i32
    %mul3A_963 = vector.broadcast %mul3A_962 : i32 to vector<16xi32>
    %mul3A_964 = arith.muli %get3A_961, %mul3A_963 : vector<16xi32>
    %get3A_965 = arith.constant 448 : index
    %get3A_966 = tpu.vector_load %arg8[%get3A_965] {strides = array<i32>} : memref<512xi32, #tpu.memory_space<vmem>>, vector<16xi32>,
    %get3A_967 = vector.shape_cast %get3A_966 : vector<16xi32> to vector<16xi32>
    %mul3A_968 = arith.constant 128 : i32
    %mul3A_969 = vector.broadcast %mul3A_968 : i32 to vector<16xi32>
    %mul3A_970 = arith.muli %get3A_967, %mul3A_969 : vector<16xi32>
    %swap3A_971 = arith.constant 448 : index
    %swap3A_972 = tpu.vector_load %arg9[%swap3A_971] {strides = array<i32>} : memref<512xi32, #tpu.memory_space<vmem>>, vector<16xi32>,
    %swap3A_973 = vector.shape_cast %swap3A_972 : vector<16xi32> to vector<16xi32>
    %swap3A_974 = vector.shape_cast %mul3A_964 : vector<16xi32> to vector<16xi32>
    tpu.vector_store %arg9[%swap3A_971], %swap3A_974 {strides = array<i32>} : memref<512xi32, #tpu.memory_space<vmem>>, vector<16xi32>,
    %add3A_975 = arith.constant 1 : i32
    %add3A_976 = vector.broadcast %add3A_975 : i32 to vector<16xi32>
    %add3A_977 = arith.addi %mul3A_964, %add3A_976 : vector<16xi32>
    %swap3A_978 = arith.constant 448 : index
    %swap3A_979 = tpu.vector_load %arg10[%swap3A_978] {strides = array<i32>} : memref<512xi32, #tpu.memory_space<vmem>>, vector<16xi32>,
    %swap3A_980 = vector.shape_cast %swap3A_979 : vector<16xi32> to vector<16xi32>
    %swap3A_981 = vector.shape_cast %add3A_977 : vector<16xi32> to vector<16xi32>
    tpu.vector_store %arg10[%swap3A_978], %swap3A_981 {strides = array<i32>} : memref<512xi32, #tpu.memory_space<vmem>>, vector<16xi32>,
    %swap3A_982 = arith.constant 448 : index
    %swap3A_983 = tpu.vector_load %arg11[%swap3A_982] {strides = array<i32>} : memref<512xi32, #tpu.memory_space<vmem>>, vector<16xi32>,
    %swap3A_984 = vector.shape_cast %swap3A_983 : vector<16xi32> to vector<16xi32>
    %swap3A_985 = vector.shape_cast %mul3A_970 : vector<16xi32> to vector<16xi32>
    tpu.vector_store %arg11[%swap3A_982], %swap3A_985 {strides = array<i32>} : memref<512xi32, #tpu.memory_space<vmem>>, vector<16xi32>,
    %add3A_986 = arith.constant 1 : i32
    %add3A_987 = vector.broadcast %add3A_986 : i32 to vector<16xi32>
    %add3A_988 = arith.addi %mul3A_970, %add3A_987 : vector<16xi32>
    %swap3A_989 = arith.constant 448 : index
    %swap3A_990 = tpu.vector_load %arg12[%swap3A_989] {strides = array<i32>} : memref<512xi32, #tpu.memory_space<vmem>>, vector<16xi32>,
    %swap3A_991 = vector.shape_cast %swap3A_990 : vector<16xi32> to vector<16xi32>
    %swap3A_992 = vector.shape_cast %add3A_988 : vector<16xi32> to vector<16xi32>
    tpu.vector_store %arg12[%swap3A_989], %swap3A_992 {strides = array<i32>} : memref<512xi32, #tpu.memory_space<vmem>>, vector<16xi32>,
    %get3A_993 = arith.constant 464 : index
    %get3A_994 = tpu.vector_load %arg7[%get3A_993] {strides = array<i32>} : memref<512xi32, #tpu.memory_space<vmem>>, vector<16xi32>,
    %get3A_995 = vector.shape_cast %get3A_994 : vector<16xi32> to vector<16xi32>
    %mul3A_996 = arith.constant 128 : i32
    %mul3A_997 = vector.broadcast %mul3A_996 : i32 to vector<16xi32>
    %mul3A_998 = arith.muli %get3A_995, %mul3A_997 : vector<16xi32>
    %get3A_999 = arith.constant 464 : index
    %get3A_1000 = tpu.vector_load %arg8[%get3A_999] {strides = array<i32>} : memref<512xi32, #tpu.memory_space<vmem>>, vector<16xi32>,
    %get3A_1001 = vector.shape_cast %get3A_1000 : vector<16xi32> to vector<16xi32>
    %mul3A_1002 = arith.constant 128 : i32
    %mul3A_1003 = vector.broadcast %mul3A_1002 : i32 to vector<16xi32>
    %mul3A_1004 = arith.muli %get3A_1001, %mul3A_1003 : vector<16xi32>
    %swap3A_1005 = arith.constant 464 : index
    %swap3A_1006 = tpu.vector_load %arg9[%swap3A_1005] {strides = array<i32>} : memref<512xi32, #tpu.memory_space<vmem>>, vector<16xi32>,
    %swap3A_1007 = vector.shape_cast %swap3A_1006 : vector<16xi32> to vector<16xi32>
    %swap3A_1008 = vector.shape_cast %mul3A_998 : vector<16xi32> to vector<16xi32>
    tpu.vector_store %arg9[%swap3A_1005], %swap3A_1008 {strides = array<i32>} : memref<512xi32, #tpu.memory_space<vmem>>, vector<16xi32>,
    %add3A_1009 = arith.constant 1 : i32
    %add3A_1010 = vector.broadcast %add3A_1009 : i32 to vector<16xi32>
    %add3A_1011 = arith.addi %mul3A_998, %add3A_1010 : vector<16xi32>
    %swap3A_1012 = arith.constant 464 : index
    %swap3A_1013 = tpu.vector_load %arg10[%swap3A_1012] {strides = array<i32>} : memref<512xi32, #tpu.memory_space<vmem>>, vector<16xi32>,
    %swap3A_1014 = vector.shape_cast %swap3A_1013 : vector<16xi32> to vector<16xi32>
    %swap3A_1015 = vector.shape_cast %add3A_1011 : vector<16xi32> to vector<16xi32>
    tpu.vector_store %arg10[%swap3A_1012], %swap3A_1015 {strides = array<i32>} : memref<512xi32, #tpu.memory_space<vmem>>, vector<16xi32>,
    %swap3A_1016 = arith.constant 464 : index
    %swap3A_1017 = tpu.vector_load %arg11[%swap3A_1016] {strides = array<i32>} : memref<512xi32, #tpu.memory_space<vmem>>, vector<16xi32>,
    %swap3A_1018 = vector.shape_cast %swap3A_1017 : vector<16xi32> to vector<16xi32>
    %swap3A_1019 = vector.shape_cast %mul3A_1004 : vector<16xi32> to vector<16xi32>
    tpu.vector_store %arg11[%swap3A_1016], %swap3A_1019 {strides = array<i32>} : memref<512xi32, #tpu.memory_space<vmem>>, vector<16xi32>,
    %add3A_1020 = arith.constant 1 : i32
    %add3A_1021 = vector.broadcast %add3A_1020 : i32 to vector<16xi32>
    %add3A_1022 = arith.addi %mul3A_1004, %add3A_1021 : vector<16xi32>
    %swap3A_1023 = arith.constant 464 : index
    %swap3A_1024 = tpu.vector_load %arg12[%swap3A_1023] {strides = array<i32>} : memref<512xi32, #tpu.memory_space<vmem>>, vector<16xi32>,
    %swap3A_1025 = vector.shape_cast %swap3A_1024 : vector<16xi32> to vector<16xi32>
    %swap3A_1026 = vector.shape_cast %add3A_1022 : vector<16xi32> to vector<16xi32>
    tpu.vector_store %arg12[%swap3A_1023], %swap3A_1026 {strides = array<i32>} : memref<512xi32, #tpu.memory_space<vmem>>, vector<16xi32>,
    %get3A_1027 = arith.constant 480 : index
    %get3A_1028 = tpu.vector_load %arg7[%get3A_1027] {strides = array<i32>} : memref<512xi32, #tpu.memory_space<vmem>>, vector<16xi32>,
    %get3A_1029 = vector.shape_cast %get3A_1028 : vector<16xi32> to vector<16xi32>
    %mul3A_1030 = arith.constant 128 : i32
    %mul3A_1031 = vector.broadcast %mul3A_1030 : i32 to vector<16xi32>
    %mul3A_1032 = arith.muli %get3A_1029, %mul3A_1031 : vector<16xi32>
    %get3A_1033 = arith.constant 480 : index
    %get3A_1034 = tpu.vector_load %arg8[%get3A_1033] {strides = array<i32>} : memref<512xi32, #tpu.memory_space<vmem>>, vector<16xi32>,
    %get3A_1035 = vector.shape_cast %get3A_1034 : vector<16xi32> to vector<16xi32>
    %mul3A_1036 = arith.constant 128 : i32
    %mul3A_1037 = vector.broadcast %mul3A_1036 : i32 to vector<16xi32>
    %mul3A_1038 = arith.muli %get3A_1035, %mul3A_1037 : vector<16xi32>
    %swap3A_1039 = arith.constant 480 : index
    %swap3A_1040 = tpu.vector_load %arg9[%swap3A_1039] {strides = array<i32>} : memref<512xi32, #tpu.memory_space<vmem>>, vector<16xi32>,
    %swap3A_1041 = vector.shape_cast %swap3A_1040 : vector<16xi32> to vector<16xi32>
    %swap3A_1042 = vector.shape_cast %mul3A_1032 : vector<16xi32> to vector<16xi32>
    tpu.vector_store %arg9[%swap3A_1039], %swap3A_1042 {strides = array<i32>} : memref<512xi32, #tpu.memory_space<vmem>>, vector<16xi32>,
    %add3A_1043 = arith.constant 1 : i32
    %add3A_1044 = vector.broadcast %add3A_1043 : i32 to vector<16xi32>
    %add3A_1045 = arith.addi %mul3A_1032, %add3A_1044 : vector<16xi32>
    %swap3A_1046 = arith.constant 480 : index
    %swap3A_1047 = tpu.vector_load %arg10[%swap3A_1046] {strides = array<i32>} : memref<512xi32, #tpu.memory_space<vmem>>, vector<16xi32>,
    %swap3A_1048 = vector.shape_cast %swap3A_1047 : vector<16xi32> to vector<16xi32>
    %swap3A_1049 = vector.shape_cast %add3A_1045 : vector<16xi32> to vector<16xi32>
    tpu.vector_store %arg10[%swap3A_1046], %swap3A_1049 {strides = array<i32>} : memref<512xi32, #tpu.memory_space<vmem>>, vector<16xi32>,
    %swap3A_1050 = arith.constant 480 : index
    %swap3A_1051 = tpu.vector_load %arg11[%swap3A_1050] {strides = array<i32>} : memref<512xi32, #tpu.memory_space<vmem>>, vector<16xi32>,
    %swap3A_1052 = vector.shape_cast %swap3A_1051 : vector<16xi32> to vector<16xi32>
    %swap3A_1053 = vector.shape_cast %mul3A_1038 : vector<16xi32> to vector<16xi32>
    tpu.vector_store %arg11[%swap3A_1050], %swap3A_1053 {strides = array<i32>} : memref<512xi32, #tpu.memory_space<vmem>>, vector<16xi32>,
    %add3A_1054 = arith.constant 1 : i32
    %add3A_1055 = vector.broadcast %add3A_1054 : i32 to vector<16xi32>
    %add3A_1056 = arith.addi %mul3A_1038, %add3A_1055 : vector<16xi32>
    %swap3A_1057 = arith.constant 480 : index
    %swap3A_1058 = tpu.vector_load %arg12[%swap3A_1057] {strides = array<i32>} : memref<512xi32, #tpu.memory_space<vmem>>, vector<16xi32>,
    %swap3A_1059 = vector.shape_cast %swap3A_1058 : vector<16xi32> to vector<16xi32>
    %swap3A_1060 = vector.shape_cast %add3A_1056 : vector<16xi32> to vector<16xi32>
    tpu.vector_store %arg12[%swap3A_1057], %swap3A_1060 {strides = array<i32>} : memref<512xi32, #tpu.memory_space<vmem>>, vector<16xi32>,
    %get3A_1061 = arith.constant 496 : index
    %get3A_1062 = tpu.vector_load %arg7[%get3A_1061] {strides = array<i32>} : memref<512xi32, #tpu.memory_space<vmem>>, vector<16xi32>,
    %get3A_1063 = vector.shape_cast %get3A_1062 : vector<16xi32> to vector<16xi32>
    %mul3A_1064 = arith.constant 128 : i32
    %mul3A_1065 = vector.broadcast %mul3A_1064 : i32 to vector<16xi32>
    %mul3A_1066 = arith.muli %get3A_1063, %mul3A_1065 : vector<16xi32>
    %get3A_1067 = arith.constant 496 : index
    %get3A_1068 = tpu.vector_load %arg8[%get3A_1067] {strides = array<i32>} : memref<512xi32, #tpu.memory_space<vmem>>, vector<16xi32>,
    %get3A_1069 = vector.shape_cast %get3A_1068 : vector<16xi32> to vector<16xi32>
    %mul3A_1070 = arith.constant 128 : i32
    %mul3A_1071 = vector.broadcast %mul3A_1070 : i32 to vector<16xi32>
    %mul3A_1072 = arith.muli %get3A_1069, %mul3A_1071 : vector<16xi32>
    %swap3A_1073 = arith.constant 496 : index
    %swap3A_1074 = tpu.vector_load %arg9[%swap3A_1073] {strides = array<i32>} : memref<512xi32, #tpu.memory_space<vmem>>, vector<16xi32>,
    %swap3A_1075 = vector.shape_cast %swap3A_1074 : vector<16xi32> to vector<16xi32>
    %swap3A_1076 = vector.shape_cast %mul3A_1066 : vector<16xi32> to vector<16xi32>
    tpu.vector_store %arg9[%swap3A_1073], %swap3A_1076 {strides = array<i32>} : memref<512xi32, #tpu.memory_space<vmem>>, vector<16xi32>,
    %add3A_1077 = arith.constant 1 : i32
    %add3A_1078 = vector.broadcast %add3A_1077 : i32 to vector<16xi32>
    %add3A_1079 = arith.addi %mul3A_1066, %add3A_1078 : vector<16xi32>
    %swap3A_1080 = arith.constant 496 : index
    %swap3A_1081 = tpu.vector_load %arg10[%swap3A_1080] {strides = array<i32>} : memref<512xi32, #tpu.memory_space<vmem>>, vector<16xi32>,
    %swap3A_1082 = vector.shape_cast %swap3A_1081 : vector<16xi32> to vector<16xi32>
    %swap3A_1083 = vector.shape_cast %add3A_1079 : vector<16xi32> to vector<16xi32>
    tpu.vector_store %arg10[%swap3A_1080], %swap3A_1083 {strides = array<i32>} : memref<512xi32, #tpu.memory_space<vmem>>, vector<16xi32>,
    %swap3A_1084 = arith.constant 496 : index
    %swap3A_1085 = tpu.vector_load %arg11[%swap3A_1084] {strides = array<i32>} : memref<512xi32, #tpu.memory_space<vmem>>, vector<16xi32>,
    %swap3A_1086 = vector.shape_cast %swap3A_1085 : vector<16xi32> to vector<16xi32>
    %swap3A_1087 = vector.shape_cast %mul3A_1072 : vector<16xi32> to vector<16xi32>
    tpu.vector_store %arg11[%swap3A_1084], %swap3A_1087 {strides = array<i32>} : memref<512xi32, #tpu.memory_space<vmem>>, vector<16xi32>,
    %add3A_1088 = arith.constant 1 : i32
    %add3A_1089 = vector.broadcast %add3A_1088 : i32 to vector<16xi32>
    %add3A_1090 = arith.addi %mul3A_1072, %add3A_1089 : vector<16xi32>
    %swap3A_1091 = arith.constant 496 : index
    %swap3A_1092 = tpu.vector_load %arg12[%swap3A_1091] {strides = array<i32>} : memref<512xi32, #tpu.memory_space<vmem>>, vector<16xi32>,
    %swap3A_1093 = vector.shape_cast %swap3A_1092 : vector<16xi32> to vector<16xi32>
    %swap3A_1094 = vector.shape_cast %add3A_1090 : vector<16xi32> to vector<16xi32>
    tpu.vector_store %arg12[%swap3A_1091], %swap3A_1094 {strides = array<i32>} : memref<512xi32, #tpu.memory_space<vmem>>, vector<16xi32>,
    %dma_start3A_1095 = arith.constant 0 : i32
    %dma_start3A_1096 = tpu.memref_slice %arg13[%dma_start3A_1095] : memref<512xf32, #tpu.memory_space<vmem>> -> memref<128xf32, #tpu.memory_space<vmem>>
    %dma_start3A_1097 = arith.constant 0 : i32
    %dma_start3A_1098 = tpu.memref_slice %arg9[%dma_start3A_1097] : memref<512xi32, #tpu.memory_space<vmem>> -> memref<128xi32, #tpu.memory_space<vmem>>
    %dma_start3A_1099 = arith.constant 0 : i32
    %dma_start3A_1100 = tpu.memref_slice %arg4[%dma_start3A_1099] : memref<128000000xf32, #tpu.memory_space<hbm>> -> memref<128000000xf32, #tpu.memory_space<hbm>>
    tpu.enqueue_indirect_dma source(%dma_start3A_1100 : memref<128000000xf32, #tpu.memory_space<hbm>>) target(%dma_start3A_1096 : memref<128xf32, #tpu.memory_space<vmem>>) offsets(%dma_start3A_1098 : memref<128xi32, #tpu.memory_space<vmem>>) semaphore(%arg18 : memref<!tpu.dma_semaphore, #tpu.memory_space<semaphore_mem>>)
    %dma_start3A_1101 = arith.constant 0 : i32
    %dma_start3A_1102 = tpu.memref_slice %arg14[%dma_start3A_1101] : memref<512xf32, #tpu.memory_space<vmem>> -> memref<128xf32, #tpu.memory_space<vmem>>
    %dma_start3A_1103 = arith.constant 0 : i32
    %dma_start3A_1104 = tpu.memref_slice %arg10[%dma_start3A_1103] : memref<512xi32, #tpu.memory_space<vmem>> -> memref<128xi32, #tpu.memory_space<vmem>>
    %dma_start3A_1105 = arith.constant 0 : i32
    %dma_start3A_1106 = tpu.memref_slice %arg4[%dma_start3A_1105] : memref<128000000xf32, #tpu.memory_space<hbm>> -> memref<128000000xf32, #tpu.memory_space<hbm>>
    tpu.enqueue_indirect_dma source(%dma_start3A_1106 : memref<128000000xf32, #tpu.memory_space<hbm>>) target(%dma_start3A_1102 : memref<128xf32, #tpu.memory_space<vmem>>) offsets(%dma_start3A_1104 : memref<128xi32, #tpu.memory_space<vmem>>) semaphore(%arg18 : memref<!tpu.dma_semaphore, #tpu.memory_space<semaphore_mem>>)
    %dma_start3A_1107 = arith.constant 0 : i32
    %dma_start3A_1108 = tpu.memref_slice %arg15[%dma_start3A_1107] : memref<512xf32, #tpu.memory_space<vmem>> -> memref<128xf32, #tpu.memory_space<vmem>>
    %dma_start3A_1109 = arith.constant 0 : i32
    %dma_start3A_1110 = tpu.memref_slice %arg11[%dma_start3A_1109] : memref<512xi32, #tpu.memory_space<vmem>> -> memref<128xi32, #tpu.memory_space<vmem>>
    %dma_start3A_1111 = arith.constant 0 : i32
    %dma_start3A_1112 = tpu.memref_slice %arg5[%dma_start3A_1111] : memref<128000000xf32, #tpu.memory_space<hbm>> -> memref<128000000xf32, #tpu.memory_space<hbm>>
    tpu.enqueue_indirect_dma source(%dma_start3A_1112 : memref<128000000xf32, #tpu.memory_space<hbm>>) target(%dma_start3A_1108 : memref<128xf32, #tpu.memory_space<vmem>>) offsets(%dma_start3A_1110 : memref<128xi32, #tpu.memory_space<vmem>>) semaphore(%arg18 : memref<!tpu.dma_semaphore, #tpu.memory_space<semaphore_mem>>)
    %dma_start3A_1113 = arith.constant 0 : i32
    %dma_start3A_1114 = tpu.memref_slice %arg16[%dma_start3A_1113] : memref<512xf32, #tpu.memory_space<vmem>> -> memref<128xf32, #tpu.memory_space<vmem>>
    %dma_start3A_1115 = arith.constant 0 : i32
    %dma_start3A_1116 = tpu.memref_slice %arg12[%dma_start3A_1115] : memref<512xi32, #tpu.memory_space<vmem>> -> memref<128xi32, #tpu.memory_space<vmem>>
    %dma_start3A_1117 = arith.constant 0 : i32
    %dma_start3A_1118 = tpu.memref_slice %arg5[%dma_start3A_1117] : memref<128000000xf32, #tpu.memory_space<hbm>> -> memref<128000000xf32, #tpu.memory_space<hbm>>
    tpu.enqueue_indirect_dma source(%dma_start3A_1118 : memref<128000000xf32, #tpu.memory_space<hbm>>) target(%dma_start3A_1114 : memref<128xf32, #tpu.memory_space<vmem>>) offsets(%dma_start3A_1116 : memref<128xi32, #tpu.memory_space<vmem>>) semaphore(%arg18 : memref<!tpu.dma_semaphore, #tpu.memory_space<semaphore_mem>>)
    %dma_start3A_1119 = arith.constant 128 : i32
    %dma_start3A_1120 = tpu.memref_slice %arg13[%dma_start3A_1119] : memref<512xf32, #tpu.memory_space<vmem>> -> memref<128xf32, #tpu.memory_space<vmem>>
    %dma_start3A_1121 = arith.constant 128 : i32
    %dma_start3A_1122 = tpu.memref_slice %arg9[%dma_start3A_1121] : memref<512xi32, #tpu.memory_space<vmem>> -> memref<128xi32, #tpu.memory_space<vmem>>
    %dma_start3A_1123 = arith.constant 0 : i32
    %dma_start3A_1124 = tpu.memref_slice %arg4[%dma_start3A_1123] : memref<128000000xf32, #tpu.memory_space<hbm>> -> memref<128000000xf32, #tpu.memory_space<hbm>>
    tpu.enqueue_indirect_dma source(%dma_start3A_1124 : memref<128000000xf32, #tpu.memory_space<hbm>>) target(%dma_start3A_1120 : memref<128xf32, #tpu.memory_space<vmem>>) offsets(%dma_start3A_1122 : memref<128xi32, #tpu.memory_space<vmem>>) semaphore(%arg18 : memref<!tpu.dma_semaphore, #tpu.memory_space<semaphore_mem>>)
    %dma_start3A_1125 = arith.constant 128 : i32
    %dma_start3A_1126 = tpu.memref_slice %arg14[%dma_start3A_1125] : memref<512xf32, #tpu.memory_space<vmem>> -> memref<128xf32, #tpu.memory_space<vmem>>
    %dma_start3A_1127 = arith.constant 128 : i32
    %dma_start3A_1128 = tpu.memref_slice %arg10[%dma_start3A_1127] : memref<512xi32, #tpu.memory_space<vmem>> -> memref<128xi32, #tpu.memory_space<vmem>>
    %dma_start3A_1129 = arith.constant 0 : i32
    %dma_start3A_1130 = tpu.memref_slice %arg4[%dma_start3A_1129] : memref<128000000xf32, #tpu.memory_space<hbm>> -> memref<128000000xf32, #tpu.memory_space<hbm>>
    tpu.enqueue_indirect_dma source(%dma_start3A_1130 : memref<128000000xf32, #tpu.memory_space<hbm>>) target(%dma_start3A_1126 : memref<128xf32, #tpu.memory_space<vmem>>) offsets(%dma_start3A_1128 : memref<128xi32, #tpu.memory_space<vmem>>) semaphore(%arg18 : memref<!tpu.dma_semaphore, #tpu.memory_space<semaphore_mem>>)
    %dma_start3A_1131 = arith.constant 128 : i32
    %dma_start3A_1132 = tpu.memref_slice %arg15[%dma_start3A_1131] : memref<512xf32, #tpu.memory_space<vmem>> -> memref<128xf32, #tpu.memory_space<vmem>>
    %dma_start3A_1133 = arith.constant 128 : i32
    %dma_start3A_1134 = tpu.memref_slice %arg11[%dma_start3A_1133] : memref<512xi32, #tpu.memory_space<vmem>> -> memref<128xi32, #tpu.memory_space<vmem>>
    %dma_start3A_1135 = arith.constant 0 : i32
    %dma_start3A_1136 = tpu.memref_slice %arg5[%dma_start3A_1135] : memref<128000000xf32, #tpu.memory_space<hbm>> -> memref<128000000xf32, #tpu.memory_space<hbm>>
    tpu.enqueue_indirect_dma source(%dma_start3A_1136 : memref<128000000xf32, #tpu.memory_space<hbm>>) target(%dma_start3A_1132 : memref<128xf32, #tpu.memory_space<vmem>>) offsets(%dma_start3A_1134 : memref<128xi32, #tpu.memory_space<vmem>>) semaphore(%arg18 : memref<!tpu.dma_semaphore, #tpu.memory_space<semaphore_mem>>)
    %dma_start3A_1137 = arith.constant 128 : i32
    %dma_start3A_1138 = tpu.memref_slice %arg16[%dma_start3A_1137] : memref<512xf32, #tpu.memory_space<vmem>> -> memref<128xf32, #tpu.memory_space<vmem>>
    %dma_start3A_1139 = arith.constant 128 : i32
    %dma_start3A_1140 = tpu.memref_slice %arg12[%dma_start3A_1139] : memref<512xi32, #tpu.memory_space<vmem>> -> memref<128xi32, #tpu.memory_space<vmem>>
    %dma_start3A_1141 = arith.constant 0 : i32
    %dma_start3A_1142 = tpu.memref_slice %arg5[%dma_start3A_1141] : memref<128000000xf32, #tpu.memory_space<hbm>> -> memref<128000000xf32, #tpu.memory_space<hbm>>
    tpu.enqueue_indirect_dma source(%dma_start3A_1142 : memref<128000000xf32, #tpu.memory_space<hbm>>) target(%dma_start3A_1138 : memref<128xf32, #tpu.memory_space<vmem>>) offsets(%dma_start3A_1140 : memref<128xi32, #tpu.memory_space<vmem>>) semaphore(%arg18 : memref<!tpu.dma_semaphore, #tpu.memory_space<semaphore_mem>>)
    %dma_start3A_1143 = arith.constant 256 : i32
    %dma_start3A_1144 = tpu.memref_slice %arg13[%dma_start3A_1143] : memref<512xf32, #tpu.memory_space<vmem>> -> memref<128xf32, #tpu.memory_space<vmem>>
    %dma_start3A_1145 = arith.constant 256 : i32
    %dma_start3A_1146 = tpu.memref_slice %arg9[%dma_start3A_1145] : memref<512xi32, #tpu.memory_space<vmem>> -> memref<128xi32, #tpu.memory_space<vmem>>
    %dma_start3A_1147 = arith.constant 0 : i32
    %dma_start3A_1148 = tpu.memref_slice %arg4[%dma_start3A_1147] : memref<128000000xf32, #tpu.memory_space<hbm>> -> memref<128000000xf32, #tpu.memory_space<hbm>>
    tpu.enqueue_indirect_dma source(%dma_start3A_1148 : memref<128000000xf32, #tpu.memory_space<hbm>>) target(%dma_start3A_1144 : memref<128xf32, #tpu.memory_space<vmem>>) offsets(%dma_start3A_1146 : memref<128xi32, #tpu.memory_space<vmem>>) semaphore(%arg18 : memref<!tpu.dma_semaphore, #tpu.memory_space<semaphore_mem>>)
    %dma_start3A_1149 = arith.constant 256 : i32
    %dma_start3A_1150 = tpu.memref_slice %arg14[%dma_start3A_1149] : memref<512xf32, #tpu.memory_space<vmem>> -> memref<128xf32, #tpu.memory_space<vmem>>
    %dma_start3A_1151 = arith.constant 256 : i32
    %dma_start3A_1152 = tpu.memref_slice %arg10[%dma_start3A_1151] : memref<512xi32, #tpu.memory_space<vmem>> -> memref<128xi32, #tpu.memory_space<vmem>>
    %dma_start3A_1153 = arith.constant 0 : i32
    %dma_start3A_1154 = tpu.memref_slice %arg4[%dma_start3A_1153] : memref<128000000xf32, #tpu.memory_space<hbm>> -> memref<128000000xf32, #tpu.memory_space<hbm>>
    tpu.enqueue_indirect_dma source(%dma_start3A_1154 : memref<128000000xf32, #tpu.memory_space<hbm>>) target(%dma_start3A_1150 : memref<128xf32, #tpu.memory_space<vmem>>) offsets(%dma_start3A_1152 : memref<128xi32, #tpu.memory_space<vmem>>) semaphore(%arg18 : memref<!tpu.dma_semaphore, #tpu.memory_space<semaphore_mem>>)
    %dma_start3A_1155 = arith.constant 256 : i32
    %dma_start3A_1156 = tpu.memref_slice %arg15[%dma_start3A_1155] : memref<512xf32, #tpu.memory_space<vmem>> -> memref<128xf32, #tpu.memory_space<vmem>>
    %dma_start3A_1157 = arith.constant 256 : i32
    %dma_start3A_1158 = tpu.memref_slice %arg11[%dma_start3A_1157] : memref<512xi32, #tpu.memory_space<vmem>> -> memref<128xi32, #tpu.memory_space<vmem>>
    %dma_start3A_1159 = arith.constant 0 : i32
    %dma_start3A_1160 = tpu.memref_slice %arg5[%dma_start3A_1159] : memref<128000000xf32, #tpu.memory_space<hbm>> -> memref<128000000xf32, #tpu.memory_space<hbm>>
    tpu.enqueue_indirect_dma source(%dma_start3A_1160 : memref<128000000xf32, #tpu.memory_space<hbm>>) target(%dma_start3A_1156 : memref<128xf32, #tpu.memory_space<vmem>>) offsets(%dma_start3A_1158 : memref<128xi32, #tpu.memory_space<vmem>>) semaphore(%arg18 : memref<!tpu.dma_semaphore, #tpu.memory_space<semaphore_mem>>)
    %dma_start3A_1161 = arith.constant 256 : i32
    %dma_start3A_1162 = tpu.memref_slice %arg16[%dma_start3A_1161] : memref<512xf32, #tpu.memory_space<vmem>> -> memref<128xf32, #tpu.memory_space<vmem>>
    %dma_start3A_1163 = arith.constant 256 : i32
    %dma_start3A_1164 = tpu.memref_slice %arg12[%dma_start3A_1163] : memref<512xi32, #tpu.memory_space<vmem>> -> memref<128xi32, #tpu.memory_space<vmem>>
    %dma_start3A_1165 = arith.constant 0 : i32
    %dma_start3A_1166 = tpu.memref_slice %arg5[%dma_start3A_1165] : memref<128000000xf32, #tpu.memory_space<hbm>> -> memref<128000000xf32, #tpu.memory_space<hbm>>
    tpu.enqueue_indirect_dma source(%dma_start3A_1166 : memref<128000000xf32, #tpu.memory_space<hbm>>) target(%dma_start3A_1162 : memref<128xf32, #tpu.memory_space<vmem>>) offsets(%dma_start3A_1164 : memref<128xi32, #tpu.memory_space<vmem>>) semaphore(%arg18 : memref<!tpu.dma_semaphore, #tpu.memory_space<semaphore_mem>>)
    %dma_start3A_1167 = arith.constant 384 : i32
    %dma_start3A_1168 = tpu.memref_slice %arg13[%dma_start3A_1167] : memref<512xf32, #tpu.memory_space<vmem>> -> memref<128xf32, #tpu.memory_space<vmem>>
    %dma_start3A_1169 = arith.constant 384 : i32
    %dma_start3A_1170 = tpu.memref_slice %arg9[%dma_start3A_1169] : memref<512xi32, #tpu.memory_space<vmem>> -> memref<128xi32, #tpu.memory_space<vmem>>
    %dma_start3A_1171 = arith.constant 0 : i32
    %dma_start3A_1172 = tpu.memref_slice %arg4[%dma_start3A_1171] : memref<128000000xf32, #tpu.memory_space<hbm>> -> memref<128000000xf32, #tpu.memory_space<hbm>>
    tpu.enqueue_indirect_dma source(%dma_start3A_1172 : memref<128000000xf32, #tpu.memory_space<hbm>>) target(%dma_start3A_1168 : memref<128xf32, #tpu.memory_space<vmem>>) offsets(%dma_start3A_1170 : memref<128xi32, #tpu.memory_space<vmem>>) semaphore(%arg18 : memref<!tpu.dma_semaphore, #tpu.memory_space<semaphore_mem>>)
    %dma_start3A_1173 = arith.constant 384 : i32
    %dma_start3A_1174 = tpu.memref_slice %arg14[%dma_start3A_1173] : memref<512xf32, #tpu.memory_space<vmem>> -> memref<128xf32, #tpu.memory_space<vmem>>
    %dma_start3A_1175 = arith.constant 384 : i32
    %dma_start3A_1176 = tpu.memref_slice %arg10[%dma_start3A_1175] : memref<512xi32, #tpu.memory_space<vmem>> -> memref<128xi32, #tpu.memory_space<vmem>>
    %dma_start3A_1177 = arith.constant 0 : i32
    %dma_start3A_1178 = tpu.memref_slice %arg4[%dma_start3A_1177] : memref<128000000xf32, #tpu.memory_space<hbm>> -> memref<128000000xf32, #tpu.memory_space<hbm>>
    tpu.enqueue_indirect_dma source(%dma_start3A_1178 : memref<128000000xf32, #tpu.memory_space<hbm>>) target(%dma_start3A_1174 : memref<128xf32, #tpu.memory_space<vmem>>) offsets(%dma_start3A_1176 : memref<128xi32, #tpu.memory_space<vmem>>) semaphore(%arg18 : memref<!tpu.dma_semaphore, #tpu.memory_space<semaphore_mem>>)
    %dma_start3A_1179 = arith.constant 384 : i32
    %dma_start3A_1180 = tpu.memref_slice %arg15[%dma_start3A_1179] : memref<512xf32, #tpu.memory_space<vmem>> -> memref<128xf32, #tpu.memory_space<vmem>>
    %dma_start3A_1181 = arith.constant 384 : i32
    %dma_start3A_1182 = tpu.memref_slice %arg11[%dma_start3A_1181] : memref<512xi32, #tpu.memory_space<vmem>> -> memref<128xi32, #tpu.memory_space<vmem>>
    %dma_start3A_1183 = arith.constant 0 : i32
    %dma_start3A_1184 = tpu.memref_slice %arg5[%dma_start3A_1183] : memref<128000000xf32, #tpu.memory_space<hbm>> -> memref<128000000xf32, #tpu.memory_space<hbm>>
    tpu.enqueue_indirect_dma source(%dma_start3A_1184 : memref<128000000xf32, #tpu.memory_space<hbm>>) target(%dma_start3A_1180 : memref<128xf32, #tpu.memory_space<vmem>>) offsets(%dma_start3A_1182 : memref<128xi32, #tpu.memory_space<vmem>>) semaphore(%arg18 : memref<!tpu.dma_semaphore, #tpu.memory_space<semaphore_mem>>)
    %dma_start3A_1185 = arith.constant 384 : i32
    %dma_start3A_1186 = tpu.memref_slice %arg16[%dma_start3A_1185] : memref<512xf32, #tpu.memory_space<vmem>> -> memref<128xf32, #tpu.memory_space<vmem>>
    %dma_start3A_1187 = arith.constant 384 : i32
    %dma_start3A_1188 = tpu.memref_slice %arg12[%dma_start3A_1187] : memref<512xi32, #tpu.memory_space<vmem>> -> memref<128xi32, #tpu.memory_space<vmem>>
    %dma_start3A_1189 = arith.constant 0 : i32
    %dma_start3A_1190 = tpu.memref_slice %arg5[%dma_start3A_1189] : memref<128000000xf32, #tpu.memory_space<hbm>> -> memref<128000000xf32, #tpu.memory_space<hbm>>
    tpu.enqueue_indirect_dma source(%dma_start3A_1190 : memref<128000000xf32, #tpu.memory_space<hbm>>) target(%dma_start3A_1186 : memref<128xf32, #tpu.memory_space<vmem>>) offsets(%dma_start3A_1188 : memref<128xi32, #tpu.memory_space<vmem>>) semaphore(%arg18 : memref<!tpu.dma_semaphore, #tpu.memory_space<semaphore_mem>>)
    %dma_wait3A_1191 = arith.constant 0 : i32
    %dma_wait3A_1192 = tpu.memref_slice %arg13[%dma_wait3A_1191] : memref<512xf32, #tpu.memory_space<vmem>> -> memref<128xf32, #tpu.memory_space<vmem>>
    %dma_wait3A_1193 = arith.constant 0 : i32
    %dma_wait3A_1194 = tpu.memref_slice %arg9[%dma_wait3A_1193] : memref<512xi32, #tpu.memory_space<vmem>> -> memref<128xi32, #tpu.memory_space<vmem>>
    %dma_wait3A_1195 = arith.constant 0 : i32
    %dma_wait3A_1196 = tpu.memref_slice %arg4[%dma_wait3A_1195] : memref<128000000xf32, #tpu.memory_space<hbm>> -> memref<128000000xf32, #tpu.memory_space<hbm>>
    tpu.wait_indirect_dma semaphore(%arg18 : memref<!tpu.dma_semaphore, #tpu.memory_space<semaphore_mem>>) src(%dma_wait3A_1196 : memref<128000000xf32, #tpu.memory_space<hbm>>) dst(%dma_wait3A_1192 : memref<128xf32, #tpu.memory_space<vmem>>)
    %dma_wait3A_1197 = arith.constant 0 : i32
    %dma_wait3A_1198 = tpu.memref_slice %arg14[%dma_wait3A_1197] : memref<512xf32, #tpu.memory_space<vmem>> -> memref<128xf32, #tpu.memory_space<vmem>>
    %dma_wait3A_1199 = arith.constant 0 : i32
    %dma_wait3A_1200 = tpu.memref_slice %arg10[%dma_wait3A_1199] : memref<512xi32, #tpu.memory_space<vmem>> -> memref<128xi32, #tpu.memory_space<vmem>>
    %dma_wait3A_1201 = arith.constant 0 : i32
    %dma_wait3A_1202 = tpu.memref_slice %arg4[%dma_wait3A_1201] : memref<128000000xf32, #tpu.memory_space<hbm>> -> memref<128000000xf32, #tpu.memory_space<hbm>>
    tpu.wait_indirect_dma semaphore(%arg18 : memref<!tpu.dma_semaphore, #tpu.memory_space<semaphore_mem>>) src(%dma_wait3A_1202 : memref<128000000xf32, #tpu.memory_space<hbm>>) dst(%dma_wait3A_1198 : memref<128xf32, #tpu.memory_space<vmem>>)
    %dma_wait3A_1203 = arith.constant 0 : i32
    %dma_wait3A_1204 = tpu.memref_slice %arg15[%dma_wait3A_1203] : memref<512xf32, #tpu.memory_space<vmem>> -> memref<128xf32, #tpu.memory_space<vmem>>
    %dma_wait3A_1205 = arith.constant 0 : i32
    %dma_wait3A_1206 = tpu.memref_slice %arg11[%dma_wait3A_1205] : memref<512xi32, #tpu.memory_space<vmem>> -> memref<128xi32, #tpu.memory_space<vmem>>
    %dma_wait3A_1207 = arith.constant 0 : i32
    %dma_wait3A_1208 = tpu.memref_slice %arg5[%dma_wait3A_1207] : memref<128000000xf32, #tpu.memory_space<hbm>> -> memref<128000000xf32, #tpu.memory_space<hbm>>
    tpu.wait_indirect_dma semaphore(%arg18 : memref<!tpu.dma_semaphore, #tpu.memory_space<semaphore_mem>>) src(%dma_wait3A_1208 : memref<128000000xf32, #tpu.memory_space<hbm>>) dst(%dma_wait3A_1204 : memref<128xf32, #tpu.memory_space<vmem>>)
    %dma_wait3A_1209 = arith.constant 0 : i32
    %dma_wait3A_1210 = tpu.memref_slice %arg16[%dma_wait3A_1209] : memref<512xf32, #tpu.memory_space<vmem>> -> memref<128xf32, #tpu.memory_space<vmem>>
    %dma_wait3A_1211 = arith.constant 0 : i32
    %dma_wait3A_1212 = tpu.memref_slice %arg12[%dma_wait3A_1211] : memref<512xi32, #tpu.memory_space<vmem>> -> memref<128xi32, #tpu.memory_space<vmem>>
    %dma_wait3A_1213 = arith.constant 0 : i32
    %dma_wait3A_1214 = tpu.memref_slice %arg5[%dma_wait3A_1213] : memref<128000000xf32, #tpu.memory_space<hbm>> -> memref<128000000xf32, #tpu.memory_space<hbm>>
    tpu.wait_indirect_dma semaphore(%arg18 : memref<!tpu.dma_semaphore, #tpu.memory_space<semaphore_mem>>) src(%dma_wait3A_1214 : memref<128000000xf32, #tpu.memory_space<hbm>>) dst(%dma_wait3A_1210 : memref<128xf32, #tpu.memory_space<vmem>>)
    %dma_wait3A_1215 = arith.constant 128 : i32
    %dma_wait3A_1216 = tpu.memref_slice %arg13[%dma_wait3A_1215] : memref<512xf32, #tpu.memory_space<vmem>> -> memref<128xf32, #tpu.memory_space<vmem>>
    %dma_wait3A_1217 = arith.constant 128 : i32
    %dma_wait3A_1218 = tpu.memref_slice %arg9[%dma_wait3A_1217] : memref<512xi32, #tpu.memory_space<vmem>> -> memref<128xi32, #tpu.memory_space<vmem>>
    %dma_wait3A_1219 = arith.constant 0 : i32
    %dma_wait3A_1220 = tpu.memref_slice %arg4[%dma_wait3A_1219] : memref<128000000xf32, #tpu.memory_space<hbm>> -> memref<128000000xf32, #tpu.memory_space<hbm>>
    tpu.wait_indirect_dma semaphore(%arg18 : memref<!tpu.dma_semaphore, #tpu.memory_space<semaphore_mem>>) src(%dma_wait3A_1220 : memref<128000000xf32, #tpu.memory_space<hbm>>) dst(%dma_wait3A_1216 : memref<128xf32, #tpu.memory_space<vmem>>)
    %dma_wait3A_1221 = arith.constant 128 : i32
    %dma_wait3A_1222 = tpu.memref_slice %arg14[%dma_wait3A_1221] : memref<512xf32, #tpu.memory_space<vmem>> -> memref<128xf32, #tpu.memory_space<vmem>>
    %dma_wait3A_1223 = arith.constant 128 : i32
    %dma_wait3A_1224 = tpu.memref_slice %arg10[%dma_wait3A_1223] : memref<512xi32, #tpu.memory_space<vmem>> -> memref<128xi32, #tpu.memory_space<vmem>>
    %dma_wait3A_1225 = arith.constant 0 : i32
    %dma_wait3A_1226 = tpu.memref_slice %arg4[%dma_wait3A_1225] : memref<128000000xf32, #tpu.memory_space<hbm>> -> memref<128000000xf32, #tpu.memory_space<hbm>>
    tpu.wait_indirect_dma semaphore(%arg18 : memref<!tpu.dma_semaphore, #tpu.memory_space<semaphore_mem>>) src(%dma_wait3A_1226 : memref<128000000xf32, #tpu.memory_space<hbm>>) dst(%dma_wait3A_1222 : memref<128xf32, #tpu.memory_space<vmem>>)
    %dma_wait3A_1227 = arith.constant 128 : i32
    %dma_wait3A_1228 = tpu.memref_slice %arg15[%dma_wait3A_1227] : memref<512xf32, #tpu.memory_space<vmem>> -> memref<128xf32, #tpu.memory_space<vmem>>
    %dma_wait3A_1229 = arith.constant 128 : i32
    %dma_wait3A_1230 = tpu.memref_slice %arg11[%dma_wait3A_1229] : memref<512xi32, #tpu.memory_space<vmem>> -> memref<128xi32, #tpu.memory_space<vmem>>
    %dma_wait3A_1231 = arith.constant 0 : i32
    %dma_wait3A_1232 = tpu.memref_slice %arg5[%dma_wait3A_1231] : memref<128000000xf32, #tpu.memory_space<hbm>> -> memref<128000000xf32, #tpu.memory_space<hbm>>
    tpu.wait_indirect_dma semaphore(%arg18 : memref<!tpu.dma_semaphore, #tpu.memory_space<semaphore_mem>>) src(%dma_wait3A_1232 : memref<128000000xf32, #tpu.memory_space<hbm>>) dst(%dma_wait3A_1228 : memref<128xf32, #tpu.memory_space<vmem>>)
    %dma_wait3A_1233 = arith.constant 128 : i32
    %dma_wait3A_1234 = tpu.memref_slice %arg16[%dma_wait3A_1233] : memref<512xf32, #tpu.memory_space<vmem>> -> memref<128xf32, #tpu.memory_space<vmem>>
    %dma_wait3A_1235 = arith.constant 128 : i32
    %dma_wait3A_1236 = tpu.memref_slice %arg12[%dma_wait3A_1235] : memref<512xi32, #tpu.memory_space<vmem>> -> memref<128xi32, #tpu.memory_space<vmem>>
    %dma_wait3A_1237 = arith.constant 0 : i32
    %dma_wait3A_1238 = tpu.memref_slice %arg5[%dma_wait3A_1237] : memref<128000000xf32, #tpu.memory_space<hbm>> -> memref<128000000xf32, #tpu.memory_space<hbm>>
    tpu.wait_indirect_dma semaphore(%arg18 : memref<!tpu.dma_semaphore, #tpu.memory_space<semaphore_mem>>) src(%dma_wait3A_1238 : memref<128000000xf32, #tpu.memory_space<hbm>>) dst(%dma_wait3A_1234 : memref<128xf32, #tpu.memory_space<vmem>>)
    %dma_wait3A_1239 = arith.constant 256 : i32
    %dma_wait3A_1240 = tpu.memref_slice %arg13[%dma_wait3A_1239] : memref<512xf32, #tpu.memory_space<vmem>> -> memref<128xf32, #tpu.memory_space<vmem>>
    %dma_wait3A_1241 = arith.constant 256 : i32
    %dma_wait3A_1242 = tpu.memref_slice %arg9[%dma_wait3A_1241] : memref<512xi32, #tpu.memory_space<vmem>> -> memref<128xi32, #tpu.memory_space<vmem>>
    %dma_wait3A_1243 = arith.constant 0 : i32
    %dma_wait3A_1244 = tpu.memref_slice %arg4[%dma_wait3A_1243] : memref<128000000xf32, #tpu.memory_space<hbm>> -> memref<128000000xf32, #tpu.memory_space<hbm>>
    tpu.wait_indirect_dma semaphore(%arg18 : memref<!tpu.dma_semaphore, #tpu.memory_space<semaphore_mem>>) src(%dma_wait3A_1244 : memref<128000000xf32, #tpu.memory_space<hbm>>) dst(%dma_wait3A_1240 : memref<128xf32, #tpu.memory_space<vmem>>)
    %dma_wait3A_1245 = arith.constant 256 : i32
    %dma_wait3A_1246 = tpu.memref_slice %arg14[%dma_wait3A_1245] : memref<512xf32, #tpu.memory_space<vmem>> -> memref<128xf32, #tpu.memory_space<vmem>>
    %dma_wait3A_1247 = arith.constant 256 : i32
    %dma_wait3A_1248 = tpu.memref_slice %arg10[%dma_wait3A_1247] : memref<512xi32, #tpu.memory_space<vmem>> -> memref<128xi32, #tpu.memory_space<vmem>>
    %dma_wait3A_1249 = arith.constant 0 : i32
    %dma_wait3A_1250 = tpu.memref_slice %arg4[%dma_wait3A_1249] : memref<128000000xf32, #tpu.memory_space<hbm>> -> memref<128000000xf32, #tpu.memory_space<hbm>>
    tpu.wait_indirect_dma semaphore(%arg18 : memref<!tpu.dma_semaphore, #tpu.memory_space<semaphore_mem>>) src(%dma_wait3A_1250 : memref<128000000xf32, #tpu.memory_space<hbm>>) dst(%dma_wait3A_1246 : memref<128xf32, #tpu.memory_space<vmem>>)
    %dma_wait3A_1251 = arith.constant 256 : i32
    %dma_wait3A_1252 = tpu.memref_slice %arg15[%dma_wait3A_1251] : memref<512xf32, #tpu.memory_space<vmem>> -> memref<128xf32, #tpu.memory_space<vmem>>
    %dma_wait3A_1253 = arith.constant 256 : i32
    %dma_wait3A_1254 = tpu.memref_slice %arg11[%dma_wait3A_1253] : memref<512xi32, #tpu.memory_space<vmem>> -> memref<128xi32, #tpu.memory_space<vmem>>
    %dma_wait3A_1255 = arith.constant 0 : i32
    %dma_wait3A_1256 = tpu.memref_slice %arg5[%dma_wait3A_1255] : memref<128000000xf32, #tpu.memory_space<hbm>> -> memref<128000000xf32, #tpu.memory_space<hbm>>
    tpu.wait_indirect_dma semaphore(%arg18 : memref<!tpu.dma_semaphore, #tpu.memory_space<semaphore_mem>>) src(%dma_wait3A_1256 : memref<128000000xf32, #tpu.memory_space<hbm>>) dst(%dma_wait3A_1252 : memref<128xf32, #tpu.memory_space<vmem>>)
    %dma_wait3A_1257 = arith.constant 256 : i32
    %dma_wait3A_1258 = tpu.memref_slice %arg16[%dma_wait3A_1257] : memref<512xf32, #tpu.memory_space<vmem>> -> memref<128xf32, #tpu.memory_space<vmem>>
    %dma_wait3A_1259 = arith.constant 256 : i32
    %dma_wait3A_1260 = tpu.memref_slice %arg12[%dma_wait3A_1259] : memref<512xi32, #tpu.memory_space<vmem>> -> memref<128xi32, #tpu.memory_space<vmem>>
    %dma_wait3A_1261 = arith.constant 0 : i32
    %dma_wait3A_1262 = tpu.memref_slice %arg5[%dma_wait3A_1261] : memref<128000000xf32, #tpu.memory_space<hbm>> -> memref<128000000xf32, #tpu.memory_space<hbm>>
    tpu.wait_indirect_dma semaphore(%arg18 : memref<!tpu.dma_semaphore, #tpu.memory_space<semaphore_mem>>) src(%dma_wait3A_1262 : memref<128000000xf32, #tpu.memory_space<hbm>>) dst(%dma_wait3A_1258 : memref<128xf32, #tpu.memory_space<vmem>>)
    %dma_wait3A_1263 = arith.constant 384 : i32
    %dma_wait3A_1264 = tpu.memref_slice %arg13[%dma_wait3A_1263] : memref<512xf32, #tpu.memory_space<vmem>> -> memref<128xf32, #tpu.memory_space<vmem>>
    %dma_wait3A_1265 = arith.constant 384 : i32
    %dma_wait3A_1266 = tpu.memref_slice %arg9[%dma_wait3A_1265] : memref<512xi32, #tpu.memory_space<vmem>> -> memref<128xi32, #tpu.memory_space<vmem>>
    %dma_wait3A_1267 = arith.constant 0 : i32
    %dma_wait3A_1268 = tpu.memref_slice %arg4[%dma_wait3A_1267] : memref<128000000xf32, #tpu.memory_space<hbm>> -> memref<128000000xf32, #tpu.memory_space<hbm>>
    tpu.wait_indirect_dma semaphore(%arg18 : memref<!tpu.dma_semaphore, #tpu.memory_space<semaphore_mem>>) src(%dma_wait3A_1268 : memref<128000000xf32, #tpu.memory_space<hbm>>) dst(%dma_wait3A_1264 : memref<128xf32, #tpu.memory_space<vmem>>)
    %dma_wait3A_1269 = arith.constant 384 : i32
    %dma_wait3A_1270 = tpu.memref_slice %arg14[%dma_wait3A_1269] : memref<512xf32, #tpu.memory_space<vmem>> -> memref<128xf32, #tpu.memory_space<vmem>>
    %dma_wait3A_1271 = arith.constant 384 : i32
    %dma_wait3A_1272 = tpu.memref_slice %arg10[%dma_wait3A_1271] : memref<512xi32, #tpu.memory_space<vmem>> -> memref<128xi32, #tpu.memory_space<vmem>>
    %dma_wait3A_1273 = arith.constant 0 : i32
    %dma_wait3A_1274 = tpu.memref_slice %arg4[%dma_wait3A_1273] : memref<128000000xf32, #tpu.memory_space<hbm>> -> memref<128000000xf32, #tpu.memory_space<hbm>>
    tpu.wait_indirect_dma semaphore(%arg18 : memref<!tpu.dma_semaphore, #tpu.memory_space<semaphore_mem>>) src(%dma_wait3A_1274 : memref<128000000xf32, #tpu.memory_space<hbm>>) dst(%dma_wait3A_1270 : memref<128xf32, #tpu.memory_space<vmem>>)
    %dma_wait3A_1275 = arith.constant 384 : i32
    %dma_wait3A_1276 = tpu.memref_slice %arg15[%dma_wait3A_1275] : memref<512xf32, #tpu.memory_space<vmem>> -> memref<128xf32, #tpu.memory_space<vmem>>
    %dma_wait3A_1277 = arith.constant 384 : i32
    %dma_wait3A_1278 = tpu.memref_slice %arg11[%dma_wait3A_1277] : memref<512xi32, #tpu.memory_space<vmem>> -> memref<128xi32, #tpu.memory_space<vmem>>
    %dma_wait3A_1279 = arith.constant 0 : i32
    %dma_wait3A_1280 = tpu.memref_slice %arg5[%dma_wait3A_1279] : memref<128000000xf32, #tpu.memory_space<hbm>> -> memref<128000000xf32, #tpu.memory_space<hbm>>
    tpu.wait_indirect_dma semaphore(%arg18 : memref<!tpu.dma_semaphore, #tpu.memory_space<semaphore_mem>>) src(%dma_wait3A_1280 : memref<128000000xf32, #tpu.memory_space<hbm>>) dst(%dma_wait3A_1276 : memref<128xf32, #tpu.memory_space<vmem>>)
    %dma_wait3A_1281 = arith.constant 384 : i32
    %dma_wait3A_1282 = tpu.memref_slice %arg16[%dma_wait3A_1281] : memref<512xf32, #tpu.memory_space<vmem>> -> memref<128xf32, #tpu.memory_space<vmem>>
    %dma_wait3A_1283 = arith.constant 384 : i32
    %dma_wait3A_1284 = tpu.memref_slice %arg12[%dma_wait3A_1283] : memref<512xi32, #tpu.memory_space<vmem>> -> memref<128xi32, #tpu.memory_space<vmem>>
    %dma_wait3A_1285 = arith.constant 0 : i32
    %dma_wait3A_1286 = tpu.memref_slice %arg5[%dma_wait3A_1285] : memref<128000000xf32, #tpu.memory_space<hbm>> -> memref<128000000xf32, #tpu.memory_space<hbm>>
    tpu.wait_indirect_dma semaphore(%arg18 : memref<!tpu.dma_semaphore, #tpu.memory_space<semaphore_mem>>) src(%dma_wait3A_1286 : memref<128000000xf32, #tpu.memory_space<hbm>>) dst(%dma_wait3A_1282 : memref<128xf32, #tpu.memory_space<vmem>>)
    %get3A_1287 = arith.constant 0 : index
    %get3A_1288 = tpu.vector_load %arg13[%get3A_1287] {strides = array<i32>} : memref<512xf32, #tpu.memory_space<vmem>>, vector<16xf32>,
    %get3A_1289 = vector.shape_cast %get3A_1288 : vector<16xf32> to vector<16xf32>
    %get3A_1290 = arith.constant 0 : index
    %get3A_1291 = tpu.vector_load %arg15[%get3A_1290] {strides = array<i32>} : memref<512xf32, #tpu.memory_space<vmem>>, vector<16xf32>,
    %get3A_1292 = vector.shape_cast %get3A_1291 : vector<16xf32> to vector<16xf32>
    %sub3A = arith.subf %get3A_1289, %get3A_1292 : vector<16xf32>
    %neg3A = arith.constant 0.000000e+00 : f32
    %neg3A_1293 = vector.broadcast %neg3A : f32 to vector<16xf32>
    %neg3A_1294 = arith.subf %neg3A_1293, %sub3A : vector<16xf32>
    %exp3A = math.exp %neg3A_1294 : vector<16xf32>
    %add3A_1295 = arith.constant 1.000000e+00 : f32
    %add3A_1296 = vector.broadcast %add3A_1295 : f32 to vector<16xf32>
    %add3A_1297 = arith.addf %add3A_1296, %exp3A : vector<16xf32>
    %div3A = arith.constant 1.000000e+00 : f32
    %div3A_1298 = vector.broadcast %div3A : f32 to vector<16xf32>
    %div3A_1299 = arith.divf %div3A_1298, %add3A_1297 : vector<16xf32>
    %get3A_1300 = arith.constant 0 : index
    %get3A_1301 = tpu.vector_load %arg14[%get3A_1300] {strides = array<i32>} : memref<512xf32, #tpu.memory_space<vmem>>, vector<16xf32>,
    %get3A_1302 = vector.shape_cast %get3A_1301 : vector<16xf32> to vector<16xf32>
    %get3A_1303 = arith.constant 0 : index
    %get3A_1304 = tpu.vector_load %arg16[%get3A_1303] {strides = array<i32>} : memref<512xf32, #tpu.memory_space<vmem>>, vector<16xf32>,
    %get3A_1305 = vector.shape_cast %get3A_1304 : vector<16xf32> to vector<16xf32>
    %sub3A_1306 = arith.subf %get3A_1302, %get3A_1305 : vector<16xf32>
    %neg3A_1307 = arith.constant 0.000000e+00 : f32
    %neg3A_1308 = vector.broadcast %neg3A_1307 : f32 to vector<16xf32>
    %neg3A_1309 = arith.subf %neg3A_1308, %sub3A_1306 : vector<16xf32>
    %exp3A_1310 = math.exp %neg3A_1309 : vector<16xf32>
    %add3A_1311 = arith.constant 1.000000e+00 : f32
    %add3A_1312 = vector.broadcast %add3A_1311 : f32 to vector<16xf32>
    %add3A_1313 = arith.addf %add3A_1312, %exp3A_1310 : vector<16xf32>
    %div3A_1314 = arith.constant 1.000000e+00 : f32
    %div3A_1315 = vector.broadcast %div3A_1314 : f32 to vector<16xf32>
    %div3A_1316 = arith.divf %div3A_1315, %add3A_1313 : vector<16xf32>
    %add3A_1317 = arith.addf %div3A_1299, %div3A_1316 : vector<16xf32>
    %mul3A_1318 = arith.constant 5.000000e-01 : f32
    %mul3A_1319 = vector.broadcast %mul3A_1318 : f32 to vector<16xf32>
    %mul3A_1320 = arith.mulf %add3A_1317, %mul3A_1319 : vector<16xf32>
    %swap3A_1321 = arith.constant 0 : index
    %swap3A_1322 = tpu.vector_load %arg17[%swap3A_1321] {strides = array<i32>} : memref<512xf32, #tpu.memory_space<vmem>>, vector<16xf32>,
    %swap3A_1323 = vector.shape_cast %swap3A_1322 : vector<16xf32> to vector<16xf32>
    %swap3A_1324 = vector.shape_cast %mul3A_1320 : vector<16xf32> to vector<16xf32>
    tpu.vector_store %arg17[%swap3A_1321], %swap3A_1324 {strides = array<i32>} : memref<512xf32, #tpu.memory_space<vmem>>, vector<16xf32>,
    %get3A_1325 = arith.constant 16 : index
    %get3A_1326 = tpu.vector_load %arg13[%get3A_1325] {strides = array<i32>} : memref<512xf32, #tpu.memory_space<vmem>>, vector<16xf32>,
    %get3A_1327 = vector.shape_cast %get3A_1326 : vector<16xf32> to vector<16xf32>
    %get3A_1328 = arith.constant 16 : index
    %get3A_1329 = tpu.vector_load %arg15[%get3A_1328] {strides = array<i32>} : memref<512xf32, #tpu.memory_space<vmem>>, vector<16xf32>,
    %get3A_1330 = vector.shape_cast %get3A_1329 : vector<16xf32> to vector<16xf32>
    %sub3A_1331 = arith.subf %get3A_1327, %get3A_1330 : vector<16xf32>
    %neg3A_1332 = arith.constant 0.000000e+00 : f32
    %neg3A_1333 = vector.broadcast %neg3A_1332 : f32 to vector<16xf32>
    %neg3A_1334 = arith.subf %neg3A_1333, %sub3A_1331 : vector<16xf32>
    %exp3A_1335 = math.exp %neg3A_1334 : vector<16xf32>
    %add3A_1336 = arith.constant 1.000000e+00 : f32
    %add3A_1337 = vector.broadcast %add3A_1336 : f32 to vector<16xf32>
    %add3A_1338 = arith.addf %add3A_1337, %exp3A_1335 : vector<16xf32>
    %div3A_1339 = arith.constant 1.000000e+00 : f32
    %div3A_1340 = vector.broadcast %div3A_1339 : f32 to vector<16xf32>
    %div3A_1341 = arith.divf %div3A_1340, %add3A_1338 : vector<16xf32>
    %get3A_1342 = arith.constant 16 : index
    %get3A_1343 = tpu.vector_load %arg14[%get3A_1342] {strides = array<i32>} : memref<512xf32, #tpu.memory_space<vmem>>, vector<16xf32>,
    %get3A_1344 = vector.shape_cast %get3A_1343 : vector<16xf32> to vector<16xf32>
    %get3A_1345 = arith.constant 16 : index
    %get3A_1346 = tpu.vector_load %arg16[%get3A_1345] {strides = array<i32>} : memref<512xf32, #tpu.memory_space<vmem>>, vector<16xf32>,
    %get3A_1347 = vector.shape_cast %get3A_1346 : vector<16xf32> to vector<16xf32>
    %sub3A_1348 = arith.subf %get3A_1344, %get3A_1347 : vector<16xf32>
    %neg3A_1349 = arith.constant 0.000000e+00 : f32
    %neg3A_1350 = vector.broadcast %neg3A_1349 : f32 to vector<16xf32>
    %neg3A_1351 = arith.subf %neg3A_1350, %sub3A_1348 : vector<16xf32>
    %exp3A_1352 = math.exp %neg3A_1351 : vector<16xf32>
    %add3A_1353 = arith.constant 1.000000e+00 : f32
    %add3A_1354 = vector.broadcast %add3A_1353 : f32 to vector<16xf32>
    %add3A_1355 = arith.addf %add3A_1354, %exp3A_1352 : vector<16xf32>
    %div3A_1356 = arith.constant 1.000000e+00 : f32
    %div3A_1357 = vector.broadcast %div3A_1356 : f32 to vector<16xf32>
    %div3A_1358 = arith.divf %div3A_1357, %add3A_1355 : vector<16xf32>
    %add3A_1359 = arith.addf %div3A_1341, %div3A_1358 : vector<16xf32>
    %mul3A_1360 = arith.constant 5.000000e-01 : f32
    %mul3A_1361 = vector.broadcast %mul3A_1360 : f32 to vector<16xf32>
    %mul3A_1362 = arith.mulf %add3A_1359, %mul3A_1361 : vector<16xf32>
    %swap3A_1363 = arith.constant 16 : index
    %swap3A_1364 = tpu.vector_load %arg17[%swap3A_1363] {strides = array<i32>} : memref<512xf32, #tpu.memory_space<vmem>>, vector<16xf32>,
    %swap3A_1365 = vector.shape_cast %swap3A_1364 : vector<16xf32> to vector<16xf32>
    %swap3A_1366 = vector.shape_cast %mul3A_1362 : vector<16xf32> to vector<16xf32>
    tpu.vector_store %arg17[%swap3A_1363], %swap3A_1366 {strides = array<i32>} : memref<512xf32, #tpu.memory_space<vmem>>, vector<16xf32>,
    %get3A_1367 = arith.constant 32 : index
    %get3A_1368 = tpu.vector_load %arg13[%get3A_1367] {strides = array<i32>} : memref<512xf32, #tpu.memory_space<vmem>>, vector<16xf32>,
    %get3A_1369 = vector.shape_cast %get3A_1368 : vector<16xf32> to vector<16xf32>
    %get3A_1370 = arith.constant 32 : index
    %get3A_1371 = tpu.vector_load %arg15[%get3A_1370] {strides = array<i32>} : memref<512xf32, #tpu.memory_space<vmem>>, vector<16xf32>,
    %get3A_1372 = vector.shape_cast %get3A_1371 : vector<16xf32> to vector<16xf32>
    %sub3A_1373 = arith.subf %get3A_1369, %get3A_1372 : vector<16xf32>
    %neg3A_1374 = arith.constant 0.000000e+00 : f32
    %neg3A_1375 = vector.broadcast %neg3A_1374 : f32 to vector<16xf32>
    %neg3A_1376 = arith.subf %neg3A_1375, %sub3A_1373 : vector<16xf32>
    %exp3A_1377 = math.exp %neg3A_1376 : vector<16xf32>
    %add3A_1378 = arith.constant 1.000000e+00 : f32
    %add3A_1379 = vector.broadcast %add3A_1378 : f32 to vector<16xf32>
    %add3A_1380 = arith.addf %add3A_1379, %exp3A_1377 : vector<16xf32>
    %div3A_1381 = arith.constant 1.000000e+00 : f32
    %div3A_1382 = vector.broadcast %div3A_1381 : f32 to vector<16xf32>
    %div3A_1383 = arith.divf %div3A_1382, %add3A_1380 : vector<16xf32>
    %get3A_1384 = arith.constant 32 : index
    %get3A_1385 = tpu.vector_load %arg14[%get3A_1384] {strides = array<i32>} : memref<512xf32, #tpu.memory_space<vmem>>, vector<16xf32>,
    %get3A_1386 = vector.shape_cast %get3A_1385 : vector<16xf32> to vector<16xf32>
    %get3A_1387 = arith.constant 32 : index
    %get3A_1388 = tpu.vector_load %arg16[%get3A_1387] {strides = array<i32>} : memref<512xf32, #tpu.memory_space<vmem>>, vector<16xf32>,
    %get3A_1389 = vector.shape_cast %get3A_1388 : vector<16xf32> to vector<16xf32>
    %sub3A_1390 = arith.subf %get3A_1386, %get3A_1389 : vector<16xf32>
    %neg3A_1391 = arith.constant 0.000000e+00 : f32
    %neg3A_1392 = vector.broadcast %neg3A_1391 : f32 to vector<16xf32>
    %neg3A_1393 = arith.subf %neg3A_1392, %sub3A_1390 : vector<16xf32>
    %exp3A_1394 = math.exp %neg3A_1393 : vector<16xf32>
    %add3A_1395 = arith.constant 1.000000e+00 : f32
    %add3A_1396 = vector.broadcast %add3A_1395 : f32 to vector<16xf32>
    %add3A_1397 = arith.addf %add3A_1396, %exp3A_1394 : vector<16xf32>
    %div3A_1398 = arith.constant 1.000000e+00 : f32
    %div3A_1399 = vector.broadcast %div3A_1398 : f32 to vector<16xf32>
    %div3A_1400 = arith.divf %div3A_1399, %add3A_1397 : vector<16xf32>
    %add3A_1401 = arith.addf %div3A_1383, %div3A_1400 : vector<16xf32>
    %mul3A_1402 = arith.constant 5.000000e-01 : f32
    %mul3A_1403 = vector.broadcast %mul3A_1402 : f32 to vector<16xf32>
    %mul3A_1404 = arith.mulf %add3A_1401, %mul3A_1403 : vector<16xf32>
    %swap3A_1405 = arith.constant 32 : index
    %swap3A_1406 = tpu.vector_load %arg17[%swap3A_1405] {strides = array<i32>} : memref<512xf32, #tpu.memory_space<vmem>>, vector<16xf32>,
    %swap3A_1407 = vector.shape_cast %swap3A_1406 : vector<16xf32> to vector<16xf32>
    %swap3A_1408 = vector.shape_cast %mul3A_1404 : vector<16xf32> to vector<16xf32>
    tpu.vector_store %arg17[%swap3A_1405], %swap3A_1408 {strides = array<i32>} : memref<512xf32, #tpu.memory_space<vmem>>, vector<16xf32>,
    %get3A_1409 = arith.constant 48 : index
    %get3A_1410 = tpu.vector_load %arg13[%get3A_1409] {strides = array<i32>} : memref<512xf32, #tpu.memory_space<vmem>>, vector<16xf32>,
    %get3A_1411 = vector.shape_cast %get3A_1410 : vector<16xf32> to vector<16xf32>
    %get3A_1412 = arith.constant 48 : index
    %get3A_1413 = tpu.vector_load %arg15[%get3A_1412] {strides = array<i32>} : memref<512xf32, #tpu.memory_space<vmem>>, vector<16xf32>,
    %get3A_1414 = vector.shape_cast %get3A_1413 : vector<16xf32> to vector<16xf32>
    %sub3A_1415 = arith.subf %get3A_1411, %get3A_1414 : vector<16xf32>
    %neg3A_1416 = arith.constant 0.000000e+00 : f32
    %neg3A_1417 = vector.broadcast %neg3A_1416 : f32 to vector<16xf32>
    %neg3A_1418 = arith.subf %neg3A_1417, %sub3A_1415 : vector<16xf32>
    %exp3A_1419 = math.exp %neg3A_1418 : vector<16xf32>
    %add3A_1420 = arith.constant 1.000000e+00 : f32
    %add3A_1421 = vector.broadcast %add3A_1420 : f32 to vector<16xf32>
    %add3A_1422 = arith.addf %add3A_1421, %exp3A_1419 : vector<16xf32>
    %div3A_1423 = arith.constant 1.000000e+00 : f32
    %div3A_1424 = vector.broadcast %div3A_1423 : f32 to vector<16xf32>
    %div3A_1425 = arith.divf %div3A_1424, %add3A_1422 : vector<16xf32>
    %get3A_1426 = arith.constant 48 : index
    %get3A_1427 = tpu.vector_load %arg14[%get3A_1426] {strides = array<i32>} : memref<512xf32, #tpu.memory_space<vmem>>, vector<16xf32>,
    %get3A_1428 = vector.shape_cast %get3A_1427 : vector<16xf32> to vector<16xf32>
    %get3A_1429 = arith.constant 48 : index
    %get3A_1430 = tpu.vector_load %arg16[%get3A_1429] {strides = array<i32>} : memref<512xf32, #tpu.memory_space<vmem>>, vector<16xf32>,
    %get3A_1431 = vector.shape_cast %get3A_1430 : vector<16xf32> to vector<16xf32>
    %sub3A_1432 = arith.subf %get3A_1428, %get3A_1431 : vector<16xf32>
    %neg3A_1433 = arith.constant 0.000000e+00 : f32
    %neg3A_1434 = vector.broadcast %neg3A_1433 : f32 to vector<16xf32>
    %neg3A_1435 = arith.subf %neg3A_1434, %sub3A_1432 : vector<16xf32>
    %exp3A_1436 = math.exp %neg3A_1435 : vector<16xf32>
    %add3A_1437 = arith.constant 1.000000e+00 : f32
    %add3A_1438 = vector.broadcast %add3A_1437 : f32 to vector<16xf32>
    %add3A_1439 = arith.addf %add3A_1438, %exp3A_1436 : vector<16xf32>
    %div3A_1440 = arith.constant 1.000000e+00 : f32
    %div3A_1441 = vector.broadcast %div3A_1440 : f32 to vector<16xf32>
    %div3A_1442 = arith.divf %div3A_1441, %add3A_1439 : vector<16xf32>
    %add3A_1443 = arith.addf %div3A_1425, %div3A_1442 : vector<16xf32>
    %mul3A_1444 = arith.constant 5.000000e-01 : f32
    %mul3A_1445 = vector.broadcast %mul3A_1444 : f32 to vector<16xf32>
    %mul3A_1446 = arith.mulf %add3A_1443, %mul3A_1445 : vector<16xf32>
    %swap3A_1447 = arith.constant 48 : index
    %swap3A_1448 = tpu.vector_load %arg17[%swap3A_1447] {strides = array<i32>} : memref<512xf32, #tpu.memory_space<vmem>>, vector<16xf32>,
    %swap3A_1449 = vector.shape_cast %swap3A_1448 : vector<16xf32> to vector<16xf32>
    %swap3A_1450 = vector.shape_cast %mul3A_1446 : vector<16xf32> to vector<16xf32>
    tpu.vector_store %arg17[%swap3A_1447], %swap3A_1450 {strides = array<i32>} : memref<512xf32, #tpu.memory_space<vmem>>, vector<16xf32>,
    %get3A_1451 = arith.constant 64 : index
    %get3A_1452 = tpu.vector_load %arg13[%get3A_1451] {strides = array<i32>} : memref<512xf32, #tpu.memory_space<vmem>>, vector<16xf32>,
    %get3A_1453 = vector.shape_cast %get3A_1452 : vector<16xf32> to vector<16xf32>
    %get3A_1454 = arith.constant 64 : index
    %get3A_1455 = tpu.vector_load %arg15[%get3A_1454] {strides = array<i32>} : memref<512xf32, #tpu.memory_space<vmem>>, vector<16xf32>,
    %get3A_1456 = vector.shape_cast %get3A_1455 : vector<16xf32> to vector<16xf32>
    %sub3A_1457 = arith.subf %get3A_1453, %get3A_1456 : vector<16xf32>
    %neg3A_1458 = arith.constant 0.000000e+00 : f32
    %neg3A_1459 = vector.broadcast %neg3A_1458 : f32 to vector<16xf32>
    %neg3A_1460 = arith.subf %neg3A_1459, %sub3A_1457 : vector<16xf32>
    %exp3A_1461 = math.exp %neg3A_1460 : vector<16xf32>
    %add3A_1462 = arith.constant 1.000000e+00 : f32
    %add3A_1463 = vector.broadcast %add3A_1462 : f32 to vector<16xf32>
    %add3A_1464 = arith.addf %add3A_1463, %exp3A_1461 : vector<16xf32>
    %div3A_1465 = arith.constant 1.000000e+00 : f32
    %div3A_1466 = vector.broadcast %div3A_1465 : f32 to vector<16xf32>
    %div3A_1467 = arith.divf %div3A_1466, %add3A_1464 : vector<16xf32>
    %get3A_1468 = arith.constant 64 : index
    %get3A_1469 = tpu.vector_load %arg14[%get3A_1468] {strides = array<i32>} : memref<512xf32, #tpu.memory_space<vmem>>, vector<16xf32>,
    %get3A_1470 = vector.shape_cast %get3A_1469 : vector<16xf32> to vector<16xf32>
    %get3A_1471 = arith.constant 64 : index
    %get3A_1472 = tpu.vector_load %arg16[%get3A_1471] {strides = array<i32>} : memref<512xf32, #tpu.memory_space<vmem>>, vector<16xf32>,
    %get3A_1473 = vector.shape_cast %get3A_1472 : vector<16xf32> to vector<16xf32>
    %sub3A_1474 = arith.subf %get3A_1470, %get3A_1473 : vector<16xf32>
    %neg3A_1475 = arith.constant 0.000000e+00 : f32
    %neg3A_1476 = vector.broadcast %neg3A_1475 : f32 to vector<16xf32>
    %neg3A_1477 = arith.subf %neg3A_1476, %sub3A_1474 : vector<16xf32>
    %exp3A_1478 = math.exp %neg3A_1477 : vector<16xf32>
    %add3A_1479 = arith.constant 1.000000e+00 : f32
    %add3A_1480 = vector.broadcast %add3A_1479 : f32 to vector<16xf32>
    %add3A_1481 = arith.addf %add3A_1480, %exp3A_1478 : vector<16xf32>
    %div3A_1482 = arith.constant 1.000000e+00 : f32
    %div3A_1483 = vector.broadcast %div3A_1482 : f32 to vector<16xf32>
    %div3A_1484 = arith.divf %div3A_1483, %add3A_1481 : vector<16xf32>
    %add3A_1485 = arith.addf %div3A_1467, %div3A_1484 : vector<16xf32>
    %mul3A_1486 = arith.constant 5.000000e-01 : f32
    %mul3A_1487 = vector.broadcast %mul3A_1486 : f32 to vector<16xf32>
    %mul3A_1488 = arith.mulf %add3A_1485, %mul3A_1487 : vector<16xf32>
    %swap3A_1489 = arith.constant 64 : index
    %swap3A_1490 = tpu.vector_load %arg17[%swap3A_1489] {strides = array<i32>} : memref<512xf32, #tpu.memory_space<vmem>>, vector<16xf32>,
    %swap3A_1491 = vector.shape_cast %swap3A_1490 : vector<16xf32> to vector<16xf32>
    %swap3A_1492 = vector.shape_cast %mul3A_1488 : vector<16xf32> to vector<16xf32>
    tpu.vector_store %arg17[%swap3A_1489], %swap3A_1492 {strides = array<i32>} : memref<512xf32, #tpu.memory_space<vmem>>, vector<16xf32>,
    %get3A_1493 = arith.constant 80 : index
    %get3A_1494 = tpu.vector_load %arg13[%get3A_1493] {strides = array<i32>} : memref<512xf32, #tpu.memory_space<vmem>>, vector<16xf32>,
    %get3A_1495 = vector.shape_cast %get3A_1494 : vector<16xf32> to vector<16xf32>
    %get3A_1496 = arith.constant 80 : index
    %get3A_1497 = tpu.vector_load %arg15[%get3A_1496] {strides = array<i32>} : memref<512xf32, #tpu.memory_space<vmem>>, vector<16xf32>,
    %get3A_1498 = vector.shape_cast %get3A_1497 : vector<16xf32> to vector<16xf32>
    %sub3A_1499 = arith.subf %get3A_1495, %get3A_1498 : vector<16xf32>
    %neg3A_1500 = arith.constant 0.000000e+00 : f32
    %neg3A_1501 = vector.broadcast %neg3A_1500 : f32 to vector<16xf32>
    %neg3A_1502 = arith.subf %neg3A_1501, %sub3A_1499 : vector<16xf32>
    %exp3A_1503 = math.exp %neg3A_1502 : vector<16xf32>
    %add3A_1504 = arith.constant 1.000000e+00 : f32
    %add3A_1505 = vector.broadcast %add3A_1504 : f32 to vector<16xf32>
    %add3A_1506 = arith.addf %add3A_1505, %exp3A_1503 : vector<16xf32>
    %div3A_1507 = arith.constant 1.000000e+00 : f32
    %div3A_1508 = vector.broadcast %div3A_1507 : f32 to vector<16xf32>
    %div3A_1509 = arith.divf %div3A_1508, %add3A_1506 : vector<16xf32>
    %get3A_1510 = arith.constant 80 : index
    %get3A_1511 = tpu.vector_load %arg14[%get3A_1510] {strides = array<i32>} : memref<512xf32, #tpu.memory_space<vmem>>, vector<16xf32>,
    %get3A_1512 = vector.shape_cast %get3A_1511 : vector<16xf32> to vector<16xf32>
    %get3A_1513 = arith.constant 80 : index
    %get3A_1514 = tpu.vector_load %arg16[%get3A_1513] {strides = array<i32>} : memref<512xf32, #tpu.memory_space<vmem>>, vector<16xf32>,
    %get3A_1515 = vector.shape_cast %get3A_1514 : vector<16xf32> to vector<16xf32>
    %sub3A_1516 = arith.subf %get3A_1512, %get3A_1515 : vector<16xf32>
    %neg3A_1517 = arith.constant 0.000000e+00 : f32
    %neg3A_1518 = vector.broadcast %neg3A_1517 : f32 to vector<16xf32>
    %neg3A_1519 = arith.subf %neg3A_1518, %sub3A_1516 : vector<16xf32>
    %exp3A_1520 = math.exp %neg3A_1519 : vector<16xf32>
    %add3A_1521 = arith.constant 1.000000e+00 : f32
    %add3A_1522 = vector.broadcast %add3A_1521 : f32 to vector<16xf32>
    %add3A_1523 = arith.addf %add3A_1522, %exp3A_1520 : vector<16xf32>
    %div3A_1524 = arith.constant 1.000000e+00 : f32
    %div3A_1525 = vector.broadcast %div3A_1524 : f32 to vector<16xf32>
    %div3A_1526 = arith.divf %div3A_1525, %add3A_1523 : vector<16xf32>
    %add3A_1527 = arith.addf %div3A_1509, %div3A_1526 : vector<16xf32>
    %mul3A_1528 = arith.constant 5.000000e-01 : f32
    %mul3A_1529 = vector.broadcast %mul3A_1528 : f32 to vector<16xf32>
    %mul3A_1530 = arith.mulf %add3A_1527, %mul3A_1529 : vector<16xf32>
    %swap3A_1531 = arith.constant 80 : index
    %swap3A_1532 = tpu.vector_load %arg17[%swap3A_1531] {strides = array<i32>} : memref<512xf32, #tpu.memory_space<vmem>>, vector<16xf32>,
    %swap3A_1533 = vector.shape_cast %swap3A_1532 : vector<16xf32> to vector<16xf32>
    %swap3A_1534 = vector.shape_cast %mul3A_1530 : vector<16xf32> to vector<16xf32>
    tpu.vector_store %arg17[%swap3A_1531], %swap3A_1534 {strides = array<i32>} : memref<512xf32, #tpu.memory_space<vmem>>, vector<16xf32>,
    %get3A_1535 = arith.constant 96 : index
    %get3A_1536 = tpu.vector_load %arg13[%get3A_1535] {strides = array<i32>} : memref<512xf32, #tpu.memory_space<vmem>>, vector<16xf32>,
    %get3A_1537 = vector.shape_cast %get3A_1536 : vector<16xf32> to vector<16xf32>
    %get3A_1538 = arith.constant 96 : index
    %get3A_1539 = tpu.vector_load %arg15[%get3A_1538] {strides = array<i32>} : memref<512xf32, #tpu.memory_space<vmem>>, vector<16xf32>,
    %get3A_1540 = vector.shape_cast %get3A_1539 : vector<16xf32> to vector<16xf32>
    %sub3A_1541 = arith.subf %get3A_1537, %get3A_1540 : vector<16xf32>
    %neg3A_1542 = arith.constant 0.000000e+00 : f32
    %neg3A_1543 = vector.broadcast %neg3A_1542 : f32 to vector<16xf32>
    %neg3A_1544 = arith.subf %neg3A_1543, %sub3A_1541 : vector<16xf32>
    %exp3A_1545 = math.exp %neg3A_1544 : vector<16xf32>
    %add3A_1546 = arith.constant 1.000000e+00 : f32
    %add3A_1547 = vector.broadcast %add3A_1546 : f32 to vector<16xf32>
    %add3A_1548 = arith.addf %add3A_1547, %exp3A_1545 : vector<16xf32>
    %div3A_1549 = arith.constant 1.000000e+00 : f32
    %div3A_1550 = vector.broadcast %div3A_1549 : f32 to vector<16xf32>
    %div3A_1551 = arith.divf %div3A_1550, %add3A_1548 : vector<16xf32>
    %get3A_1552 = arith.constant 96 : index
    %get3A_1553 = tpu.vector_load %arg14[%get3A_1552] {strides = array<i32>} : memref<512xf32, #tpu.memory_space<vmem>>, vector<16xf32>,
    %get3A_1554 = vector.shape_cast %get3A_1553 : vector<16xf32> to vector<16xf32>
    %get3A_1555 = arith.constant 96 : index
    %get3A_1556 = tpu.vector_load %arg16[%get3A_1555] {strides = array<i32>} : memref<512xf32, #tpu.memory_space<vmem>>, vector<16xf32>,
    %get3A_1557 = vector.shape_cast %get3A_1556 : vector<16xf32> to vector<16xf32>
    %sub3A_1558 = arith.subf %get3A_1554, %get3A_1557 : vector<16xf32>
    %neg3A_1559 = arith.constant 0.000000e+00 : f32
    %neg3A_1560 = vector.broadcast %neg3A_1559 : f32 to vector<16xf32>
    %neg3A_1561 = arith.subf %neg3A_1560, %sub3A_1558 : vector<16xf32>
    %exp3A_1562 = math.exp %neg3A_1561 : vector<16xf32>
    %add3A_1563 = arith.constant 1.000000e+00 : f32
    %add3A_1564 = vector.broadcast %add3A_1563 : f32 to vector<16xf32>
    %add3A_1565 = arith.addf %add3A_1564, %exp3A_1562 : vector<16xf32>
    %div3A_1566 = arith.constant 1.000000e+00 : f32
    %div3A_1567 = vector.broadcast %div3A_1566 : f32 to vector<16xf32>
    %div3A_1568 = arith.divf %div3A_1567, %add3A_1565 : vector<16xf32>
    %add3A_1569 = arith.addf %div3A_1551, %div3A_1568 : vector<16xf32>
    %mul3A_1570 = arith.constant 5.000000e-01 : f32
    %mul3A_1571 = vector.broadcast %mul3A_1570 : f32 to vector<16xf32>
    %mul3A_1572 = arith.mulf %add3A_1569, %mul3A_1571 : vector<16xf32>
    %swap3A_1573 = arith.constant 96 : index
    %swap3A_1574 = tpu.vector_load %arg17[%swap3A_1573] {strides = array<i32>} : memref<512xf32, #tpu.memory_space<vmem>>, vector<16xf32>,
    %swap3A_1575 = vector.shape_cast %swap3A_1574 : vector<16xf32> to vector<16xf32>
    %swap3A_1576 = vector.shape_cast %mul3A_1572 : vector<16xf32> to vector<16xf32>
    tpu.vector_store %arg17[%swap3A_1573], %swap3A_1576 {strides = array<i32>} : memref<512xf32, #tpu.memory_space<vmem>>, vector<16xf32>,
    %get3A_1577 = arith.constant 112 : index
    %get3A_1578 = tpu.vector_load %arg13[%get3A_1577] {strides = array<i32>} : memref<512xf32, #tpu.memory_space<vmem>>, vector<16xf32>,
    %get3A_1579 = vector.shape_cast %get3A_1578 : vector<16xf32> to vector<16xf32>
    %get3A_1580 = arith.constant 112 : index
    %get3A_1581 = tpu.vector_load %arg15[%get3A_1580] {strides = array<i32>} : memref<512xf32, #tpu.memory_space<vmem>>, vector<16xf32>,
    %get3A_1582 = vector.shape_cast %get3A_1581 : vector<16xf32> to vector<16xf32>
    %sub3A_1583 = arith.subf %get3A_1579, %get3A_1582 : vector<16xf32>
    %neg3A_1584 = arith.constant 0.000000e+00 : f32
    %neg3A_1585 = vector.broadcast %neg3A_1584 : f32 to vector<16xf32>
    %neg3A_1586 = arith.subf %neg3A_1585, %sub3A_1583 : vector<16xf32>
    %exp3A_1587 = math.exp %neg3A_1586 : vector<16xf32>
    %add3A_1588 = arith.constant 1.000000e+00 : f32
    %add3A_1589 = vector.broadcast %add3A_1588 : f32 to vector<16xf32>
    %add3A_1590 = arith.addf %add3A_1589, %exp3A_1587 : vector<16xf32>
    %div3A_1591 = arith.constant 1.000000e+00 : f32
    %div3A_1592 = vector.broadcast %div3A_1591 : f32 to vector<16xf32>
    %div3A_1593 = arith.divf %div3A_1592, %add3A_1590 : vector<16xf32>
    %get3A_1594 = arith.constant 112 : index
    %get3A_1595 = tpu.vector_load %arg14[%get3A_1594] {strides = array<i32>} : memref<512xf32, #tpu.memory_space<vmem>>, vector<16xf32>,
    %get3A_1596 = vector.shape_cast %get3A_1595 : vector<16xf32> to vector<16xf32>
    %get3A_1597 = arith.constant 112 : index
    %get3A_1598 = tpu.vector_load %arg16[%get3A_1597] {strides = array<i32>} : memref<512xf32, #tpu.memory_space<vmem>>, vector<16xf32>,
    %get3A_1599 = vector.shape_cast %get3A_1598 : vector<16xf32> to vector<16xf32>
    %sub3A_1600 = arith.subf %get3A_1596, %get3A_1599 : vector<16xf32>
    %neg3A_1601 = arith.constant 0.000000e+00 : f32
    %neg3A_1602 = vector.broadcast %neg3A_1601 : f32 to vector<16xf32>
    %neg3A_1603 = arith.subf %neg3A_1602, %sub3A_1600 : vector<16xf32>
    %exp3A_1604 = math.exp %neg3A_1603 : vector<16xf32>
    %add3A_1605 = arith.constant 1.000000e+00 : f32
    %add3A_1606 = vector.broadcast %add3A_1605 : f32 to vector<16xf32>
    %add3A_1607 = arith.addf %add3A_1606, %exp3A_1604 : vector<16xf32>
    %div3A_1608 = arith.constant 1.000000e+00 : f32
    %div3A_1609 = vector.broadcast %div3A_1608 : f32 to vector<16xf32>
    %div3A_1610 = arith.divf %div3A_1609, %add3A_1607 : vector<16xf32>
    %add3A_1611 = arith.addf %div3A_1593, %div3A_1610 : vector<16xf32>
    %mul3A_1612 = arith.constant 5.000000e-01 : f32
    %mul3A_1613 = vector.broadcast %mul3A_1612 : f32 to vector<16xf32>
    %mul3A_1614 = arith.mulf %add3A_1611, %mul3A_1613 : vector<16xf32>
    %swap3A_1615 = arith.constant 112 : index
    %swap3A_1616 = tpu.vector_load %arg17[%swap3A_1615] {strides = array<i32>} : memref<512xf32, #tpu.memory_space<vmem>>, vector<16xf32>,
    %swap3A_1617 = vector.shape_cast %swap3A_1616 : vector<16xf32> to vector<16xf32>
    %swap3A_1618 = vector.shape_cast %mul3A_1614 : vector<16xf32> to vector<16xf32>
    tpu.vector_store %arg17[%swap3A_1615], %swap3A_1618 {strides = array<i32>} : memref<512xf32, #tpu.memory_space<vmem>>, vector<16xf32>,
    %get3A_1619 = arith.constant 128 : index
    %get3A_1620 = tpu.vector_load %arg13[%get3A_1619] {strides = array<i32>} : memref<512xf32, #tpu.memory_space<vmem>>, vector<16xf32>,
    %get3A_1621 = vector.shape_cast %get3A_1620 : vector<16xf32> to vector<16xf32>
    %get3A_1622 = arith.constant 128 : index
    %get3A_1623 = tpu.vector_load %arg15[%get3A_1622] {strides = array<i32>} : memref<512xf32, #tpu.memory_space<vmem>>, vector<16xf32>,
    %get3A_1624 = vector.shape_cast %get3A_1623 : vector<16xf32> to vector<16xf32>
    %sub3A_1625 = arith.subf %get3A_1621, %get3A_1624 : vector<16xf32>
    %neg3A_1626 = arith.constant 0.000000e+00 : f32
    %neg3A_1627 = vector.broadcast %neg3A_1626 : f32 to vector<16xf32>
    %neg3A_1628 = arith.subf %neg3A_1627, %sub3A_1625 : vector<16xf32>
    %exp3A_1629 = math.exp %neg3A_1628 : vector<16xf32>
    %add3A_1630 = arith.constant 1.000000e+00 : f32
    %add3A_1631 = vector.broadcast %add3A_1630 : f32 to vector<16xf32>
    %add3A_1632 = arith.addf %add3A_1631, %exp3A_1629 : vector<16xf32>
    %div3A_1633 = arith.constant 1.000000e+00 : f32
    %div3A_1634 = vector.broadcast %div3A_1633 : f32 to vector<16xf32>
    %div3A_1635 = arith.divf %div3A_1634, %add3A_1632 : vector<16xf32>
    %get3A_1636 = arith.constant 128 : index
    %get3A_1637 = tpu.vector_load %arg14[%get3A_1636] {strides = array<i32>} : memref<512xf32, #tpu.memory_space<vmem>>, vector<16xf32>,
    %get3A_1638 = vector.shape_cast %get3A_1637 : vector<16xf32> to vector<16xf32>
    %get3A_1639 = arith.constant 128 : index
    %get3A_1640 = tpu.vector_load %arg16[%get3A_1639] {strides = array<i32>} : memref<512xf32, #tpu.memory_space<vmem>>, vector<16xf32>,
    %get3A_1641 = vector.shape_cast %get3A_1640 : vector<16xf32> to vector<16xf32>
    %sub3A_1642 = arith.subf %get3A_1638, %get3A_1641 : vector<16xf32>
    %neg3A_1643 = arith.constant 0.000000e+00 : f32
    %neg3A_1644 = vector.broadcast %neg3A_1643 : f32 to vector<16xf32>
    %neg3A_1645 = arith.subf %neg3A_1644, %sub3A_1642 : vector<16xf32>
    %exp3A_1646 = math.exp %neg3A_1645 : vector<16xf32>
    %add3A_1647 = arith.constant 1.000000e+00 : f32
    %add3A_1648 = vector.broadcast %add3A_1647 : f32 to vector<16xf32>
    %add3A_1649 = arith.addf %add3A_1648, %exp3A_1646 : vector<16xf32>
    %div3A_1650 = arith.constant 1.000000e+00 : f32
    %div3A_1651 = vector.broadcast %div3A_1650 : f32 to vector<16xf32>
    %div3A_1652 = arith.divf %div3A_1651, %add3A_1649 : vector<16xf32>
    %add3A_1653 = arith.addf %div3A_1635, %div3A_1652 : vector<16xf32>
    %mul3A_1654 = arith.constant 5.000000e-01 : f32
    %mul3A_1655 = vector.broadcast %mul3A_1654 : f32 to vector<16xf32>
    %mul3A_1656 = arith.mulf %add3A_1653, %mul3A_1655 : vector<16xf32>
    %swap3A_1657 = arith.constant 128 : index
    %swap3A_1658 = tpu.vector_load %arg17[%swap3A_1657] {strides = array<i32>} : memref<512xf32, #tpu.memory_space<vmem>>, vector<16xf32>,
    %swap3A_1659 = vector.shape_cast %swap3A_1658 : vector<16xf32> to vector<16xf32>
    %swap3A_1660 = vector.shape_cast %mul3A_1656 : vector<16xf32> to vector<16xf32>
    tpu.vector_store %arg17[%swap3A_1657], %swap3A_1660 {strides = array<i32>} : memref<512xf32, #tpu.memory_space<vmem>>, vector<16xf32>,
    %get3A_1661 = arith.constant 144 : index
    %get3A_1662 = tpu.vector_load %arg13[%get3A_1661] {strides = array<i32>} : memref<512xf32, #tpu.memory_space<vmem>>, vector<16xf32>,
    %get3A_1663 = vector.shape_cast %get3A_1662 : vector<16xf32> to vector<16xf32>
    %get3A_1664 = arith.constant 144 : index
    %get3A_1665 = tpu.vector_load %arg15[%get3A_1664] {strides = array<i32>} : memref<512xf32, #tpu.memory_space<vmem>>, vector<16xf32>,
    %get3A_1666 = vector.shape_cast %get3A_1665 : vector<16xf32> to vector<16xf32>
    %sub3A_1667 = arith.subf %get3A_1663, %get3A_1666 : vector<16xf32>
    %neg3A_1668 = arith.constant 0.000000e+00 : f32
    %neg3A_1669 = vector.broadcast %neg3A_1668 : f32 to vector<16xf32>
    %neg3A_1670 = arith.subf %neg3A_1669, %sub3A_1667 : vector<16xf32>
    %exp3A_1671 = math.exp %neg3A_1670 : vector<16xf32>
    %add3A_1672 = arith.constant 1.000000e+00 : f32
    %add3A_1673 = vector.broadcast %add3A_1672 : f32 to vector<16xf32>
    %add3A_1674 = arith.addf %add3A_1673, %exp3A_1671 : vector<16xf32>
    %div3A_1675 = arith.constant 1.000000e+00 : f32
    %div3A_1676 = vector.broadcast %div3A_1675 : f32 to vector<16xf32>
    %div3A_1677 = arith.divf %div3A_1676, %add3A_1674 : vector<16xf32>
    %get3A_1678 = arith.constant 144 : index
    %get3A_1679 = tpu.vector_load %arg14[%get3A_1678] {strides = array<i32>} : memref<512xf32, #tpu.memory_space<vmem>>, vector<16xf32>,
    %get3A_1680 = vector.shape_cast %get3A_1679 : vector<16xf32> to vector<16xf32>
    %get3A_1681 = arith.constant 144 : index
    %get3A_1682 = tpu.vector_load %arg16[%get3A_1681] {strides = array<i32>} : memref<512xf32, #tpu.memory_space<vmem>>, vector<16xf32>,
    %get3A_1683 = vector.shape_cast %get3A_1682 : vector<16xf32> to vector<16xf32>
    %sub3A_1684 = arith.subf %get3A_1680, %get3A_1683 : vector<16xf32>
    %neg3A_1685 = arith.constant 0.000000e+00 : f32
    %neg3A_1686 = vector.broadcast %neg3A_1685 : f32 to vector<16xf32>
    %neg3A_1687 = arith.subf %neg3A_1686, %sub3A_1684 : vector<16xf32>
    %exp3A_1688 = math.exp %neg3A_1687 : vector<16xf32>
    %add3A_1689 = arith.constant 1.000000e+00 : f32
    %add3A_1690 = vector.broadcast %add3A_1689 : f32 to vector<16xf32>
    %add3A_1691 = arith.addf %add3A_1690, %exp3A_1688 : vector<16xf32>
    %div3A_1692 = arith.constant 1.000000e+00 : f32
    %div3A_1693 = vector.broadcast %div3A_1692 : f32 to vector<16xf32>
    %div3A_1694 = arith.divf %div3A_1693, %add3A_1691 : vector<16xf32>
    %add3A_1695 = arith.addf %div3A_1677, %div3A_1694 : vector<16xf32>
    %mul3A_1696 = arith.constant 5.000000e-01 : f32
    %mul3A_1697 = vector.broadcast %mul3A_1696 : f32 to vector<16xf32>
    %mul3A_1698 = arith.mulf %add3A_1695, %mul3A_1697 : vector<16xf32>
    %swap3A_1699 = arith.constant 144 : index
    %swap3A_1700 = tpu.vector_load %arg17[%swap3A_1699] {strides = array<i32>} : memref<512xf32, #tpu.memory_space<vmem>>, vector<16xf32>,
    %swap3A_1701 = vector.shape_cast %swap3A_1700 : vector<16xf32> to vector<16xf32>
    %swap3A_1702 = vector.shape_cast %mul3A_1698 : vector<16xf32> to vector<16xf32>
    tpu.vector_store %arg17[%swap3A_1699], %swap3A_1702 {strides = array<i32>} : memref<512xf32, #tpu.memory_space<vmem>>, vector<16xf32>,
    %get3A_1703 = arith.constant 160 : index
    %get3A_1704 = tpu.vector_load %arg13[%get3A_1703] {strides = array<i32>} : memref<512xf32, #tpu.memory_space<vmem>>, vector<16xf32>,
    %get3A_1705 = vector.shape_cast %get3A_1704 : vector<16xf32> to vector<16xf32>
    %get3A_1706 = arith.constant 160 : index
    %get3A_1707 = tpu.vector_load %arg15[%get3A_1706] {strides = array<i32>} : memref<512xf32, #tpu.memory_space<vmem>>, vector<16xf32>,
    %get3A_1708 = vector.shape_cast %get3A_1707 : vector<16xf32> to vector<16xf32>
    %sub3A_1709 = arith.subf %get3A_1705, %get3A_1708 : vector<16xf32>
    %neg3A_1710 = arith.constant 0.000000e+00 : f32
    %neg3A_1711 = vector.broadcast %neg3A_1710 : f32 to vector<16xf32>
    %neg3A_1712 = arith.subf %neg3A_1711, %sub3A_1709 : vector<16xf32>
    %exp3A_1713 = math.exp %neg3A_1712 : vector<16xf32>
    %add3A_1714 = arith.constant 1.000000e+00 : f32
    %add3A_1715 = vector.broadcast %add3A_1714 : f32 to vector<16xf32>
    %add3A_1716 = arith.addf %add3A_1715, %exp3A_1713 : vector<16xf32>
    %div3A_1717 = arith.constant 1.000000e+00 : f32
    %div3A_1718 = vector.broadcast %div3A_1717 : f32 to vector<16xf32>
    %div3A_1719 = arith.divf %div3A_1718, %add3A_1716 : vector<16xf32>
    %get3A_1720 = arith.constant 160 : index
    %get3A_1721 = tpu.vector_load %arg14[%get3A_1720] {strides = array<i32>} : memref<512xf32, #tpu.memory_space<vmem>>, vector<16xf32>,
    %get3A_1722 = vector.shape_cast %get3A_1721 : vector<16xf32> to vector<16xf32>
    %get3A_1723 = arith.constant 160 : index
    %get3A_1724 = tpu.vector_load %arg16[%get3A_1723] {strides = array<i32>} : memref<512xf32, #tpu.memory_space<vmem>>, vector<16xf32>,
    %get3A_1725 = vector.shape_cast %get3A_1724 : vector<16xf32> to vector<16xf32>
    %sub3A_1726 = arith.subf %get3A_1722, %get3A_1725 : vector<16xf32>
    %neg3A_1727 = arith.constant 0.000000e+00 : f32
    %neg3A_1728 = vector.broadcast %neg3A_1727 : f32 to vector<16xf32>
    %neg3A_1729 = arith.subf %neg3A_1728, %sub3A_1726 : vector<16xf32>
    %exp3A_1730 = math.exp %neg3A_1729 : vector<16xf32>
    %add3A_1731 = arith.constant 1.000000e+00 : f32
    %add3A_1732 = vector.broadcast %add3A_1731 : f32 to vector<16xf32>
    %add3A_1733 = arith.addf %add3A_1732, %exp3A_1730 : vector<16xf32>
    %div3A_1734 = arith.constant 1.000000e+00 : f32
    %div3A_1735 = vector.broadcast %div3A_1734 : f32 to vector<16xf32>
    %div3A_1736 = arith.divf %div3A_1735, %add3A_1733 : vector<16xf32>
    %add3A_1737 = arith.addf %div3A_1719, %div3A_1736 : vector<16xf32>
    %mul3A_1738 = arith.constant 5.000000e-01 : f32
    %mul3A_1739 = vector.broadcast %mul3A_1738 : f32 to vector<16xf32>
    %mul3A_1740 = arith.mulf %add3A_1737, %mul3A_1739 : vector<16xf32>
    %swap3A_1741 = arith.constant 160 : index
    %swap3A_1742 = tpu.vector_load %arg17[%swap3A_1741] {strides = array<i32>} : memref<512xf32, #tpu.memory_space<vmem>>, vector<16xf32>,
    %swap3A_1743 = vector.shape_cast %swap3A_1742 : vector<16xf32> to vector<16xf32>
    %swap3A_1744 = vector.shape_cast %mul3A_1740 : vector<16xf32> to vector<16xf32>
    tpu.vector_store %arg17[%swap3A_1741], %swap3A_1744 {strides = array<i32>} : memref<512xf32, #tpu.memory_space<vmem>>, vector<16xf32>,
    %get3A_1745 = arith.constant 176 : index
    %get3A_1746 = tpu.vector_load %arg13[%get3A_1745] {strides = array<i32>} : memref<512xf32, #tpu.memory_space<vmem>>, vector<16xf32>,
    %get3A_1747 = vector.shape_cast %get3A_1746 : vector<16xf32> to vector<16xf32>
    %get3A_1748 = arith.constant 176 : index
    %get3A_1749 = tpu.vector_load %arg15[%get3A_1748] {strides = array<i32>} : memref<512xf32, #tpu.memory_space<vmem>>, vector<16xf32>,
    %get3A_1750 = vector.shape_cast %get3A_1749 : vector<16xf32> to vector<16xf32>
    %sub3A_1751 = arith.subf %get3A_1747, %get3A_1750 : vector<16xf32>
    %neg3A_1752 = arith.constant 0.000000e+00 : f32
    %neg3A_1753 = vector.broadcast %neg3A_1752 : f32 to vector<16xf32>
    %neg3A_1754 = arith.subf %neg3A_1753, %sub3A_1751 : vector<16xf32>
    %exp3A_1755 = math.exp %neg3A_1754 : vector<16xf32>
    %add3A_1756 = arith.constant 1.000000e+00 : f32
    %add3A_1757 = vector.broadcast %add3A_1756 : f32 to vector<16xf32>
    %add3A_1758 = arith.addf %add3A_1757, %exp3A_1755 : vector<16xf32>
    %div3A_1759 = arith.constant 1.000000e+00 : f32
    %div3A_1760 = vector.broadcast %div3A_1759 : f32 to vector<16xf32>
    %div3A_1761 = arith.divf %div3A_1760, %add3A_1758 : vector<16xf32>
    %get3A_1762 = arith.constant 176 : index
    %get3A_1763 = tpu.vector_load %arg14[%get3A_1762] {strides = array<i32>} : memref<512xf32, #tpu.memory_space<vmem>>, vector<16xf32>,
    %get3A_1764 = vector.shape_cast %get3A_1763 : vector<16xf32> to vector<16xf32>
    %get3A_1765 = arith.constant 176 : index
    %get3A_1766 = tpu.vector_load %arg16[%get3A_1765] {strides = array<i32>} : memref<512xf32, #tpu.memory_space<vmem>>, vector<16xf32>,
    %get3A_1767 = vector.shape_cast %get3A_1766 : vector<16xf32> to vector<16xf32>
    %sub3A_1768 = arith.subf %get3A_1764, %get3A_1767 : vector<16xf32>
    %neg3A_1769 = arith.constant 0.000000e+00 : f32
    %neg3A_1770 = vector.broadcast %neg3A_1769 : f32 to vector<16xf32>
    %neg3A_1771 = arith.subf %neg3A_1770, %sub3A_1768 : vector<16xf32>
    %exp3A_1772 = math.exp %neg3A_1771 : vector<16xf32>
    %add3A_1773 = arith.constant 1.000000e+00 : f32
    %add3A_1774 = vector.broadcast %add3A_1773 : f32 to vector<16xf32>
    %add3A_1775 = arith.addf %add3A_1774, %exp3A_1772 : vector<16xf32>
    %div3A_1776 = arith.constant 1.000000e+00 : f32
    %div3A_1777 = vector.broadcast %div3A_1776 : f32 to vector<16xf32>
    %div3A_1778 = arith.divf %div3A_1777, %add3A_1775 : vector<16xf32>
    %add3A_1779 = arith.addf %div3A_1761, %div3A_1778 : vector<16xf32>
    %mul3A_1780 = arith.constant 5.000000e-01 : f32
    %mul3A_1781 = vector.broadcast %mul3A_1780 : f32 to vector<16xf32>
    %mul3A_1782 = arith.mulf %add3A_1779, %mul3A_1781 : vector<16xf32>
    %swap3A_1783 = arith.constant 176 : index
    %swap3A_1784 = tpu.vector_load %arg17[%swap3A_1783] {strides = array<i32>} : memref<512xf32, #tpu.memory_space<vmem>>, vector<16xf32>,
    %swap3A_1785 = vector.shape_cast %swap3A_1784 : vector<16xf32> to vector<16xf32>
    %swap3A_1786 = vector.shape_cast %mul3A_1782 : vector<16xf32> to vector<16xf32>
    tpu.vector_store %arg17[%swap3A_1783], %swap3A_1786 {strides = array<i32>} : memref<512xf32, #tpu.memory_space<vmem>>, vector<16xf32>,
    %get3A_1787 = arith.constant 192 : index
    %get3A_1788 = tpu.vector_load %arg13[%get3A_1787] {strides = array<i32>} : memref<512xf32, #tpu.memory_space<vmem>>, vector<16xf32>,
    %get3A_1789 = vector.shape_cast %get3A_1788 : vector<16xf32> to vector<16xf32>
    %get3A_1790 = arith.constant 192 : index
    %get3A_1791 = tpu.vector_load %arg15[%get3A_1790] {strides = array<i32>} : memref<512xf32, #tpu.memory_space<vmem>>, vector<16xf32>,
    %get3A_1792 = vector.shape_cast %get3A_1791 : vector<16xf32> to vector<16xf32>
    %sub3A_1793 = arith.subf %get3A_1789, %get3A_1792 : vector<16xf32>
    %neg3A_1794 = arith.constant 0.000000e+00 : f32
    %neg3A_1795 = vector.broadcast %neg3A_1794 : f32 to vector<16xf32>
    %neg3A_1796 = arith.subf %neg3A_1795, %sub3A_1793 : vector<16xf32>
    %exp3A_1797 = math.exp %neg3A_1796 : vector<16xf32>
    %add3A_1798 = arith.constant 1.000000e+00 : f32
    %add3A_1799 = vector.broadcast %add3A_1798 : f32 to vector<16xf32>
    %add3A_1800 = arith.addf %add3A_1799, %exp3A_1797 : vector<16xf32>
    %div3A_1801 = arith.constant 1.000000e+00 : f32
    %div3A_1802 = vector.broadcast %div3A_1801 : f32 to vector<16xf32>
    %div3A_1803 = arith.divf %div3A_1802, %add3A_1800 : vector<16xf32>
    %get3A_1804 = arith.constant 192 : index
    %get3A_1805 = tpu.vector_load %arg14[%get3A_1804] {strides = array<i32>} : memref<512xf32, #tpu.memory_space<vmem>>, vector<16xf32>,
    %get3A_1806 = vector.shape_cast %get3A_1805 : vector<16xf32> to vector<16xf32>
    %get3A_1807 = arith.constant 192 : index
    %get3A_1808 = tpu.vector_load %arg16[%get3A_1807] {strides = array<i32>} : memref<512xf32, #tpu.memory_space<vmem>>, vector<16xf32>,
    %get3A_1809 = vector.shape_cast %get3A_1808 : vector<16xf32> to vector<16xf32>
    %sub3A_1810 = arith.subf %get3A_1806, %get3A_1809 : vector<16xf32>
    %neg3A_1811 = arith.constant 0.000000e+00 : f32
    %neg3A_1812 = vector.broadcast %neg3A_1811 : f32 to vector<16xf32>
    %neg3A_1813 = arith.subf %neg3A_1812, %sub3A_1810 : vector<16xf32>
    %exp3A_1814 = math.exp %neg3A_1813 : vector<16xf32>
    %add3A_1815 = arith.constant 1.000000e+00 : f32
    %add3A_1816 = vector.broadcast %add3A_1815 : f32 to vector<16xf32>
    %add3A_1817 = arith.addf %add3A_1816, %exp3A_1814 : vector<16xf32>
    %div3A_1818 = arith.constant 1.000000e+00 : f32
    %div3A_1819 = vector.broadcast %div3A_1818 : f32 to vector<16xf32>
    %div3A_1820 = arith.divf %div3A_1819, %add3A_1817 : vector<16xf32>
    %add3A_1821 = arith.addf %div3A_1803, %div3A_1820 : vector<16xf32>
    %mul3A_1822 = arith.constant 5.000000e-01 : f32
    %mul3A_1823 = vector.broadcast %mul3A_1822 : f32 to vector<16xf32>
    %mul3A_1824 = arith.mulf %add3A_1821, %mul3A_1823 : vector<16xf32>
    %swap3A_1825 = arith.constant 192 : index
    %swap3A_1826 = tpu.vector_load %arg17[%swap3A_1825] {strides = array<i32>} : memref<512xf32, #tpu.memory_space<vmem>>, vector<16xf32>,
    %swap3A_1827 = vector.shape_cast %swap3A_1826 : vector<16xf32> to vector<16xf32>
    %swap3A_1828 = vector.shape_cast %mul3A_1824 : vector<16xf32> to vector<16xf32>
    tpu.vector_store %arg17[%swap3A_1825], %swap3A_1828 {strides = array<i32>} : memref<512xf32, #tpu.memory_space<vmem>>, vector<16xf32>,
    %get3A_1829 = arith.constant 208 : index
    %get3A_1830 = tpu.vector_load %arg13[%get3A_1829] {strides = array<i32>} : memref<512xf32, #tpu.memory_space<vmem>>, vector<16xf32>,
    %get3A_1831 = vector.shape_cast %get3A_1830 : vector<16xf32> to vector<16xf32>
    %get3A_1832 = arith.constant 208 : index
    %get3A_1833 = tpu.vector_load %arg15[%get3A_1832] {strides = array<i32>} : memref<512xf32, #tpu.memory_space<vmem>>, vector<16xf32>,
    %get3A_1834 = vector.shape_cast %get3A_1833 : vector<16xf32> to vector<16xf32>
    %sub3A_1835 = arith.subf %get3A_1831, %get3A_1834 : vector<16xf32>
    %neg3A_1836 = arith.constant 0.000000e+00 : f32
    %neg3A_1837 = vector.broadcast %neg3A_1836 : f32 to vector<16xf32>
    %neg3A_1838 = arith.subf %neg3A_1837, %sub3A_1835 : vector<16xf32>
    %exp3A_1839 = math.exp %neg3A_1838 : vector<16xf32>
    %add3A_1840 = arith.constant 1.000000e+00 : f32
    %add3A_1841 = vector.broadcast %add3A_1840 : f32 to vector<16xf32>
    %add3A_1842 = arith.addf %add3A_1841, %exp3A_1839 : vector<16xf32>
    %div3A_1843 = arith.constant 1.000000e+00 : f32
    %div3A_1844 = vector.broadcast %div3A_1843 : f32 to vector<16xf32>
    %div3A_1845 = arith.divf %div3A_1844, %add3A_1842 : vector<16xf32>
    %get3A_1846 = arith.constant 208 : index
    %get3A_1847 = tpu.vector_load %arg14[%get3A_1846] {strides = array<i32>} : memref<512xf32, #tpu.memory_space<vmem>>, vector<16xf32>,
    %get3A_1848 = vector.shape_cast %get3A_1847 : vector<16xf32> to vector<16xf32>
    %get3A_1849 = arith.constant 208 : index
    %get3A_1850 = tpu.vector_load %arg16[%get3A_1849] {strides = array<i32>} : memref<512xf32, #tpu.memory_space<vmem>>, vector<16xf32>,
    %get3A_1851 = vector.shape_cast %get3A_1850 : vector<16xf32> to vector<16xf32>
    %sub3A_1852 = arith.subf %get3A_1848, %get3A_1851 : vector<16xf32>
    %neg3A_1853 = arith.constant 0.000000e+00 : f32
    %neg3A_1854 = vector.broadcast %neg3A_1853 : f32 to vector<16xf32>
    %neg3A_1855 = arith.subf %neg3A_1854, %sub3A_1852 : vector<16xf32>
    %exp3A_1856 = math.exp %neg3A_1855 : vector<16xf32>
    %add3A_1857 = arith.constant 1.000000e+00 : f32
    %add3A_1858 = vector.broadcast %add3A_1857 : f32 to vector<16xf32>
    %add3A_1859 = arith.addf %add3A_1858, %exp3A_1856 : vector<16xf32>
    %div3A_1860 = arith.constant 1.000000e+00 : f32
    %div3A_1861 = vector.broadcast %div3A_1860 : f32 to vector<16xf32>
    %div3A_1862 = arith.divf %div3A_1861, %add3A_1859 : vector<16xf32>
    %add3A_1863 = arith.addf %div3A_1845, %div3A_1862 : vector<16xf32>
    %mul3A_1864 = arith.constant 5.000000e-01 : f32
    %mul3A_1865 = vector.broadcast %mul3A_1864 : f32 to vector<16xf32>
    %mul3A_1866 = arith.mulf %add3A_1863, %mul3A_1865 : vector<16xf32>
    %swap3A_1867 = arith.constant 208 : index
    %swap3A_1868 = tpu.vector_load %arg17[%swap3A_1867] {strides = array<i32>} : memref<512xf32, #tpu.memory_space<vmem>>, vector<16xf32>,
    %swap3A_1869 = vector.shape_cast %swap3A_1868 : vector<16xf32> to vector<16xf32>
    %swap3A_1870 = vector.shape_cast %mul3A_1866 : vector<16xf32> to vector<16xf32>
    tpu.vector_store %arg17[%swap3A_1867], %swap3A_1870 {strides = array<i32>} : memref<512xf32, #tpu.memory_space<vmem>>, vector<16xf32>,
    %get3A_1871 = arith.constant 224 : index
    %get3A_1872 = tpu.vector_load %arg13[%get3A_1871] {strides = array<i32>} : memref<512xf32, #tpu.memory_space<vmem>>, vector<16xf32>,
    %get3A_1873 = vector.shape_cast %get3A_1872 : vector<16xf32> to vector<16xf32>
    %get3A_1874 = arith.constant 224 : index
    %get3A_1875 = tpu.vector_load %arg15[%get3A_1874] {strides = array<i32>} : memref<512xf32, #tpu.memory_space<vmem>>, vector<16xf32>,
    %get3A_1876 = vector.shape_cast %get3A_1875 : vector<16xf32> to vector<16xf32>
    %sub3A_1877 = arith.subf %get3A_1873, %get3A_1876 : vector<16xf32>
    %neg3A_1878 = arith.constant 0.000000e+00 : f32
    %neg3A_1879 = vector.broadcast %neg3A_1878 : f32 to vector<16xf32>
    %neg3A_1880 = arith.subf %neg3A_1879, %sub3A_1877 : vector<16xf32>
    %exp3A_1881 = math.exp %neg3A_1880 : vector<16xf32>
    %add3A_1882 = arith.constant 1.000000e+00 : f32
    %add3A_1883 = vector.broadcast %add3A_1882 : f32 to vector<16xf32>
    %add3A_1884 = arith.addf %add3A_1883, %exp3A_1881 : vector<16xf32>
    %div3A_1885 = arith.constant 1.000000e+00 : f32
    %div3A_1886 = vector.broadcast %div3A_1885 : f32 to vector<16xf32>
    %div3A_1887 = arith.divf %div3A_1886, %add3A_1884 : vector<16xf32>
    %get3A_1888 = arith.constant 224 : index
    %get3A_1889 = tpu.vector_load %arg14[%get3A_1888] {strides = array<i32>} : memref<512xf32, #tpu.memory_space<vmem>>, vector<16xf32>,
    %get3A_1890 = vector.shape_cast %get3A_1889 : vector<16xf32> to vector<16xf32>
    %get3A_1891 = arith.constant 224 : index
    %get3A_1892 = tpu.vector_load %arg16[%get3A_1891] {strides = array<i32>} : memref<512xf32, #tpu.memory_space<vmem>>, vector<16xf32>,
    %get3A_1893 = vector.shape_cast %get3A_1892 : vector<16xf32> to vector<16xf32>
    %sub3A_1894 = arith.subf %get3A_1890, %get3A_1893 : vector<16xf32>
    %neg3A_1895 = arith.constant 0.000000e+00 : f32
    %neg3A_1896 = vector.broadcast %neg3A_1895 : f32 to vector<16xf32>
    %neg3A_1897 = arith.subf %neg3A_1896, %sub3A_1894 : vector<16xf32>
    %exp3A_1898 = math.exp %neg3A_1897 : vector<16xf32>
    %add3A_1899 = arith.constant 1.000000e+00 : f32
    %add3A_1900 = vector.broadcast %add3A_1899 : f32 to vector<16xf32>
    %add3A_1901 = arith.addf %add3A_1900, %exp3A_1898 : vector<16xf32>
    %div3A_1902 = arith.constant 1.000000e+00 : f32
    %div3A_1903 = vector.broadcast %div3A_1902 : f32 to vector<16xf32>
    %div3A_1904 = arith.divf %div3A_1903, %add3A_1901 : vector<16xf32>
    %add3A_1905 = arith.addf %div3A_1887, %div3A_1904 : vector<16xf32>
    %mul3A_1906 = arith.constant 5.000000e-01 : f32
    %mul3A_1907 = vector.broadcast %mul3A_1906 : f32 to vector<16xf32>
    %mul3A_1908 = arith.mulf %add3A_1905, %mul3A_1907 : vector<16xf32>
    %swap3A_1909 = arith.constant 224 : index
    %swap3A_1910 = tpu.vector_load %arg17[%swap3A_1909] {strides = array<i32>} : memref<512xf32, #tpu.memory_space<vmem>>, vector<16xf32>,
    %swap3A_1911 = vector.shape_cast %swap3A_1910 : vector<16xf32> to vector<16xf32>
    %swap3A_1912 = vector.shape_cast %mul3A_1908 : vector<16xf32> to vector<16xf32>
    tpu.vector_store %arg17[%swap3A_1909], %swap3A_1912 {strides = array<i32>} : memref<512xf32, #tpu.memory_space<vmem>>, vector<16xf32>,
    %get3A_1913 = arith.constant 240 : index
    %get3A_1914 = tpu.vector_load %arg13[%get3A_1913] {strides = array<i32>} : memref<512xf32, #tpu.memory_space<vmem>>, vector<16xf32>,
    %get3A_1915 = vector.shape_cast %get3A_1914 : vector<16xf32> to vector<16xf32>
    %get3A_1916 = arith.constant 240 : index
    %get3A_1917 = tpu.vector_load %arg15[%get3A_1916] {strides = array<i32>} : memref<512xf32, #tpu.memory_space<vmem>>, vector<16xf32>,
    %get3A_1918 = vector.shape_cast %get3A_1917 : vector<16xf32> to vector<16xf32>
    %sub3A_1919 = arith.subf %get3A_1915, %get3A_1918 : vector<16xf32>
    %neg3A_1920 = arith.constant 0.000000e+00 : f32
    %neg3A_1921 = vector.broadcast %neg3A_1920 : f32 to vector<16xf32>
    %neg3A_1922 = arith.subf %neg3A_1921, %sub3A_1919 : vector<16xf32>
    %exp3A_1923 = math.exp %neg3A_1922 : vector<16xf32>
    %add3A_1924 = arith.constant 1.000000e+00 : f32
    %add3A_1925 = vector.broadcast %add3A_1924 : f32 to vector<16xf32>
    %add3A_1926 = arith.addf %add3A_1925, %exp3A_1923 : vector<16xf32>
    %div3A_1927 = arith.constant 1.000000e+00 : f32
    %div3A_1928 = vector.broadcast %div3A_1927 : f32 to vector<16xf32>
    %div3A_1929 = arith.divf %div3A_1928, %add3A_1926 : vector<16xf32>
    %get3A_1930 = arith.constant 240 : index
    %get3A_1931 = tpu.vector_load %arg14[%get3A_1930] {strides = array<i32>} : memref<512xf32, #tpu.memory_space<vmem>>, vector<16xf32>,
    %get3A_1932 = vector.shape_cast %get3A_1931 : vector<16xf32> to vector<16xf32>
    %get3A_1933 = arith.constant 240 : index
    %get3A_1934 = tpu.vector_load %arg16[%get3A_1933] {strides = array<i32>} : memref<512xf32, #tpu.memory_space<vmem>>, vector<16xf32>,
    %get3A_1935 = vector.shape_cast %get3A_1934 : vector<16xf32> to vector<16xf32>
    %sub3A_1936 = arith.subf %get3A_1932, %get3A_1935 : vector<16xf32>
    %neg3A_1937 = arith.constant 0.000000e+00 : f32
    %neg3A_1938 = vector.broadcast %neg3A_1937 : f32 to vector<16xf32>
    %neg3A_1939 = arith.subf %neg3A_1938, %sub3A_1936 : vector<16xf32>
    %exp3A_1940 = math.exp %neg3A_1939 : vector<16xf32>
    %add3A_1941 = arith.constant 1.000000e+00 : f32
    %add3A_1942 = vector.broadcast %add3A_1941 : f32 to vector<16xf32>
    %add3A_1943 = arith.addf %add3A_1942, %exp3A_1940 : vector<16xf32>
    %div3A_1944 = arith.constant 1.000000e+00 : f32
    %div3A_1945 = vector.broadcast %div3A_1944 : f32 to vector<16xf32>
    %div3A_1946 = arith.divf %div3A_1945, %add3A_1943 : vector<16xf32>
    %add3A_1947 = arith.addf %div3A_1929, %div3A_1946 : vector<16xf32>
    %mul3A_1948 = arith.constant 5.000000e-01 : f32
    %mul3A_1949 = vector.broadcast %mul3A_1948 : f32 to vector<16xf32>
    %mul3A_1950 = arith.mulf %add3A_1947, %mul3A_1949 : vector<16xf32>
    %swap3A_1951 = arith.constant 240 : index
    %swap3A_1952 = tpu.vector_load %arg17[%swap3A_1951] {strides = array<i32>} : memref<512xf32, #tpu.memory_space<vmem>>, vector<16xf32>,
    %swap3A_1953 = vector.shape_cast %swap3A_1952 : vector<16xf32> to vector<16xf32>
    %swap3A_1954 = vector.shape_cast %mul3A_1950 : vector<16xf32> to vector<16xf32>
    tpu.vector_store %arg17[%swap3A_1951], %swap3A_1954 {strides = array<i32>} : memref<512xf32, #tpu.memory_space<vmem>>, vector<16xf32>,
    %get3A_1955 = arith.constant 256 : index
    %get3A_1956 = tpu.vector_load %arg13[%get3A_1955] {strides = array<i32>} : memref<512xf32, #tpu.memory_space<vmem>>, vector<16xf32>,
    %get3A_1957 = vector.shape_cast %get3A_1956 : vector<16xf32> to vector<16xf32>
    %get3A_1958 = arith.constant 256 : index
    %get3A_1959 = tpu.vector_load %arg15[%get3A_1958] {strides = array<i32>} : memref<512xf32, #tpu.memory_space<vmem>>, vector<16xf32>,
    %get3A_1960 = vector.shape_cast %get3A_1959 : vector<16xf32> to vector<16xf32>
    %sub3A_1961 = arith.subf %get3A_1957, %get3A_1960 : vector<16xf32>
    %neg3A_1962 = arith.constant 0.000000e+00 : f32
    %neg3A_1963 = vector.broadcast %neg3A_1962 : f32 to vector<16xf32>
    %neg3A_1964 = arith.subf %neg3A_1963, %sub3A_1961 : vector<16xf32>
    %exp3A_1965 = math.exp %neg3A_1964 : vector<16xf32>
    %add3A_1966 = arith.constant 1.000000e+00 : f32
    %add3A_1967 = vector.broadcast %add3A_1966 : f32 to vector<16xf32>
    %add3A_1968 = arith.addf %add3A_1967, %exp3A_1965 : vector<16xf32>
    %div3A_1969 = arith.constant 1.000000e+00 : f32
    %div3A_1970 = vector.broadcast %div3A_1969 : f32 to vector<16xf32>
    %div3A_1971 = arith.divf %div3A_1970, %add3A_1968 : vector<16xf32>
    %get3A_1972 = arith.constant 256 : index
    %get3A_1973 = tpu.vector_load %arg14[%get3A_1972] {strides = array<i32>} : memref<512xf32, #tpu.memory_space<vmem>>, vector<16xf32>,
    %get3A_1974 = vector.shape_cast %get3A_1973 : vector<16xf32> to vector<16xf32>
    %get3A_1975 = arith.constant 256 : index
    %get3A_1976 = tpu.vector_load %arg16[%get3A_1975] {strides = array<i32>} : memref<512xf32, #tpu.memory_space<vmem>>, vector<16xf32>,
    %get3A_1977 = vector.shape_cast %get3A_1976 : vector<16xf32> to vector<16xf32>
    %sub3A_1978 = arith.subf %get3A_1974, %get3A_1977 : vector<16xf32>
    %neg3A_1979 = arith.constant 0.000000e+00 : f32
    %neg3A_1980 = vector.broadcast %neg3A_1979 : f32 to vector<16xf32>
    %neg3A_1981 = arith.subf %neg3A_1980, %sub3A_1978 : vector<16xf32>
    %exp3A_1982 = math.exp %neg3A_1981 : vector<16xf32>
    %add3A_1983 = arith.constant 1.000000e+00 : f32
    %add3A_1984 = vector.broadcast %add3A_1983 : f32 to vector<16xf32>
    %add3A_1985 = arith.addf %add3A_1984, %exp3A_1982 : vector<16xf32>
    %div3A_1986 = arith.constant 1.000000e+00 : f32
    %div3A_1987 = vector.broadcast %div3A_1986 : f32 to vector<16xf32>
    %div3A_1988 = arith.divf %div3A_1987, %add3A_1985 : vector<16xf32>
    %add3A_1989 = arith.addf %div3A_1971, %div3A_1988 : vector<16xf32>
    %mul3A_1990 = arith.constant 5.000000e-01 : f32
    %mul3A_1991 = vector.broadcast %mul3A_1990 : f32 to vector<16xf32>
    %mul3A_1992 = arith.mulf %add3A_1989, %mul3A_1991 : vector<16xf32>
    %swap3A_1993 = arith.constant 256 : index
    %swap3A_1994 = tpu.vector_load %arg17[%swap3A_1993] {strides = array<i32>} : memref<512xf32, #tpu.memory_space<vmem>>, vector<16xf32>,
    %swap3A_1995 = vector.shape_cast %swap3A_1994 : vector<16xf32> to vector<16xf32>
    %swap3A_1996 = vector.shape_cast %mul3A_1992 : vector<16xf32> to vector<16xf32>
    tpu.vector_store %arg17[%swap3A_1993], %swap3A_1996 {strides = array<i32>} : memref<512xf32, #tpu.memory_space<vmem>>, vector<16xf32>,
    %get3A_1997 = arith.constant 272 : index
    %get3A_1998 = tpu.vector_load %arg13[%get3A_1997] {strides = array<i32>} : memref<512xf32, #tpu.memory_space<vmem>>, vector<16xf32>,
    %get3A_1999 = vector.shape_cast %get3A_1998 : vector<16xf32> to vector<16xf32>
    %get3A_2000 = arith.constant 272 : index
    %get3A_2001 = tpu.vector_load %arg15[%get3A_2000] {strides = array<i32>} : memref<512xf32, #tpu.memory_space<vmem>>, vector<16xf32>,
    %get3A_2002 = vector.shape_cast %get3A_2001 : vector<16xf32> to vector<16xf32>
    %sub3A_2003 = arith.subf %get3A_1999, %get3A_2002 : vector<16xf32>
    %neg3A_2004 = arith.constant 0.000000e+00 : f32
    %neg3A_2005 = vector.broadcast %neg3A_2004 : f32 to vector<16xf32>
    %neg3A_2006 = arith.subf %neg3A_2005, %sub3A_2003 : vector<16xf32>
    %exp3A_2007 = math.exp %neg3A_2006 : vector<16xf32>
    %add3A_2008 = arith.constant 1.000000e+00 : f32
    %add3A_2009 = vector.broadcast %add3A_2008 : f32 to vector<16xf32>
    %add3A_2010 = arith.addf %add3A_2009, %exp3A_2007 : vector<16xf32>
    %div3A_2011 = arith.constant 1.000000e+00 : f32
    %div3A_2012 = vector.broadcast %div3A_2011 : f32 to vector<16xf32>
    %div3A_2013 = arith.divf %div3A_2012, %add3A_2010 : vector<16xf32>
    %get3A_2014 = arith.constant 272 : index
    %get3A_2015 = tpu.vector_load %arg14[%get3A_2014] {strides = array<i32>} : memref<512xf32, #tpu.memory_space<vmem>>, vector<16xf32>,
    %get3A_2016 = vector.shape_cast %get3A_2015 : vector<16xf32> to vector<16xf32>
    %get3A_2017 = arith.constant 272 : index
    %get3A_2018 = tpu.vector_load %arg16[%get3A_2017] {strides = array<i32>} : memref<512xf32, #tpu.memory_space<vmem>>, vector<16xf32>,
    %get3A_2019 = vector.shape_cast %get3A_2018 : vector<16xf32> to vector<16xf32>
    %sub3A_2020 = arith.subf %get3A_2016, %get3A_2019 : vector<16xf32>
    %neg3A_2021 = arith.constant 0.000000e+00 : f32
    %neg3A_2022 = vector.broadcast %neg3A_2021 : f32 to vector<16xf32>
    %neg3A_2023 = arith.subf %neg3A_2022, %sub3A_2020 : vector<16xf32>
    %exp3A_2024 = math.exp %neg3A_2023 : vector<16xf32>
    %add3A_2025 = arith.constant 1.000000e+00 : f32
    %add3A_2026 = vector.broadcast %add3A_2025 : f32 to vector<16xf32>
    %add3A_2027 = arith.addf %add3A_2026, %exp3A_2024 : vector<16xf32>
    %div3A_2028 = arith.constant 1.000000e+00 : f32
    %div3A_2029 = vector.broadcast %div3A_2028 : f32 to vector<16xf32>
    %div3A_2030 = arith.divf %div3A_2029, %add3A_2027 : vector<16xf32>
    %add3A_2031 = arith.addf %div3A_2013, %div3A_2030 : vector<16xf32>
    %mul3A_2032 = arith.constant 5.000000e-01 : f32
    %mul3A_2033 = vector.broadcast %mul3A_2032 : f32 to vector<16xf32>
    %mul3A_2034 = arith.mulf %add3A_2031, %mul3A_2033 : vector<16xf32>
    %swap3A_2035 = arith.constant 272 : index
    %swap3A_2036 = tpu.vector_load %arg17[%swap3A_2035] {strides = array<i32>} : memref<512xf32, #tpu.memory_space<vmem>>, vector<16xf32>,
    %swap3A_2037 = vector.shape_cast %swap3A_2036 : vector<16xf32> to vector<16xf32>
    %swap3A_2038 = vector.shape_cast %mul3A_2034 : vector<16xf32> to vector<16xf32>
    tpu.vector_store %arg17[%swap3A_2035], %swap3A_2038 {strides = array<i32>} : memref<512xf32, #tpu.memory_space<vmem>>, vector<16xf32>,
    %get3A_2039 = arith.constant 288 : index
    %get3A_2040 = tpu.vector_load %arg13[%get3A_2039] {strides = array<i32>} : memref<512xf32, #tpu.memory_space<vmem>>, vector<16xf32>,
    %get3A_2041 = vector.shape_cast %get3A_2040 : vector<16xf32> to vector<16xf32>
    %get3A_2042 = arith.constant 288 : index
    %get3A_2043 = tpu.vector_load %arg15[%get3A_2042] {strides = array<i32>} : memref<512xf32, #tpu.memory_space<vmem>>, vector<16xf32>,
    %get3A_2044 = vector.shape_cast %get3A_2043 : vector<16xf32> to vector<16xf32>
    %sub3A_2045 = arith.subf %get3A_2041, %get3A_2044 : vector<16xf32>
    %neg3A_2046 = arith.constant 0.000000e+00 : f32
    %neg3A_2047 = vector.broadcast %neg3A_2046 : f32 to vector<16xf32>
    %neg3A_2048 = arith.subf %neg3A_2047, %sub3A_2045 : vector<16xf32>
    %exp3A_2049 = math.exp %neg3A_2048 : vector<16xf32>
    %add3A_2050 = arith.constant 1.000000e+00 : f32
    %add3A_2051 = vector.broadcast %add3A_2050 : f32 to vector<16xf32>
    %add3A_2052 = arith.addf %add3A_2051, %exp3A_2049 : vector<16xf32>
    %div3A_2053 = arith.constant 1.000000e+00 : f32
    %div3A_2054 = vector.broadcast %div3A_2053 : f32 to vector<16xf32>
    %div3A_2055 = arith.divf %div3A_2054, %add3A_2052 : vector<16xf32>
    %get3A_2056 = arith.constant 288 : index
    %get3A_2057 = tpu.vector_load %arg14[%get3A_2056] {strides = array<i32>} : memref<512xf32, #tpu.memory_space<vmem>>, vector<16xf32>,
    %get3A_2058 = vector.shape_cast %get3A_2057 : vector<16xf32> to vector<16xf32>
    %get3A_2059 = arith.constant 288 : index
    %get3A_2060 = tpu.vector_load %arg16[%get3A_2059] {strides = array<i32>} : memref<512xf32, #tpu.memory_space<vmem>>, vector<16xf32>,
    %get3A_2061 = vector.shape_cast %get3A_2060 : vector<16xf32> to vector<16xf32>
    %sub3A_2062 = arith.subf %get3A_2058, %get3A_2061 : vector<16xf32>
    %neg3A_2063 = arith.constant 0.000000e+00 : f32
    %neg3A_2064 = vector.broadcast %neg3A_2063 : f32 to vector<16xf32>
    %neg3A_2065 = arith.subf %neg3A_2064, %sub3A_2062 : vector<16xf32>
    %exp3A_2066 = math.exp %neg3A_2065 : vector<16xf32>
    %add3A_2067 = arith.constant 1.000000e+00 : f32
    %add3A_2068 = vector.broadcast %add3A_2067 : f32 to vector<16xf32>
    %add3A_2069 = arith.addf %add3A_2068, %exp3A_2066 : vector<16xf32>
    %div3A_2070 = arith.constant 1.000000e+00 : f32
    %div3A_2071 = vector.broadcast %div3A_2070 : f32 to vector<16xf32>
    %div3A_2072 = arith.divf %div3A_2071, %add3A_2069 : vector<16xf32>
    %add3A_2073 = arith.addf %div3A_2055, %div3A_2072 : vector<16xf32>
    %mul3A_2074 = arith.constant 5.000000e-01 : f32
    %mul3A_2075 = vector.broadcast %mul3A_2074 : f32 to vector<16xf32>
    %mul3A_2076 = arith.mulf %add3A_2073, %mul3A_2075 : vector<16xf32>
    %swap3A_2077 = arith.constant 288 : index
    %swap3A_2078 = tpu.vector_load %arg17[%swap3A_2077] {strides = array<i32>} : memref<512xf32, #tpu.memory_space<vmem>>, vector<16xf32>,
    %swap3A_2079 = vector.shape_cast %swap3A_2078 : vector<16xf32> to vector<16xf32>
    %swap3A_2080 = vector.shape_cast %mul3A_2076 : vector<16xf32> to vector<16xf32>
    tpu.vector_store %arg17[%swap3A_2077], %swap3A_2080 {strides = array<i32>} : memref<512xf32, #tpu.memory_space<vmem>>, vector<16xf32>,
    %get3A_2081 = arith.constant 304 : index
    %get3A_2082 = tpu.vector_load %arg13[%get3A_2081] {strides = array<i32>} : memref<512xf32, #tpu.memory_space<vmem>>, vector<16xf32>,
    %get3A_2083 = vector.shape_cast %get3A_2082 : vector<16xf32> to vector<16xf32>
    %get3A_2084 = arith.constant 304 : index
    %get3A_2085 = tpu.vector_load %arg15[%get3A_2084] {strides = array<i32>} : memref<512xf32, #tpu.memory_space<vmem>>, vector<16xf32>,
    %get3A_2086 = vector.shape_cast %get3A_2085 : vector<16xf32> to vector<16xf32>
    %sub3A_2087 = arith.subf %get3A_2083, %get3A_2086 : vector<16xf32>
    %neg3A_2088 = arith.constant 0.000000e+00 : f32
    %neg3A_2089 = vector.broadcast %neg3A_2088 : f32 to vector<16xf32>
    %neg3A_2090 = arith.subf %neg3A_2089, %sub3A_2087 : vector<16xf32>
    %exp3A_2091 = math.exp %neg3A_2090 : vector<16xf32>
    %add3A_2092 = arith.constant 1.000000e+00 : f32
    %add3A_2093 = vector.broadcast %add3A_2092 : f32 to vector<16xf32>
    %add3A_2094 = arith.addf %add3A_2093, %exp3A_2091 : vector<16xf32>
    %div3A_2095 = arith.constant 1.000000e+00 : f32
    %div3A_2096 = vector.broadcast %div3A_2095 : f32 to vector<16xf32>
    %div3A_2097 = arith.divf %div3A_2096, %add3A_2094 : vector<16xf32>
    %get3A_2098 = arith.constant 304 : index
    %get3A_2099 = tpu.vector_load %arg14[%get3A_2098] {strides = array<i32>} : memref<512xf32, #tpu.memory_space<vmem>>, vector<16xf32>,
    %get3A_2100 = vector.shape_cast %get3A_2099 : vector<16xf32> to vector<16xf32>
    %get3A_2101 = arith.constant 304 : index
    %get3A_2102 = tpu.vector_load %arg16[%get3A_2101] {strides = array<i32>} : memref<512xf32, #tpu.memory_space<vmem>>, vector<16xf32>,
    %get3A_2103 = vector.shape_cast %get3A_2102 : vector<16xf32> to vector<16xf32>
    %sub3A_2104 = arith.subf %get3A_2100, %get3A_2103 : vector<16xf32>
    %neg3A_2105 = arith.constant 0.000000e+00 : f32
    %neg3A_2106 = vector.broadcast %neg3A_2105 : f32 to vector<16xf32>
    %neg3A_2107 = arith.subf %neg3A_2106, %sub3A_2104 : vector<16xf32>
    %exp3A_2108 = math.exp %neg3A_2107 : vector<16xf32>
    %add3A_2109 = arith.constant 1.000000e+00 : f32
    %add3A_2110 = vector.broadcast %add3A_2109 : f32 to vector<16xf32>
    %add3A_2111 = arith.addf %add3A_2110, %exp3A_2108 : vector<16xf32>
    %div3A_2112 = arith.constant 1.000000e+00 : f32
    %div3A_2113 = vector.broadcast %div3A_2112 : f32 to vector<16xf32>
    %div3A_2114 = arith.divf %div3A_2113, %add3A_2111 : vector<16xf32>
    %add3A_2115 = arith.addf %div3A_2097, %div3A_2114 : vector<16xf32>
    %mul3A_2116 = arith.constant 5.000000e-01 : f32
    %mul3A_2117 = vector.broadcast %mul3A_2116 : f32 to vector<16xf32>
    %mul3A_2118 = arith.mulf %add3A_2115, %mul3A_2117 : vector<16xf32>
    %swap3A_2119 = arith.constant 304 : index
    %swap3A_2120 = tpu.vector_load %arg17[%swap3A_2119] {strides = array<i32>} : memref<512xf32, #tpu.memory_space<vmem>>, vector<16xf32>,
    %swap3A_2121 = vector.shape_cast %swap3A_2120 : vector<16xf32> to vector<16xf32>
    %swap3A_2122 = vector.shape_cast %mul3A_2118 : vector<16xf32> to vector<16xf32>
    tpu.vector_store %arg17[%swap3A_2119], %swap3A_2122 {strides = array<i32>} : memref<512xf32, #tpu.memory_space<vmem>>, vector<16xf32>,
    %get3A_2123 = arith.constant 320 : index
    %get3A_2124 = tpu.vector_load %arg13[%get3A_2123] {strides = array<i32>} : memref<512xf32, #tpu.memory_space<vmem>>, vector<16xf32>,
    %get3A_2125 = vector.shape_cast %get3A_2124 : vector<16xf32> to vector<16xf32>
    %get3A_2126 = arith.constant 320 : index
    %get3A_2127 = tpu.vector_load %arg15[%get3A_2126] {strides = array<i32>} : memref<512xf32, #tpu.memory_space<vmem>>, vector<16xf32>,
    %get3A_2128 = vector.shape_cast %get3A_2127 : vector<16xf32> to vector<16xf32>
    %sub3A_2129 = arith.subf %get3A_2125, %get3A_2128 : vector<16xf32>
    %neg3A_2130 = arith.constant 0.000000e+00 : f32
    %neg3A_2131 = vector.broadcast %neg3A_2130 : f32 to vector<16xf32>
    %neg3A_2132 = arith.subf %neg3A_2131, %sub3A_2129 : vector<16xf32>
    %exp3A_2133 = math.exp %neg3A_2132 : vector<16xf32>
    %add3A_2134 = arith.constant 1.000000e+00 : f32
    %add3A_2135 = vector.broadcast %add3A_2134 : f32 to vector<16xf32>
    %add3A_2136 = arith.addf %add3A_2135, %exp3A_2133 : vector<16xf32>
    %div3A_2137 = arith.constant 1.000000e+00 : f32
    %div3A_2138 = vector.broadcast %div3A_2137 : f32 to vector<16xf32>
    %div3A_2139 = arith.divf %div3A_2138, %add3A_2136 : vector<16xf32>
    %get3A_2140 = arith.constant 320 : index
    %get3A_2141 = tpu.vector_load %arg14[%get3A_2140] {strides = array<i32>} : memref<512xf32, #tpu.memory_space<vmem>>, vector<16xf32>,
    %get3A_2142 = vector.shape_cast %get3A_2141 : vector<16xf32> to vector<16xf32>
    %get3A_2143 = arith.constant 320 : index
    %get3A_2144 = tpu.vector_load %arg16[%get3A_2143] {strides = array<i32>} : memref<512xf32, #tpu.memory_space<vmem>>, vector<16xf32>,
    %get3A_2145 = vector.shape_cast %get3A_2144 : vector<16xf32> to vector<16xf32>
    %sub3A_2146 = arith.subf %get3A_2142, %get3A_2145 : vector<16xf32>
    %neg3A_2147 = arith.constant 0.000000e+00 : f32
    %neg3A_2148 = vector.broadcast %neg3A_2147 : f32 to vector<16xf32>
    %neg3A_2149 = arith.subf %neg3A_2148, %sub3A_2146 : vector<16xf32>
    %exp3A_2150 = math.exp %neg3A_2149 : vector<16xf32>
    %add3A_2151 = arith.constant 1.000000e+00 : f32
    %add3A_2152 = vector.broadcast %add3A_2151 : f32 to vector<16xf32>
    %add3A_2153 = arith.addf %add3A_2152, %exp3A_2150 : vector<16xf32>
    %div3A_2154 = arith.constant 1.000000e+00 : f32
    %div3A_2155 = vector.broadcast %div3A_2154 : f32 to vector<16xf32>
    %div3A_2156 = arith.divf %div3A_2155, %add3A_2153 : vector<16xf32>
    %add3A_2157 = arith.addf %div3A_2139, %div3A_2156 : vector<16xf32>
    %mul3A_2158 = arith.constant 5.000000e-01 : f32
    %mul3A_2159 = vector.broadcast %mul3A_2158 : f32 to vector<16xf32>
    %mul3A_2160 = arith.mulf %add3A_2157, %mul3A_2159 : vector<16xf32>
    %swap3A_2161 = arith.constant 320 : index
    %swap3A_2162 = tpu.vector_load %arg17[%swap3A_2161] {strides = array<i32>} : memref<512xf32, #tpu.memory_space<vmem>>, vector<16xf32>,
    %swap3A_2163 = vector.shape_cast %swap3A_2162 : vector<16xf32> to vector<16xf32>
    %swap3A_2164 = vector.shape_cast %mul3A_2160 : vector<16xf32> to vector<16xf32>
    tpu.vector_store %arg17[%swap3A_2161], %swap3A_2164 {strides = array<i32>} : memref<512xf32, #tpu.memory_space<vmem>>, vector<16xf32>,
    %get3A_2165 = arith.constant 336 : index
    %get3A_2166 = tpu.vector_load %arg13[%get3A_2165] {strides = array<i32>} : memref<512xf32, #tpu.memory_space<vmem>>, vector<16xf32>,
    %get3A_2167 = vector.shape_cast %get3A_2166 : vector<16xf32> to vector<16xf32>
    %get3A_2168 = arith.constant 336 : index
    %get3A_2169 = tpu.vector_load %arg15[%get3A_2168] {strides = array<i32>} : memref<512xf32, #tpu.memory_space<vmem>>, vector<16xf32>,
    %get3A_2170 = vector.shape_cast %get3A_2169 : vector<16xf32> to vector<16xf32>
    %sub3A_2171 = arith.subf %get3A_2167, %get3A_2170 : vector<16xf32>
    %neg3A_2172 = arith.constant 0.000000e+00 : f32
    %neg3A_2173 = vector.broadcast %neg3A_2172 : f32 to vector<16xf32>
    %neg3A_2174 = arith.subf %neg3A_2173, %sub3A_2171 : vector<16xf32>
    %exp3A_2175 = math.exp %neg3A_2174 : vector<16xf32>
    %add3A_2176 = arith.constant 1.000000e+00 : f32
    %add3A_2177 = vector.broadcast %add3A_2176 : f32 to vector<16xf32>
    %add3A_2178 = arith.addf %add3A_2177, %exp3A_2175 : vector<16xf32>
    %div3A_2179 = arith.constant 1.000000e+00 : f32
    %div3A_2180 = vector.broadcast %div3A_2179 : f32 to vector<16xf32>
    %div3A_2181 = arith.divf %div3A_2180, %add3A_2178 : vector<16xf32>
    %get3A_2182 = arith.constant 336 : index
    %get3A_2183 = tpu.vector_load %arg14[%get3A_2182] {strides = array<i32>} : memref<512xf32, #tpu.memory_space<vmem>>, vector<16xf32>,
    %get3A_2184 = vector.shape_cast %get3A_2183 : vector<16xf32> to vector<16xf32>
    %get3A_2185 = arith.constant 336 : index
    %get3A_2186 = tpu.vector_load %arg16[%get3A_2185] {strides = array<i32>} : memref<512xf32, #tpu.memory_space<vmem>>, vector<16xf32>,
    %get3A_2187 = vector.shape_cast %get3A_2186 : vector<16xf32> to vector<16xf32>
    %sub3A_2188 = arith.subf %get3A_2184, %get3A_2187 : vector<16xf32>
    %neg3A_2189 = arith.constant 0.000000e+00 : f32
    %neg3A_2190 = vector.broadcast %neg3A_2189 : f32 to vector<16xf32>
    %neg3A_2191 = arith.subf %neg3A_2190, %sub3A_2188 : vector<16xf32>
    %exp3A_2192 = math.exp %neg3A_2191 : vector<16xf32>
    %add3A_2193 = arith.constant 1.000000e+00 : f32
    %add3A_2194 = vector.broadcast %add3A_2193 : f32 to vector<16xf32>
    %add3A_2195 = arith.addf %add3A_2194, %exp3A_2192 : vector<16xf32>
    %div3A_2196 = arith.constant 1.000000e+00 : f32
    %div3A_2197 = vector.broadcast %div3A_2196 : f32 to vector<16xf32>
    %div3A_2198 = arith.divf %div3A_2197, %add3A_2195 : vector<16xf32>
    %add3A_2199 = arith.addf %div3A_2181, %div3A_2198 : vector<16xf32>
    %mul3A_2200 = arith.constant 5.000000e-01 : f32
    %mul3A_2201 = vector.broadcast %mul3A_2200 : f32 to vector<16xf32>
    %mul3A_2202 = arith.mulf %add3A_2199, %mul3A_2201 : vector<16xf32>
    %swap3A_2203 = arith.constant 336 : index
    %swap3A_2204 = tpu.vector_load %arg17[%swap3A_2203] {strides = array<i32>} : memref<512xf32, #tpu.memory_space<vmem>>, vector<16xf32>,
    %swap3A_2205 = vector.shape_cast %swap3A_2204 : vector<16xf32> to vector<16xf32>
    %swap3A_2206 = vector.shape_cast %mul3A_2202 : vector<16xf32> to vector<16xf32>
    tpu.vector_store %arg17[%swap3A_2203], %swap3A_2206 {strides = array<i32>} : memref<512xf32, #tpu.memory_space<vmem>>, vector<16xf32>,
    %get3A_2207 = arith.constant 352 : index
    %get3A_2208 = tpu.vector_load %arg13[%get3A_2207] {strides = array<i32>} : memref<512xf32, #tpu.memory_space<vmem>>, vector<16xf32>,
    %get3A_2209 = vector.shape_cast %get3A_2208 : vector<16xf32> to vector<16xf32>
    %get3A_2210 = arith.constant 352 : index
    %get3A_2211 = tpu.vector_load %arg15[%get3A_2210] {strides = array<i32>} : memref<512xf32, #tpu.memory_space<vmem>>, vector<16xf32>,
    %get3A_2212 = vector.shape_cast %get3A_2211 : vector<16xf32> to vector<16xf32>
    %sub3A_2213 = arith.subf %get3A_2209, %get3A_2212 : vector<16xf32>
    %neg3A_2214 = arith.constant 0.000000e+00 : f32
    %neg3A_2215 = vector.broadcast %neg3A_2214 : f32 to vector<16xf32>
    %neg3A_2216 = arith.subf %neg3A_2215, %sub3A_2213 : vector<16xf32>
    %exp3A_2217 = math.exp %neg3A_2216 : vector<16xf32>
    %add3A_2218 = arith.constant 1.000000e+00 : f32
    %add3A_2219 = vector.broadcast %add3A_2218 : f32 to vector<16xf32>
    %add3A_2220 = arith.addf %add3A_2219, %exp3A_2217 : vector<16xf32>
    %div3A_2221 = arith.constant 1.000000e+00 : f32
    %div3A_2222 = vector.broadcast %div3A_2221 : f32 to vector<16xf32>
    %div3A_2223 = arith.divf %div3A_2222, %add3A_2220 : vector<16xf32>
    %get3A_2224 = arith.constant 352 : index
    %get3A_2225 = tpu.vector_load %arg14[%get3A_2224] {strides = array<i32>} : memref<512xf32, #tpu.memory_space<vmem>>, vector<16xf32>,
    %get3A_2226 = vector.shape_cast %get3A_2225 : vector<16xf32> to vector<16xf32>
    %get3A_2227 = arith.constant 352 : index
    %get3A_2228 = tpu.vector_load %arg16[%get3A_2227] {strides = array<i32>} : memref<512xf32, #tpu.memory_space<vmem>>, vector<16xf32>,
    %get3A_2229 = vector.shape_cast %get3A_2228 : vector<16xf32> to vector<16xf32>
    %sub3A_2230 = arith.subf %get3A_2226, %get3A_2229 : vector<16xf32>
    %neg3A_2231 = arith.constant 0.000000e+00 : f32
    %neg3A_2232 = vector.broadcast %neg3A_2231 : f32 to vector<16xf32>
    %neg3A_2233 = arith.subf %neg3A_2232, %sub3A_2230 : vector<16xf32>
    %exp3A_2234 = math.exp %neg3A_2233 : vector<16xf32>
    %add3A_2235 = arith.constant 1.000000e+00 : f32
    %add3A_2236 = vector.broadcast %add3A_2235 : f32 to vector<16xf32>
    %add3A_2237 = arith.addf %add3A_2236, %exp3A_2234 : vector<16xf32>
    %div3A_2238 = arith.constant 1.000000e+00 : f32
    %div3A_2239 = vector.broadcast %div3A_2238 : f32 to vector<16xf32>
    %div3A_2240 = arith.divf %div3A_2239, %add3A_2237 : vector<16xf32>
    %add3A_2241 = arith.addf %div3A_2223, %div3A_2240 : vector<16xf32>
    %mul3A_2242 = arith.constant 5.000000e-01 : f32
    %mul3A_2243 = vector.broadcast %mul3A_2242 : f32 to vector<16xf32>
    %mul3A_2244 = arith.mulf %add3A_2241, %mul3A_2243 : vector<16xf32>
    %swap3A_2245 = arith.constant 352 : index
    %swap3A_2246 = tpu.vector_load %arg17[%swap3A_2245] {strides = array<i32>} : memref<512xf32, #tpu.memory_space<vmem>>, vector<16xf32>,
    %swap3A_2247 = vector.shape_cast %swap3A_2246 : vector<16xf32> to vector<16xf32>
    %swap3A_2248 = vector.shape_cast %mul3A_2244 : vector<16xf32> to vector<16xf32>
    tpu.vector_store %arg17[%swap3A_2245], %swap3A_2248 {strides = array<i32>} : memref<512xf32, #tpu.memory_space<vmem>>, vector<16xf32>,
    %get3A_2249 = arith.constant 368 : index
    %get3A_2250 = tpu.vector_load %arg13[%get3A_2249] {strides = array<i32>} : memref<512xf32, #tpu.memory_space<vmem>>, vector<16xf32>,
    %get3A_2251 = vector.shape_cast %get3A_2250 : vector<16xf32> to vector<16xf32>
    %get3A_2252 = arith.constant 368 : index
    %get3A_2253 = tpu.vector_load %arg15[%get3A_2252] {strides = array<i32>} : memref<512xf32, #tpu.memory_space<vmem>>, vector<16xf32>,
    %get3A_2254 = vector.shape_cast %get3A_2253 : vector<16xf32> to vector<16xf32>
    %sub3A_2255 = arith.subf %get3A_2251, %get3A_2254 : vector<16xf32>
    %neg3A_2256 = arith.constant 0.000000e+00 : f32
    %neg3A_2257 = vector.broadcast %neg3A_2256 : f32 to vector<16xf32>
    %neg3A_2258 = arith.subf %neg3A_2257, %sub3A_2255 : vector<16xf32>
    %exp3A_2259 = math.exp %neg3A_2258 : vector<16xf32>
    %add3A_2260 = arith.constant 1.000000e+00 : f32
    %add3A_2261 = vector.broadcast %add3A_2260 : f32 to vector<16xf32>
    %add3A_2262 = arith.addf %add3A_2261, %exp3A_2259 : vector<16xf32>
    %div3A_2263 = arith.constant 1.000000e+00 : f32
    %div3A_2264 = vector.broadcast %div3A_2263 : f32 to vector<16xf32>
    %div3A_2265 = arith.divf %div3A_2264, %add3A_2262 : vector<16xf32>
    %get3A_2266 = arith.constant 368 : index
    %get3A_2267 = tpu.vector_load %arg14[%get3A_2266] {strides = array<i32>} : memref<512xf32, #tpu.memory_space<vmem>>, vector<16xf32>,
    %get3A_2268 = vector.shape_cast %get3A_2267 : vector<16xf32> to vector<16xf32>
    %get3A_2269 = arith.constant 368 : index
    %get3A_2270 = tpu.vector_load %arg16[%get3A_2269] {strides = array<i32>} : memref<512xf32, #tpu.memory_space<vmem>>, vector<16xf32>,
    %get3A_2271 = vector.shape_cast %get3A_2270 : vector<16xf32> to vector<16xf32>
    %sub3A_2272 = arith.subf %get3A_2268, %get3A_2271 : vector<16xf32>
    %neg3A_2273 = arith.constant 0.000000e+00 : f32
    %neg3A_2274 = vector.broadcast %neg3A_2273 : f32 to vector<16xf32>
    %neg3A_2275 = arith.subf %neg3A_2274, %sub3A_2272 : vector<16xf32>
    %exp3A_2276 = math.exp %neg3A_2275 : vector<16xf32>
    %add3A_2277 = arith.constant 1.000000e+00 : f32
    %add3A_2278 = vector.broadcast %add3A_2277 : f32 to vector<16xf32>
    %add3A_2279 = arith.addf %add3A_2278, %exp3A_2276 : vector<16xf32>
    %div3A_2280 = arith.constant 1.000000e+00 : f32
    %div3A_2281 = vector.broadcast %div3A_2280 : f32 to vector<16xf32>
    %div3A_2282 = arith.divf %div3A_2281, %add3A_2279 : vector<16xf32>
    %add3A_2283 = arith.addf %div3A_2265, %div3A_2282 : vector<16xf32>
    %mul3A_2284 = arith.constant 5.000000e-01 : f32
    %mul3A_2285 = vector.broadcast %mul3A_2284 : f32 to vector<16xf32>
    %mul3A_2286 = arith.mulf %add3A_2283, %mul3A_2285 : vector<16xf32>
    %swap3A_2287 = arith.constant 368 : index
    %swap3A_2288 = tpu.vector_load %arg17[%swap3A_2287] {strides = array<i32>} : memref<512xf32, #tpu.memory_space<vmem>>, vector<16xf32>,
    %swap3A_2289 = vector.shape_cast %swap3A_2288 : vector<16xf32> to vector<16xf32>
    %swap3A_2290 = vector.shape_cast %mul3A_2286 : vector<16xf32> to vector<16xf32>
    tpu.vector_store %arg17[%swap3A_2287], %swap3A_2290 {strides = array<i32>} : memref<512xf32, #tpu.memory_space<vmem>>, vector<16xf32>,
    %get3A_2291 = arith.constant 384 : index
    %get3A_2292 = tpu.vector_load %arg13[%get3A_2291] {strides = array<i32>} : memref<512xf32, #tpu.memory_space<vmem>>, vector<16xf32>,
    %get3A_2293 = vector.shape_cast %get3A_2292 : vector<16xf32> to vector<16xf32>
    %get3A_2294 = arith.constant 384 : index
    %get3A_2295 = tpu.vector_load %arg15[%get3A_2294] {strides = array<i32>} : memref<512xf32, #tpu.memory_space<vmem>>, vector<16xf32>,
    %get3A_2296 = vector.shape_cast %get3A_2295 : vector<16xf32> to vector<16xf32>
    %sub3A_2297 = arith.subf %get3A_2293, %get3A_2296 : vector<16xf32>
    %neg3A_2298 = arith.constant 0.000000e+00 : f32
    %neg3A_2299 = vector.broadcast %neg3A_2298 : f32 to vector<16xf32>
    %neg3A_2300 = arith.subf %neg3A_2299, %sub3A_2297 : vector<16xf32>
    %exp3A_2301 = math.exp %neg3A_2300 : vector<16xf32>
    %add3A_2302 = arith.constant 1.000000e+00 : f32
    %add3A_2303 = vector.broadcast %add3A_2302 : f32 to vector<16xf32>
    %add3A_2304 = arith.addf %add3A_2303, %exp3A_2301 : vector<16xf32>
    %div3A_2305 = arith.constant 1.000000e+00 : f32
    %div3A_2306 = vector.broadcast %div3A_2305 : f32 to vector<16xf32>
    %div3A_2307 = arith.divf %div3A_2306, %add3A_2304 : vector<16xf32>
    %get3A_2308 = arith.constant 384 : index
    %get3A_2309 = tpu.vector_load %arg14[%get3A_2308] {strides = array<i32>} : memref<512xf32, #tpu.memory_space<vmem>>, vector<16xf32>,
    %get3A_2310 = vector.shape_cast %get3A_2309 : vector<16xf32> to vector<16xf32>
    %get3A_2311 = arith.constant 384 : index
    %get3A_2312 = tpu.vector_load %arg16[%get3A_2311] {strides = array<i32>} : memref<512xf32, #tpu.memory_space<vmem>>, vector<16xf32>,
    %get3A_2313 = vector.shape_cast %get3A_2312 : vector<16xf32> to vector<16xf32>
    %sub3A_2314 = arith.subf %get3A_2310, %get3A_2313 : vector<16xf32>
    %neg3A_2315 = arith.constant 0.000000e+00 : f32
    %neg3A_2316 = vector.broadcast %neg3A_2315 : f32 to vector<16xf32>
    %neg3A_2317 = arith.subf %neg3A_2316, %sub3A_2314 : vector<16xf32>
    %exp3A_2318 = math.exp %neg3A_2317 : vector<16xf32>
    %add3A_2319 = arith.constant 1.000000e+00 : f32
    %add3A_2320 = vector.broadcast %add3A_2319 : f32 to vector<16xf32>
    %add3A_2321 = arith.addf %add3A_2320, %exp3A_2318 : vector<16xf32>
    %div3A_2322 = arith.constant 1.000000e+00 : f32
    %div3A_2323 = vector.broadcast %div3A_2322 : f32 to vector<16xf32>
    %div3A_2324 = arith.divf %div3A_2323, %add3A_2321 : vector<16xf32>
    %add3A_2325 = arith.addf %div3A_2307, %div3A_2324 : vector<16xf32>
    %mul3A_2326 = arith.constant 5.000000e-01 : f32
    %mul3A_2327 = vector.broadcast %mul3A_2326 : f32 to vector<16xf32>
    %mul3A_2328 = arith.mulf %add3A_2325, %mul3A_2327 : vector<16xf32>
    %swap3A_2329 = arith.constant 384 : index
    %swap3A_2330 = tpu.vector_load %arg17[%swap3A_2329] {strides = array<i32>} : memref<512xf32, #tpu.memory_space<vmem>>, vector<16xf32>,
    %swap3A_2331 = vector.shape_cast %swap3A_2330 : vector<16xf32> to vector<16xf32>
    %swap3A_2332 = vector.shape_cast %mul3A_2328 : vector<16xf32> to vector<16xf32>
    tpu.vector_store %arg17[%swap3A_2329], %swap3A_2332 {strides = array<i32>} : memref<512xf32, #tpu.memory_space<vmem>>, vector<16xf32>,
    %get3A_2333 = arith.constant 400 : index
    %get3A_2334 = tpu.vector_load %arg13[%get3A_2333] {strides = array<i32>} : memref<512xf32, #tpu.memory_space<vmem>>, vector<16xf32>,
    %get3A_2335 = vector.shape_cast %get3A_2334 : vector<16xf32> to vector<16xf32>
    %get3A_2336 = arith.constant 400 : index
    %get3A_2337 = tpu.vector_load %arg15[%get3A_2336] {strides = array<i32>} : memref<512xf32, #tpu.memory_space<vmem>>, vector<16xf32>,
    %get3A_2338 = vector.shape_cast %get3A_2337 : vector<16xf32> to vector<16xf32>
    %sub3A_2339 = arith.subf %get3A_2335, %get3A_2338 : vector<16xf32>
    %neg3A_2340 = arith.constant 0.000000e+00 : f32
    %neg3A_2341 = vector.broadcast %neg3A_2340 : f32 to vector<16xf32>
    %neg3A_2342 = arith.subf %neg3A_2341, %sub3A_2339 : vector<16xf32>
    %exp3A_2343 = math.exp %neg3A_2342 : vector<16xf32>
    %add3A_2344 = arith.constant 1.000000e+00 : f32
    %add3A_2345 = vector.broadcast %add3A_2344 : f32 to vector<16xf32>
    %add3A_2346 = arith.addf %add3A_2345, %exp3A_2343 : vector<16xf32>
    %div3A_2347 = arith.constant 1.000000e+00 : f32
    %div3A_2348 = vector.broadcast %div3A_2347 : f32 to vector<16xf32>
    %div3A_2349 = arith.divf %div3A_2348, %add3A_2346 : vector<16xf32>
    %get3A_2350 = arith.constant 400 : index
    %get3A_2351 = tpu.vector_load %arg14[%get3A_2350] {strides = array<i32>} : memref<512xf32, #tpu.memory_space<vmem>>, vector<16xf32>,
    %get3A_2352 = vector.shape_cast %get3A_2351 : vector<16xf32> to vector<16xf32>
    %get3A_2353 = arith.constant 400 : index
    %get3A_2354 = tpu.vector_load %arg16[%get3A_2353] {strides = array<i32>} : memref<512xf32, #tpu.memory_space<vmem>>, vector<16xf32>,
    %get3A_2355 = vector.shape_cast %get3A_2354 : vector<16xf32> to vector<16xf32>
    %sub3A_2356 = arith.subf %get3A_2352, %get3A_2355 : vector<16xf32>
    %neg3A_2357 = arith.constant 0.000000e+00 : f32
    %neg3A_2358 = vector.broadcast %neg3A_2357 : f32 to vector<16xf32>
    %neg3A_2359 = arith.subf %neg3A_2358, %sub3A_2356 : vector<16xf32>
    %exp3A_2360 = math.exp %neg3A_2359 : vector<16xf32>
    %add3A_2361 = arith.constant 1.000000e+00 : f32
    %add3A_2362 = vector.broadcast %add3A_2361 : f32 to vector<16xf32>
    %add3A_2363 = arith.addf %add3A_2362, %exp3A_2360 : vector<16xf32>
    %div3A_2364 = arith.constant 1.000000e+00 : f32
    %div3A_2365 = vector.broadcast %div3A_2364 : f32 to vector<16xf32>
    %div3A_2366 = arith.divf %div3A_2365, %add3A_2363 : vector<16xf32>
    %add3A_2367 = arith.addf %div3A_2349, %div3A_2366 : vector<16xf32>
    %mul3A_2368 = arith.constant 5.000000e-01 : f32
    %mul3A_2369 = vector.broadcast %mul3A_2368 : f32 to vector<16xf32>
    %mul3A_2370 = arith.mulf %add3A_2367, %mul3A_2369 : vector<16xf32>
    %swap3A_2371 = arith.constant 400 : index
    %swap3A_2372 = tpu.vector_load %arg17[%swap3A_2371] {strides = array<i32>} : memref<512xf32, #tpu.memory_space<vmem>>, vector<16xf32>,
    %swap3A_2373 = vector.shape_cast %swap3A_2372 : vector<16xf32> to vector<16xf32>
    %swap3A_2374 = vector.shape_cast %mul3A_2370 : vector<16xf32> to vector<16xf32>
    tpu.vector_store %arg17[%swap3A_2371], %swap3A_2374 {strides = array<i32>} : memref<512xf32, #tpu.memory_space<vmem>>, vector<16xf32>,
    %get3A_2375 = arith.constant 416 : index
    %get3A_2376 = tpu.vector_load %arg13[%get3A_2375] {strides = array<i32>} : memref<512xf32, #tpu.memory_space<vmem>>, vector<16xf32>,
    %get3A_2377 = vector.shape_cast %get3A_2376 : vector<16xf32> to vector<16xf32>
    %get3A_2378 = arith.constant 416 : index
    %get3A_2379 = tpu.vector_load %arg15[%get3A_2378] {strides = array<i32>} : memref<512xf32, #tpu.memory_space<vmem>>, vector<16xf32>,
    %get3A_2380 = vector.shape_cast %get3A_2379 : vector<16xf32> to vector<16xf32>
    %sub3A_2381 = arith.subf %get3A_2377, %get3A_2380 : vector<16xf32>
    %neg3A_2382 = arith.constant 0.000000e+00 : f32
    %neg3A_2383 = vector.broadcast %neg3A_2382 : f32 to vector<16xf32>
    %neg3A_2384 = arith.subf %neg3A_2383, %sub3A_2381 : vector<16xf32>
    %exp3A_2385 = math.exp %neg3A_2384 : vector<16xf32>
    %add3A_2386 = arith.constant 1.000000e+00 : f32
    %add3A_2387 = vector.broadcast %add3A_2386 : f32 to vector<16xf32>
    %add3A_2388 = arith.addf %add3A_2387, %exp3A_2385 : vector<16xf32>
    %div3A_2389 = arith.constant 1.000000e+00 : f32
    %div3A_2390 = vector.broadcast %div3A_2389 : f32 to vector<16xf32>
    %div3A_2391 = arith.divf %div3A_2390, %add3A_2388 : vector<16xf32>
    %get3A_2392 = arith.constant 416 : index
    %get3A_2393 = tpu.vector_load %arg14[%get3A_2392] {strides = array<i32>} : memref<512xf32, #tpu.memory_space<vmem>>, vector<16xf32>,
    %get3A_2394 = vector.shape_cast %get3A_2393 : vector<16xf32> to vector<16xf32>
    %get3A_2395 = arith.constant 416 : index
    %get3A_2396 = tpu.vector_load %arg16[%get3A_2395] {strides = array<i32>} : memref<512xf32, #tpu.memory_space<vmem>>, vector<16xf32>,
    %get3A_2397 = vector.shape_cast %get3A_2396 : vector<16xf32> to vector<16xf32>
    %sub3A_2398 = arith.subf %get3A_2394, %get3A_2397 : vector<16xf32>
    %neg3A_2399 = arith.constant 0.000000e+00 : f32
    %neg3A_2400 = vector.broadcast %neg3A_2399 : f32 to vector<16xf32>
    %neg3A_2401 = arith.subf %neg3A_2400, %sub3A_2398 : vector<16xf32>
    %exp3A_2402 = math.exp %neg3A_2401 : vector<16xf32>
    %add3A_2403 = arith.constant 1.000000e+00 : f32
    %add3A_2404 = vector.broadcast %add3A_2403 : f32 to vector<16xf32>
    %add3A_2405 = arith.addf %add3A_2404, %exp3A_2402 : vector<16xf32>
    %div3A_2406 = arith.constant 1.000000e+00 : f32
    %div3A_2407 = vector.broadcast %div3A_2406 : f32 to vector<16xf32>
    %div3A_2408 = arith.divf %div3A_2407, %add3A_2405 : vector<16xf32>
    %add3A_2409 = arith.addf %div3A_2391, %div3A_2408 : vector<16xf32>
    %mul3A_2410 = arith.constant 5.000000e-01 : f32
    %mul3A_2411 = vector.broadcast %mul3A_2410 : f32 to vector<16xf32>
    %mul3A_2412 = arith.mulf %add3A_2409, %mul3A_2411 : vector<16xf32>
    %swap3A_2413 = arith.constant 416 : index
    %swap3A_2414 = tpu.vector_load %arg17[%swap3A_2413] {strides = array<i32>} : memref<512xf32, #tpu.memory_space<vmem>>, vector<16xf32>,
    %swap3A_2415 = vector.shape_cast %swap3A_2414 : vector<16xf32> to vector<16xf32>
    %swap3A_2416 = vector.shape_cast %mul3A_2412 : vector<16xf32> to vector<16xf32>
    tpu.vector_store %arg17[%swap3A_2413], %swap3A_2416 {strides = array<i32>} : memref<512xf32, #tpu.memory_space<vmem>>, vector<16xf32>,
    %get3A_2417 = arith.constant 432 : index
    %get3A_2418 = tpu.vector_load %arg13[%get3A_2417] {strides = array<i32>} : memref<512xf32, #tpu.memory_space<vmem>>, vector<16xf32>,
    %get3A_2419 = vector.shape_cast %get3A_2418 : vector<16xf32> to vector<16xf32>
    %get3A_2420 = arith.constant 432 : index
    %get3A_2421 = tpu.vector_load %arg15[%get3A_2420] {strides = array<i32>} : memref<512xf32, #tpu.memory_space<vmem>>, vector<16xf32>,
    %get3A_2422 = vector.shape_cast %get3A_2421 : vector<16xf32> to vector<16xf32>
    %sub3A_2423 = arith.subf %get3A_2419, %get3A_2422 : vector<16xf32>
    %neg3A_2424 = arith.constant 0.000000e+00 : f32
    %neg3A_2425 = vector.broadcast %neg3A_2424 : f32 to vector<16xf32>
    %neg3A_2426 = arith.subf %neg3A_2425, %sub3A_2423 : vector<16xf32>
    %exp3A_2427 = math.exp %neg3A_2426 : vector<16xf32>
    %add3A_2428 = arith.constant 1.000000e+00 : f32
    %add3A_2429 = vector.broadcast %add3A_2428 : f32 to vector<16xf32>
    %add3A_2430 = arith.addf %add3A_2429, %exp3A_2427 : vector<16xf32>
    %div3A_2431 = arith.constant 1.000000e+00 : f32
    %div3A_2432 = vector.broadcast %div3A_2431 : f32 to vector<16xf32>
    %div3A_2433 = arith.divf %div3A_2432, %add3A_2430 : vector<16xf32>
    %get3A_2434 = arith.constant 432 : index
    %get3A_2435 = tpu.vector_load %arg14[%get3A_2434] {strides = array<i32>} : memref<512xf32, #tpu.memory_space<vmem>>, vector<16xf32>,
    %get3A_2436 = vector.shape_cast %get3A_2435 : vector<16xf32> to vector<16xf32>
    %get3A_2437 = arith.constant 432 : index
    %get3A_2438 = tpu.vector_load %arg16[%get3A_2437] {strides = array<i32>} : memref<512xf32, #tpu.memory_space<vmem>>, vector<16xf32>,
    %get3A_2439 = vector.shape_cast %get3A_2438 : vector<16xf32> to vector<16xf32>
    %sub3A_2440 = arith.subf %get3A_2436, %get3A_2439 : vector<16xf32>
    %neg3A_2441 = arith.constant 0.000000e+00 : f32
    %neg3A_2442 = vector.broadcast %neg3A_2441 : f32 to vector<16xf32>
    %neg3A_2443 = arith.subf %neg3A_2442, %sub3A_2440 : vector<16xf32>
    %exp3A_2444 = math.exp %neg3A_2443 : vector<16xf32>
    %add3A_2445 = arith.constant 1.000000e+00 : f32
    %add3A_2446 = vector.broadcast %add3A_2445 : f32 to vector<16xf32>
    %add3A_2447 = arith.addf %add3A_2446, %exp3A_2444 : vector<16xf32>
    %div3A_2448 = arith.constant 1.000000e+00 : f32
    %div3A_2449 = vector.broadcast %div3A_2448 : f32 to vector<16xf32>
    %div3A_2450 = arith.divf %div3A_2449, %add3A_2447 : vector<16xf32>
    %add3A_2451 = arith.addf %div3A_2433, %div3A_2450 : vector<16xf32>
    %mul3A_2452 = arith.constant 5.000000e-01 : f32
    %mul3A_2453 = vector.broadcast %mul3A_2452 : f32 to vector<16xf32>
    %mul3A_2454 = arith.mulf %add3A_2451, %mul3A_2453 : vector<16xf32>
    %swap3A_2455 = arith.constant 432 : index
    %swap3A_2456 = tpu.vector_load %arg17[%swap3A_2455] {strides = array<i32>} : memref<512xf32, #tpu.memory_space<vmem>>, vector<16xf32>,
    %swap3A_2457 = vector.shape_cast %swap3A_2456 : vector<16xf32> to vector<16xf32>
    %swap3A_2458 = vector.shape_cast %mul3A_2454 : vector<16xf32> to vector<16xf32>
    tpu.vector_store %arg17[%swap3A_2455], %swap3A_2458 {strides = array<i32>} : memref<512xf32, #tpu.memory_space<vmem>>, vector<16xf32>,
    %get3A_2459 = arith.constant 448 : index
    %get3A_2460 = tpu.vector_load %arg13[%get3A_2459] {strides = array<i32>} : memref<512xf32, #tpu.memory_space<vmem>>, vector<16xf32>,
    %get3A_2461 = vector.shape_cast %get3A_2460 : vector<16xf32> to vector<16xf32>
    %get3A_2462 = arith.constant 448 : index
    %get3A_2463 = tpu.vector_load %arg15[%get3A_2462] {strides = array<i32>} : memref<512xf32, #tpu.memory_space<vmem>>, vector<16xf32>,
    %get3A_2464 = vector.shape_cast %get3A_2463 : vector<16xf32> to vector<16xf32>
    %sub3A_2465 = arith.subf %get3A_2461, %get3A_2464 : vector<16xf32>
    %neg3A_2466 = arith.constant 0.000000e+00 : f32
    %neg3A_2467 = vector.broadcast %neg3A_2466 : f32 to vector<16xf32>
    %neg3A_2468 = arith.subf %neg3A_2467, %sub3A_2465 : vector<16xf32>
    %exp3A_2469 = math.exp %neg3A_2468 : vector<16xf32>
    %add3A_2470 = arith.constant 1.000000e+00 : f32
    %add3A_2471 = vector.broadcast %add3A_2470 : f32 to vector<16xf32>
    %add3A_2472 = arith.addf %add3A_2471, %exp3A_2469 : vector<16xf32>
    %div3A_2473 = arith.constant 1.000000e+00 : f32
    %div3A_2474 = vector.broadcast %div3A_2473 : f32 to vector<16xf32>
    %div3A_2475 = arith.divf %div3A_2474, %add3A_2472 : vector<16xf32>
    %get3A_2476 = arith.constant 448 : index
    %get3A_2477 = tpu.vector_load %arg14[%get3A_2476] {strides = array<i32>} : memref<512xf32, #tpu.memory_space<vmem>>, vector<16xf32>,
    %get3A_2478 = vector.shape_cast %get3A_2477 : vector<16xf32> to vector<16xf32>
    %get3A_2479 = arith.constant 448 : index
    %get3A_2480 = tpu.vector_load %arg16[%get3A_2479] {strides = array<i32>} : memref<512xf32, #tpu.memory_space<vmem>>, vector<16xf32>,
    %get3A_2481 = vector.shape_cast %get3A_2480 : vector<16xf32> to vector<16xf32>
    %sub3A_2482 = arith.subf %get3A_2478, %get3A_2481 : vector<16xf32>
    %neg3A_2483 = arith.constant 0.000000e+00 : f32
    %neg3A_2484 = vector.broadcast %neg3A_2483 : f32 to vector<16xf32>
    %neg3A_2485 = arith.subf %neg3A_2484, %sub3A_2482 : vector<16xf32>
    %exp3A_2486 = math.exp %neg3A_2485 : vector<16xf32>
    %add3A_2487 = arith.constant 1.000000e+00 : f32
    %add3A_2488 = vector.broadcast %add3A_2487 : f32 to vector<16xf32>
    %add3A_2489 = arith.addf %add3A_2488, %exp3A_2486 : vector<16xf32>
    %div3A_2490 = arith.constant 1.000000e+00 : f32
    %div3A_2491 = vector.broadcast %div3A_2490 : f32 to vector<16xf32>
    %div3A_2492 = arith.divf %div3A_2491, %add3A_2489 : vector<16xf32>
    %add3A_2493 = arith.addf %div3A_2475, %div3A_2492 : vector<16xf32>
    %mul3A_2494 = arith.constant 5.000000e-01 : f32
    %mul3A_2495 = vector.broadcast %mul3A_2494 : f32 to vector<16xf32>
    %mul3A_2496 = arith.mulf %add3A_2493, %mul3A_2495 : vector<16xf32>
    %swap3A_2497 = arith.constant 448 : index
    %swap3A_2498 = tpu.vector_load %arg17[%swap3A_2497] {strides = array<i32>} : memref<512xf32, #tpu.memory_space<vmem>>, vector<16xf32>,
    %swap3A_2499 = vector.shape_cast %swap3A_2498 : vector<16xf32> to vector<16xf32>
    %swap3A_2500 = vector.shape_cast %mul3A_2496 : vector<16xf32> to vector<16xf32>
    tpu.vector_store %arg17[%swap3A_2497], %swap3A_2500 {strides = array<i32>} : memref<512xf32, #tpu.memory_space<vmem>>, vector<16xf32>,
    %get3A_2501 = arith.constant 464 : index
    %get3A_2502 = tpu.vector_load %arg13[%get3A_2501] {strides = array<i32>} : memref<512xf32, #tpu.memory_space<vmem>>, vector<16xf32>,
    %get3A_2503 = vector.shape_cast %get3A_2502 : vector<16xf32> to vector<16xf32>
    %get3A_2504 = arith.constant 464 : index
    %get3A_2505 = tpu.vector_load %arg15[%get3A_2504] {strides = array<i32>} : memref<512xf32, #tpu.memory_space<vmem>>, vector<16xf32>,
    %get3A_2506 = vector.shape_cast %get3A_2505 : vector<16xf32> to vector<16xf32>
    %sub3A_2507 = arith.subf %get3A_2503, %get3A_2506 : vector<16xf32>
    %neg3A_2508 = arith.constant 0.000000e+00 : f32
    %neg3A_2509 = vector.broadcast %neg3A_2508 : f32 to vector<16xf32>
    %neg3A_2510 = arith.subf %neg3A_2509, %sub3A_2507 : vector<16xf32>
    %exp3A_2511 = math.exp %neg3A_2510 : vector<16xf32>
    %add3A_2512 = arith.constant 1.000000e+00 : f32
    %add3A_2513 = vector.broadcast %add3A_2512 : f32 to vector<16xf32>
    %add3A_2514 = arith.addf %add3A_2513, %exp3A_2511 : vector<16xf32>
    %div3A_2515 = arith.constant 1.000000e+00 : f32
    %div3A_2516 = vector.broadcast %div3A_2515 : f32 to vector<16xf32>
    %div3A_2517 = arith.divf %div3A_2516, %add3A_2514 : vector<16xf32>
    %get3A_2518 = arith.constant 464 : index
    %get3A_2519 = tpu.vector_load %arg14[%get3A_2518] {strides = array<i32>} : memref<512xf32, #tpu.memory_space<vmem>>, vector<16xf32>,
    %get3A_2520 = vector.shape_cast %get3A_2519 : vector<16xf32> to vector<16xf32>
    %get3A_2521 = arith.constant 464 : index
    %get3A_2522 = tpu.vector_load %arg16[%get3A_2521] {strides = array<i32>} : memref<512xf32, #tpu.memory_space<vmem>>, vector<16xf32>,
    %get3A_2523 = vector.shape_cast %get3A_2522 : vector<16xf32> to vector<16xf32>
    %sub3A_2524 = arith.subf %get3A_2520, %get3A_2523 : vector<16xf32>
    %neg3A_2525 = arith.constant 0.000000e+00 : f32
    %neg3A_2526 = vector.broadcast %neg3A_2525 : f32 to vector<16xf32>
    %neg3A_2527 = arith.subf %neg3A_2526, %sub3A_2524 : vector<16xf32>
    %exp3A_2528 = math.exp %neg3A_2527 : vector<16xf32>
    %add3A_2529 = arith.constant 1.000000e+00 : f32
    %add3A_2530 = vector.broadcast %add3A_2529 : f32 to vector<16xf32>
    %add3A_2531 = arith.addf %add3A_2530, %exp3A_2528 : vector<16xf32>
    %div3A_2532 = arith.constant 1.000000e+00 : f32
    %div3A_2533 = vector.broadcast %div3A_2532 : f32 to vector<16xf32>
    %div3A_2534 = arith.divf %div3A_2533, %add3A_2531 : vector<16xf32>
    %add3A_2535 = arith.addf %div3A_2517, %div3A_2534 : vector<16xf32>
    %mul3A_2536 = arith.constant 5.000000e-01 : f32
    %mul3A_2537 = vector.broadcast %mul3A_2536 : f32 to vector<16xf32>
    %mul3A_2538 = arith.mulf %add3A_2535, %mul3A_2537 : vector<16xf32>
    %swap3A_2539 = arith.constant 464 : index
    %swap3A_2540 = tpu.vector_load %arg17[%swap3A_2539] {strides = array<i32>} : memref<512xf32, #tpu.memory_space<vmem>>, vector<16xf32>,
    %swap3A_2541 = vector.shape_cast %swap3A_2540 : vector<16xf32> to vector<16xf32>
    %swap3A_2542 = vector.shape_cast %mul3A_2538 : vector<16xf32> to vector<16xf32>
    tpu.vector_store %arg17[%swap3A_2539], %swap3A_2542 {strides = array<i32>} : memref<512xf32, #tpu.memory_space<vmem>>, vector<16xf32>,
    %get3A_2543 = arith.constant 480 : index
    %get3A_2544 = tpu.vector_load %arg13[%get3A_2543] {strides = array<i32>} : memref<512xf32, #tpu.memory_space<vmem>>, vector<16xf32>,
    %get3A_2545 = vector.shape_cast %get3A_2544 : vector<16xf32> to vector<16xf32>
    %get3A_2546 = arith.constant 480 : index
    %get3A_2547 = tpu.vector_load %arg15[%get3A_2546] {strides = array<i32>} : memref<512xf32, #tpu.memory_space<vmem>>, vector<16xf32>,
    %get3A_2548 = vector.shape_cast %get3A_2547 : vector<16xf32> to vector<16xf32>
    %sub3A_2549 = arith.subf %get3A_2545, %get3A_2548 : vector<16xf32>
    %neg3A_2550 = arith.constant 0.000000e+00 : f32
    %neg3A_2551 = vector.broadcast %neg3A_2550 : f32 to vector<16xf32>
    %neg3A_2552 = arith.subf %neg3A_2551, %sub3A_2549 : vector<16xf32>
    %exp3A_2553 = math.exp %neg3A_2552 : vector<16xf32>
    %add3A_2554 = arith.constant 1.000000e+00 : f32
    %add3A_2555 = vector.broadcast %add3A_2554 : f32 to vector<16xf32>
    %add3A_2556 = arith.addf %add3A_2555, %exp3A_2553 : vector<16xf32>
    %div3A_2557 = arith.constant 1.000000e+00 : f32
    %div3A_2558 = vector.broadcast %div3A_2557 : f32 to vector<16xf32>
    %div3A_2559 = arith.divf %div3A_2558, %add3A_2556 : vector<16xf32>
    %get3A_2560 = arith.constant 480 : index
    %get3A_2561 = tpu.vector_load %arg14[%get3A_2560] {strides = array<i32>} : memref<512xf32, #tpu.memory_space<vmem>>, vector<16xf32>,
    %get3A_2562 = vector.shape_cast %get3A_2561 : vector<16xf32> to vector<16xf32>
    %get3A_2563 = arith.constant 480 : index
    %get3A_2564 = tpu.vector_load %arg16[%get3A_2563] {strides = array<i32>} : memref<512xf32, #tpu.memory_space<vmem>>, vector<16xf32>,
    %get3A_2565 = vector.shape_cast %get3A_2564 : vector<16xf32> to vector<16xf32>
    %sub3A_2566 = arith.subf %get3A_2562, %get3A_2565 : vector<16xf32>
    %neg3A_2567 = arith.constant 0.000000e+00 : f32
    %neg3A_2568 = vector.broadcast %neg3A_2567 : f32 to vector<16xf32>
    %neg3A_2569 = arith.subf %neg3A_2568, %sub3A_2566 : vector<16xf32>
    %exp3A_2570 = math.exp %neg3A_2569 : vector<16xf32>
    %add3A_2571 = arith.constant 1.000000e+00 : f32
    %add3A_2572 = vector.broadcast %add3A_2571 : f32 to vector<16xf32>
    %add3A_2573 = arith.addf %add3A_2572, %exp3A_2570 : vector<16xf32>
    %div3A_2574 = arith.constant 1.000000e+00 : f32
    %div3A_2575 = vector.broadcast %div3A_2574 : f32 to vector<16xf32>
    %div3A_2576 = arith.divf %div3A_2575, %add3A_2573 : vector<16xf32>
    %add3A_2577 = arith.addf %div3A_2559, %div3A_2576 : vector<16xf32>
    %mul3A_2578 = arith.constant 5.000000e-01 : f32
    %mul3A_2579 = vector.broadcast %mul3A_2578 : f32 to vector<16xf32>
    %mul3A_2580 = arith.mulf %add3A_2577, %mul3A_2579 : vector<16xf32>
    %swap3A_2581 = arith.constant 480 : index
    %swap3A_2582 = tpu.vector_load %arg17[%swap3A_2581] {strides = array<i32>} : memref<512xf32, #tpu.memory_space<vmem>>, vector<16xf32>,
    %swap3A_2583 = vector.shape_cast %swap3A_2582 : vector<16xf32> to vector<16xf32>
    %swap3A_2584 = vector.shape_cast %mul3A_2580 : vector<16xf32> to vector<16xf32>
    tpu.vector_store %arg17[%swap3A_2581], %swap3A_2584 {strides = array<i32>} : memref<512xf32, #tpu.memory_space<vmem>>, vector<16xf32>,
    %get3A_2585 = arith.constant 496 : index
    %get3A_2586 = tpu.vector_load %arg13[%get3A_2585] {strides = array<i32>} : memref<512xf32, #tpu.memory_space<vmem>>, vector<16xf32>,
    %get3A_2587 = vector.shape_cast %get3A_2586 : vector<16xf32> to vector<16xf32>
    %get3A_2588 = arith.constant 496 : index
    %get3A_2589 = tpu.vector_load %arg15[%get3A_2588] {strides = array<i32>} : memref<512xf32, #tpu.memory_space<vmem>>, vector<16xf32>,
    %get3A_2590 = vector.shape_cast %get3A_2589 : vector<16xf32> to vector<16xf32>
    %sub3A_2591 = arith.subf %get3A_2587, %get3A_2590 : vector<16xf32>
    %neg3A_2592 = arith.constant 0.000000e+00 : f32
    %neg3A_2593 = vector.broadcast %neg3A_2592 : f32 to vector<16xf32>
    %neg3A_2594 = arith.subf %neg3A_2593, %sub3A_2591 : vector<16xf32>
    %exp3A_2595 = math.exp %neg3A_2594 : vector<16xf32>
    %add3A_2596 = arith.constant 1.000000e+00 : f32
    %add3A_2597 = vector.broadcast %add3A_2596 : f32 to vector<16xf32>
    %add3A_2598 = arith.addf %add3A_2597, %exp3A_2595 : vector<16xf32>
    %div3A_2599 = arith.constant 1.000000e+00 : f32
    %div3A_2600 = vector.broadcast %div3A_2599 : f32 to vector<16xf32>
    %div3A_2601 = arith.divf %div3A_2600, %add3A_2598 : vector<16xf32>
    %get3A_2602 = arith.constant 496 : index
    %get3A_2603 = tpu.vector_load %arg14[%get3A_2602] {strides = array<i32>} : memref<512xf32, #tpu.memory_space<vmem>>, vector<16xf32>,
    %get3A_2604 = vector.shape_cast %get3A_2603 : vector<16xf32> to vector<16xf32>
    %get3A_2605 = arith.constant 496 : index
    %get3A_2606 = tpu.vector_load %arg16[%get3A_2605] {strides = array<i32>} : memref<512xf32, #tpu.memory_space<vmem>>, vector<16xf32>,
    %get3A_2607 = vector.shape_cast %get3A_2606 : vector<16xf32> to vector<16xf32>
    %sub3A_2608 = arith.subf %get3A_2604, %get3A_2607 : vector<16xf32>
    %neg3A_2609 = arith.constant 0.000000e+00 : f32
    %neg3A_2610 = vector.broadcast %neg3A_2609 : f32 to vector<16xf32>
    %neg3A_2611 = arith.subf %neg3A_2610, %sub3A_2608 : vector<16xf32>
    %exp3A_2612 = math.exp %neg3A_2611 : vector<16xf32>
    %add3A_2613 = arith.constant 1.000000e+00 : f32
    %add3A_2614 = vector.broadcast %add3A_2613 : f32 to vector<16xf32>
    %add3A_2615 = arith.addf %add3A_2614, %exp3A_2612 : vector<16xf32>
    %div3A_2616 = arith.constant 1.000000e+00 : f32
    %div3A_2617 = vector.broadcast %div3A_2616 : f32 to vector<16xf32>
    %div3A_2618 = arith.divf %div3A_2617, %add3A_2615 : vector<16xf32>
    %add3A_2619 = arith.addf %div3A_2601, %div3A_2618 : vector<16xf32>
    %mul3A_2620 = arith.constant 5.000000e-01 : f32
    %mul3A_2621 = vector.broadcast %mul3A_2620 : f32 to vector<16xf32>
    %mul3A_2622 = arith.mulf %add3A_2619, %mul3A_2621 : vector<16xf32>
    %swap3A_2623 = arith.constant 496 : index
    %swap3A_2624 = tpu.vector_load %arg17[%swap3A_2623] {strides = array<i32>} : memref<512xf32, #tpu.memory_space<vmem>>, vector<16xf32>,
    %swap3A_2625 = vector.shape_cast %swap3A_2624 : vector<16xf32> to vector<16xf32>
    %swap3A_2626 = vector.shape_cast %mul3A_2622 : vector<16xf32> to vector<16xf32>
    tpu.vector_store %arg17[%swap3A_2623], %swap3A_2626 {strides = array<i32>} : memref<512xf32, #tpu.memory_space<vmem>>, vector<16xf32>,
    "tpu.region"() ({
      %run_scoped3A = tpu.sem_alloc : memref<!tpu.dma_semaphore, #tpu.memory_space<semaphore_mem>>
      %dma_start3A_2627 = tpu.memref_slice %arg6[%mul3A_2] : memref<16384xf32, #tpu.memory_space<hbm>> -> memref<512xf32, #tpu.memory_space<hbm>>
      %dma_start3A_2628 = tpu.memref_slice %arg6[%mul3A_2] : memref<16384xf32, #tpu.memory_space<hbm>> -> memref<512xf32, #tpu.memory_space<hbm>>
      tpu.enqueue_dma source(%arg17 : memref<512xf32, #tpu.memory_space<vmem>>) target(%dma_start3A_2628 : memref<512xf32, #tpu.memory_space<hbm>>) target_semaphore(%run_scoped3A : memref<!tpu.dma_semaphore, #tpu.memory_space<semaphore_mem>>)
      %dma_wait3A_2629 = tpu.memref_slice %arg6[%mul3A_2] : memref<16384xf32, #tpu.memory_space<hbm>> -> memref<512xf32, #tpu.memory_space<hbm>>
      %dma_wait3A_2630 = tpu.memref_slice %arg6[%mul3A_2] : memref<16384xf32, #tpu.memory_space<hbm>> -> memref<512xf32, #tpu.memory_space<hbm>>
      tpu.wait_dma2 semaphore(%run_scoped3A : memref<!tpu.dma_semaphore, #tpu.memory_space<semaphore_mem>>) src(%arg17 : memref<512xf32, #tpu.memory_space<vmem>>) dst(%dma_wait3A_2630 : memref<512xf32, #tpu.memory_space<hbm>>)
      tpu.yield
    }) : () -> ()
    return
  }
}

module attributes {stable_mosaic.version = 14 : i64} {
  func.func @body(%arg0: i32, %arg1: memref<16384x2xf32, #tpu.memory_space<vmem>>, %arg2: memref<16384x128xf32, #tpu.memory_space<vmem>>) attributes {dimension_semantics = [#tpu.dimension_semantics<arbitrary>], iteration_bounds = array<i64: 62>, scalar_prefetch = 0 : i64, scratch_operands = 0 : i64, tpu.core_type = #tpu.core_type<tc>, window_params = [{transform_indices = @transform_0, window_bounds = array<i64: 16384, 2>}, {transform_indices = @transform_1, window_bounds = array<i64: 16384, 128>}]} {
    %iota3A = tpu.iota {dimensions = array<i32: 0>} : vector<2x128xi32>
    %iota3A_0 = tpu.iota {dimensions = array<i32: 1>} : vector<2x128xi32>
    %eq3A = arith.cmpi eq, %iota3A, %iota3A_0 : vector<2x128xi32>
    %convert_element_type3A = arith.extui %eq3A : vector<2x128xi1> to vector<2x128xi32>
    %convert_element_type3A_1 = arith.sitofp %convert_element_type3A : vector<2x128xi32> to vector<2x128xf32>
    %get3A = arith.constant 0 : index
    %get3A_2 = arith.constant 0 : index
    %get3A_3 = vector.load %arg1[%get3A, %get3A_2] : memref<16384x2xf32, #tpu.memory_space<vmem>>, vector<16384x2xf32>
    %dot_general3A = arith.constant dense<0.000000e+00> : vector<16384x128xf32>
    %dot_general3A_4 = tpu.matmul %get3A_3, %convert_element_type3A_1, %dot_general3A {dimension_numbers = #tpu.dot_dimension_numbers<[1], [0], [0], [1], [0, 0, 1, 1], [], []>, transpose_lhs_hint = false} : vector<16384x2xf32>, vector<2x128xf32>, vector<16384x128xf32> -> vector<16384x128xf32>
    %swap3A = arith.constant 0 : index
    %swap3A_5 = arith.constant 0 : index
    %swap3A_6 = vector.load %arg2[%swap3A, %swap3A_5] : memref<16384x128xf32, #tpu.memory_space<vmem>>, vector<16384x128xf32>
    tpu.vector_store %arg2[%swap3A, %swap3A_5], %dot_general3A_4 {strides = array<i32>} : memref<16384x128xf32, #tpu.memory_space<vmem>>, vector<16384x128xf32>,
    return
  }
  func.func @transform_0(%arg0: i32) -> (i32, i32) {
    %c0_i32 = arith.constant 0 : i32
    %c0_i32_0 = arith.constant 0 : i32
    return %arg0, %c0_i32 : i32, i32
  }
  func.func @transform_1(%arg0: i32) -> (i32, i32) {
    %c0_i32 = arith.constant 0 : i32
    %c0_i32_0 = arith.constant 0 : i32
    return %arg0, %c0_i32 : i32, i32
  }
}

</mosaic_0001>

<sc_bundles>
// kernel: kernel.5.cloned.1.call-start
scs
__scs_entry_jumppad:
0x0: {  	(pc) =	sbr.rel $0x88, $3  }
0x1: {  	(tag) =	ssettag $0x0;
	lr =	simm.s32 $0x1  }
0x2: {  	[smem:$0x3F9D] =	sst lr;
	_ =	strace $0xD0000000  }
0x3: {  	_ = 	snop  }
0x4: {  	_ = 	snop  }
0x5: {  	_ = 	snop  }
0x6: {  	_ = 	snop  }
0x7: {  	_ = 	snop  }
__scs_overlays_trampoline_lowered:
0x8: {  	[smem:$0x3FAC] =	sst s0  }
0x9: {  	[smem:$0x3FAD] =	sst s1  }
0xa: {  	[smem:$0x3FAE] =	sst s2  }
0xb: {  	[smem:$0x3FAF] =	sst s3  }
0xc: {  	[smem:$0x3FB0] =	sst s4  }
0xd: {  	[smem:$0x3FB1] =	sst s5  }
0xe: {  	[smem:$0x3FB2] =	sst s6  }
0xf: {  	[smem:$0x3FB3] =	sst s7  }
0x10: {  	[smem:$0x3FB4] =	sst s8  }
0x11: {  	[smem:$0x3FB5] =	sst s9;
	s0 =	simm.s32 @!p0 $0x0  }
0x12: {  	s1 =	sld [smem:$0x3F9B];
	s0 =	simm.s32 @p0 $0x1  }
0x13: {  	[smem:$0x3FB6] =	sst s0;
	s0 =	simm.s32 @!p1 $0x0  }
0x14: {  	s2 =	sld [smem:$0x3F9A];
	s0 =	simm.s32 @p1 $0x1  }
0x15: {  	[smem:$0x3FB7] =	sst s0;
	s0 =	simm.s32 @!p2 $0x0  }
0x16: {  	s3 =	sld [smem:$0x3FDB];
	s0 =	simm.s32 @p2 $0x1  }
0x17: {  	s4 =	simm.s32 $0x1BF5;
	[smem:$0x3FB9] =	sst s0  }
0x18: {  	s0 =	sld [smem:$0x3F9C];
	_ =	swait.ge [sflag:s4], $0x0  }
0x19: {  	s7 =	sld [smem:$0x3F9D]  }
0x1a: {  	s8 =	sadd.s32 $0xFFFFE003, lr  }
0x1b: {  	s9 =	sadd.s32 $0xFFFFFEF7, lr;
	s5 =	simm.s32 $0xFFFFFFFF;
	p2 =	slt.u32 s8, $0xFFFFF086  }
0x1c: {  	p1 =	slt.u32 s9, $0xF7A;
	s5 =	simm.s32 @!p2 $0x0  }
0x1d: {  	s5 =	simm.s32 @p1 $0x1;
	p0 =	seq.s32 s7, s2  }
0x1e: {  	s7 =	smul.u32 @!p0 $0xF7A, s2;
	p2 =	seq.s32 @!p0 s5, $0x0  }
0x1f: {  	s9 =	smul.u32 $0xF7A, s1;
	s8 =	simm.s32 @!p0 $0x1BF5;
	p2 =	por !p2, p0  }
0x20: {  	[sflag:s8] =	ssyncset.s32 @!p0 $0xFFFFF086;
	s6 =	sadd.s32 @!p0 s3, s7;
	s7 =	simm.s32 @!p0 $0x108  }
0x21: {  	s3 =	sadd.s32 s3, s9;
	s6 =	sadd.s32 @!p0 $0x88, s6;
	s7 =	simm.s32 @p2 $0x1082  }
0x22: {  	[simem:s7], [sflag:s8] =	dma.local @!p0 [hbm:s6], $0xF7A  }
0x23: {  	s9 =	sor.u32 $0xD0000000, s2;
	s6 =	simm.s32 $0x108;
	_ =	swait.ge @!p0 [sflag:s8], $0x0  }
0x24: {  	s3 =	sadd.s32 $0x88, s3;
	s6 =	simm.s32 @!p1 $0x1082;
	[sflag:s4] =	ssyncset.s32 $0xFFFFF086  }
0x25: {  	[simem:s6], [sflag:s4] =	dma.local [hbm:s3], $0xF7A  }
0x26: {  	[smem:$0x3F9D] =	sst s1;
	(tag) =	ssettag s2;
	_ =	strace s9  }
0x27: {  	s1 =	sld [smem:$0x3FAD]  }
0x28: {  	s2 =	sld [smem:$0x3FAE]  }
0x29: {  	s4 =	sld [smem:$0x3FB0]  }
0x2a: {  	p0 =	seq.s32 s5, $0x0;
	s5 =	sld [smem:$0x3FB1]  }
0x2b: {  	s6 =	sld [smem:$0x3FB2]  }
0x2c: {  	s7 =	sld [smem:$0x3FB3]  }
0x2d: {  	s3 =	simm.s32 $0x108;
	s8 =	sld [smem:$0x3FB4]  }
0x2e: {  	s3 =	simm.s32 @!p0 $0x1082;
	s9 =	sld [smem:$0x3FB5]  }
0x2f: {  	lr =	sadd.s32 s0, s3;
	s0 =	sld [smem:$0x3FAC]  }
0x30: {  	s3 =	sld [smem:$0x3FAF]  }
0x31: {  	[smem:$0x3FB8] =	sst s10  }
0x32: {  	s10 =	sld [smem:$0x3FB6];
	_ =	sdelay $0x3  }
0x33: {  	p0 =	seq.s32 s10, $0x1;
	s10 =	sld [smem:$0x3FB8];
	_ =	sdelay $0x3  }
0x34: {  	[smem:$0x3FB8] =	sst s10  }
0x35: {  	s10 =	sld [smem:$0x3FB7];
	_ =	sdelay $0x3  }
0x36: {  	p1 =	seq.s32 s10, $0x1;
	s10 =	sld [smem:$0x3FB8];
	_ =	sdelay $0x3  }
0x37: {  	[smem:$0x3FB8] =	sst s10  }
0x38: {  	s10 =	sld [smem:$0x3FB9]  }
0x39: {  	_ = 	snop;
	(pc) =	sbr.ind lr, $3  }
0x3a: {  	_ = 	snop  }
0x3b: {  	_ = 	snop  }
0x3c: {  	p2 =	seq.s32 s10, $0x1;
	s10 =	sld [smem:$0x3FB8]  }
0x3d: {  	_ =	shalt  }
0x3e: {  	_ =	shalt  }
0x3f: {  	_ =	shalt  }
0x40: {  	_ =	shalt  }
0x41: {  	_ =	shalt  }
0x42: {  	_ =	shalt  }
0x43: {  	_ =	shalt  }
0x44: {  	_ =	shalt  }
0x45: {  	_ =	shalt  }
0x46: {  	_ =	shalt  }
0x47: {  	_ =	shalt  }
0x48: {  	_ =	shalt  }
0x49: {  	_ =	shalt  }
0x4a: {  	_ =	shalt  }
0x4b: {  	_ =	shalt  }
0x4c: {  	_ =	shalt  }
0x4d: {  	_ =	shalt  }
0x4e: {  	_ =	shalt  }
0x4f: {  	_ =	shalt  }
0x50: {  	_ =	shalt  }
0x51: {  	_ =	shalt  }
0x52: {  	_ =	shalt  }
0x53: {  	_ =	shalt  }
0x54: {  	_ =	shalt  }
0x55: {  	_ =	shalt  }
0x56: {  	_ =	shalt  }
0x57: {  	_ =	shalt  }
0x58: {  	_ =	shalt  }
0x59: {  	_ =	shalt  }
0x5a: {  	_ =	shalt  }
0x5b: {  	_ =	shalt  }
0x5c: {  	_ =	shalt  }
0x5d: {  	_ =	shalt  }
0x5e: {  	_ =	shalt  }
0x5f: {  	_ =	shalt  }
0x60: {  	_ =	shalt  }
0x61: {  	_ =	shalt  }
0x62: {  	_ =	shalt  }
0x63: {  	_ =	shalt  }
0x64: {  	_ =	shalt  }
0x65: {  	_ =	shalt  }
0x66: {  	_ =	shalt  }
0x67: {  	_ =	shalt  }
0x68: {  	_ =	shalt  }
0x69: {  	_ =	shalt  }
0x6a: {  	_ =	shalt  }
0x6b: {  	_ =	shalt  }
0x6c: {  	_ =	shalt  }
0x6d: {  	_ =	shalt  }
0x6e: {  	_ =	shalt  }
0x6f: {  	_ =	shalt  }
0x70: {  	_ =	shalt  }
0x71: {  	_ =	shalt  }
0x72: {  	_ =	shalt  }
0x73: {  	_ =	shalt  }
0x74: {  	_ =	shalt  }
0x75: {  	_ =	shalt  }
0x76: {  	_ =	shalt  }
0x77: {  	_ =	shalt  }
0x78: {  	_ =	shalt  }
0x79: {  	_ =	shalt  }
0x7a: {  	_ =	shalt  }
0x7b: {  	_ =	shalt  }
0x7c: {  	_ =	shalt  }
0x7d: {  	_ =	shalt  }
0x7e: {  	_ =	shalt  }
0x7f: {  	_ =	shalt  }
0x80: {  	_ =	shalt  }
0x81: {  	_ =	shalt  }
0x82: {  	_ =	shalt  }
0x83: {  	_ =	shalt  }
0x84: {  	_ =	shalt  }
0x85: {  	_ =	shalt  }
0x86: {  	_ =	shalt  }
0x87: {  	_ =	shalt  }
.Lfunc_end0:
.L_simem_size_0:
called_computation_lowered:
.L_overlay_start_0:
0x88: {  	s2 =	sld [smem:$0x3FD9]  }
0x89: {  	s3 =	sld [smem:$0x3FFE];
	_ =	sdelay $0x1  }
0x8a: {  	s1 =	srdreg.scid  }
0x8b: {  	s0 =	sand.u32 $0x1, s1  }
0x8c: {  	s17 =	sshll.u32 s0, $0xA;
	s2 =	sadd.s32 s3, s2  }
0x8d: {  	s2 =	sadd.s32 s2, s17  }
0x8e: {  	[smem:$0x3FC4] =	sst s2  }
0x8f: {  	_ = 	snop  }
0x90: {  	s2 =	sld [smem:$0x3FC9]  }
0x91: {  	s18 =	sld [smem:$0x3FC8]  }
0x92: {  	s4 =	sld [smem:$0x3FD0];
	(tm) =	ssettm $0x1  }
0x93: {  	s5 =	sld [smem:$0x3FFB];
	_ =	sdelay $0x3  }
0x94: {  	_ =	strace s5  }
0x95: {  	s5 =	sld [smem:$0x3FFC];
	_ =	sdelay $0x3  }
0x96: {  	_ =	strace s5  }
0x97: {  	s5 =	sld [smem:$0x3FFD];
	_ =	sdelay $0x3  }
0x98: {  	_ =	strace s5  }
0x99: {  	_ =	strace $0x8FFFFFFF  }
0x9a: {  	s19 =	sld [smem:$0x3FDB];
	_ =	sdelay $0x1  }
0x9b: {  	s6 =	simm.s32 $_scs_section_size  }
0x9c: {  	s7 =	simm.s32 $_size__tile_overlayer_lowered;
	s8 =	simm.s32 $_tile_overlayer_lowered  }
0x9d: {  	s22 =	simm.s32 $0x1BFF;
	s21 =	sshll.u32 s8, $0x1;
	s5 =	sadd.s32 s6, s19  }
0x9e: {  	s9 =	simm.s32 $0x0;
	s20 =	sshll.u32 s7, $0x1;
	s7 =	sadd.s32 s21, s5  }
0x9f: {  	[timem:s9], [sflag:s22] =	dma.local [hbm:s7], s20  }
0xa0: {  	_ =	swait.ge [sflag:s22], s20  }
0xa1: {  	s6 =	ssub.s32 $0x0, s20;
	[sflag:s22] =	ssyncset.done $0x0  }
0xa2: {  	[sflag:s22] =	ssyncadd.s32 s6;
	_ =	sdelay $0x1  }
0xa3: {  	s23 =	simm.s32 $0x1B8B  }
0xa4: {  	_ =	swait.ge [sflag:s23], $0x1  }
0xa5: {  	[sflag:s23] =	ssyncset.done $0x0  }
0xa6: {  	s25 =	simm.s32 $0x1B8E;
	s24 =	sld [smem:$0x3FFE];
	[sflag:s23] =	ssyncadd.s32 $0xFFFFFFFF  }
0xa7: {  	s26 =	simm.s32 $execute0_lowered;
	[smem:$0x3FD2] =	sst s25  }
0xa8: {  	s7 =	sshll.u32 s26, $0x1;
	_ =	strace $0x80000046;
	[dreg:$0x1] =	wrdreg $0xFFFFFFFF  }
0xa9: {  	s28 =	simm.s32 $_size_execute0_lowered;
	s5 =	sadd.s32 s5, s7;
	[dreg:$0x0] =	wrdreg $0x0  }
0xaa: {  	s7 =	sshll.u32 s28, $0x1;
	[dreg:$0x2] =	wrdreg s5  }
0xab: {  	[dreg:$0x3] =	wrdreg s7  }
0xac: {  	[dreg:$0x4] =	wrdreg $0xC0  }
0xad: {  	_ =	task [dreg:s9], $0x5FFFF  }
0xae: {  	[dreg:$0x1] =	wrdreg $0xFFFFFFFF  }
0xaf: {  	[dreg:$0x0] =	wrdreg $0x60  }
0xb0: {  	[dreg:$0x2] =	wrdreg s2  }
0xb1: {  	[dreg:$0x3] =	wrdreg s18  }
0xb2: {  	[dreg:$0x4] =	wrdreg s24  }
0xb3: {  	[dreg:$0x5] =	wrdreg s4  }
0xb4: {  	[dreg:$0x6] =	wrdreg $0x9  }
0xb5: {  	_ =	task.clear_ibuf [dreg:s9], $0x7FFFF;
	_ =	strace $0x90000046  }
0xb6: {  	s29 =	simm.s32 $0x9;
	_ =	strace $0x80000048  }
0xb7: {  	_ =	swait.ge [sflag:s29], $0x1  }
0xb8: {  	[sflag:s29] =	ssyncadd.s32 $0xFFFFFFFF  }
0xb9: {  	_ =	strace $0x90000048  }
0xba: {  	_ =	sfence  }
0xbb: {  	s30 =	sld [smem:$0x0];
	_ =	sdelay $0x2  }
0xbc: {  	s31 =	sshll.u32 s1, $0xD;
	s1 =	sshrl.u32 s1, $0x2  }
0xbd: {  	s3 =	sand.u32 $0x4000, s31;
	s1 =	sadd.s32 s1, s30  }
0xbe: {  	s0 =	sor.u32 s3, s0;
	s1 =	sshll.u32 s1, $0x11  }
0xbf: {  	s0 =	sor.u32 s1, s0  }
0xc0: {  	s0 =	sadd.s32 $0x8F2B, s0  }
0xc1: {  	[sflag:s0] =	ssyncadd.remote.s32 $0x1  }
0xc2: {  	_ =	sfence.sel $0xFFFF  }
0xc3: {  	[dreg:$0x0] =	wrdreg $0xFFFFFFFF;
	(pc) =	sbr.abs _section_cstart, $3  }
0xc4: {  	[dreg:$0x1] =	wrdreg $0xFFFFFFFF  }
0xc5: {  	_ =	task.clear_ibuf [dreg:s9], $0x2FFFF;
	_ =	strace $0x9FFFFFFF  }
0xc6: {  	(tm) =	ssettm $0x7FFFFFFF  }
0xc7: {  	_ =	shalt  }
tec
execute0_lowered:
.L_overlay_start_1:
0x0: {  	(tag) =	ssettag $0x1  }
0x1: {  	s0 =	rddreg [dreg:$0x0]  }
0x2: {  	s3 =	rddreg [dreg:$0x1]  }
0x3: {  	s4 =	rddreg [dreg:$0x2];
	s2 =	srdreg.scid  }
0x4: {  	s5 =	rddreg [dreg:$0x3];
	s6 =	sand.u32 $0x1, s2;
	s2 =	simm.s32 $0x0  }
0x5: {  	s1 =	stileid.u32;
	s15 =	simm.s32 $0x200;
	[smem:$0x7FF] =	sst s2  }
0x6: {  	s16 =	simm.s32 $0x400;
	_ =	strace $0x80000047;
	[dreg:$0x8] =	wrdreg s15  }
0x7: {  	s17 =	simm.s32 $0xC00;
	s18 =	simm.s32 $0x600;
	[dreg:$0x9] =	wrdreg s16  }
0x8: {  	s19 =	simm.s32 $0xE00;
	s20 =	simm.s32 $0x800;
	[dreg:$0xa] =	wrdreg s17  }
0x9: {  	s21 =	simm.s32 $0x1000;
	s23 =	simm.s32 $0xA00;
	[dreg:$0xb] =	wrdreg s18  }
0xa: {  	s24 =	simm.s32 $0x1200;
	s25 =	simm.s32 $0x480;
	[dreg:$0xc] =	wrdreg s19  }
0xb: {  	s26 =	simm.s32 $0xC80;
	s11 =	simm.s32 $0x1080;
	[dreg:$0xd] =	wrdreg s20  }
0xc: {  	s12 =	simm.s32 $0xA80;
	s28 =	simm.s32 $0x1180;
	[dreg:$0xe] =	wrdreg s21  }
0xd: {  	s29 =	simm.s32 $0xB80;
	s30 =	simm.s32 $0x1380;
	[dreg:$0xf] =	wrdreg s23  }
0xe: {  	s31 =	simm.s32 $0x1400;
	s7 =	sshll.u32 s1, $0x7;
	[dreg:$0x10] =	wrdreg s24  }
0xf: {  	s8 =	sshll.u32 s6, $0x6;
	s22 =	ssub.s32 $0x2, s6;
	[dreg:$0x11] =	wrdreg s25  }
0x10: {  	s7 =	sor.u32 s8, s7;
	s6 =	sshrl.u32 s22, $0x1;
	[dreg:$0x12] =	wrdreg s26  }
0x11: {  	s15 =	simm.s32 $0xD00;
	s16 =	simm.s32 $0x700;
	s17 =	simm.s32 $0xF00  }
0x12: {  	s18 =	simm.s32 $0x900;
	s19 =	simm.s32 $0x1100;
	s20 =	simm.s32 $0xB00  }
0x13: {  	s21 =	simm.s32 $0x1300;
	s23 =	simm.s32 $0xD80;
	s24 =	simm.s32 $0x780  }
0x14: {  	s25 =	simm.s32 $0xF80;
	s26 =	simm.s32 $0x980;
	s0 =	sadd.s32 s0, s7  }
0x15: {  	s13 =	sadd.s32 s3, s7;
	s14 =	sadd.s32 s5, s7;
	s3 =	sadd.s32 $0xF42A00, s4  }
0x16: {  	s4 =	sadd.s32 $0x1E84E00, s4;
	s5 =	ssub.s32 s22, s6;
	[dreg:$0x5] =	wrdreg s0  }
0x17: {  	s6 =	simm.s32 $0x1;
	s7 =	simm.s32 $0x80;
	[dreg:$0x6] =	wrdreg s13  }
0x18: {  	s22 =	simm.s32 $0x580;
	[dreg:$0x7] =	wrdreg s14;
	s5 =	smax.u32 s5, $0x1  }
0x19: {  	s13 =	simm.s32 $0x1280;
	s14 =	simm.s32 $0x500;
	s0 =	simm.s32 $0x2  }
.LBB2_1:
0x1a: {  	s1 =	rddreg [dreg:$0x5]  }
0x1b: {  	s8 =	rddreg [dreg:$0x6]  }
0x1c: {  	[tilespmem:s2], [sflag:$0x1] =	stream.linear.gather [hbm4b:s1+s2], $0x200, $0x38;
	[tilespmem:$0x1600] =	vst v63  }
0x1d: {  	s9 =	rddreg [dreg:$0x8]  }
0x1e: {  	[tilespmem:s9], [sflag:$0x1] =	stream.linear.gather [hbm4b:s8+s2], $0x200, $0x38;
	[tilespmem:$0x1600] =	vst v63  }
0x1f: {  	_ =	swait.ge [sflag:s6], $0x200  }
0x20: {  	[sflag:s6] =	ssyncset.done $0x0  }
0x21: {  	[sflag:s6] =	ssyncadd.s32 $0xFFFFFE00  }
0x22: {  	_ =	swait.ge [sflag:s6], $0x200  }
0x23: {  	[sflag:s6] =	ssyncset.done $0x0  }
0x24: {  	[sflag:s6] =	ssyncadd.s32 $0xFFFFFE00  }
0x25: {  	v0 =	vld [tilespmem:$0x0]  }
0x26: {  	v1 =	vld [tilespmem:$0x200]  }
0x27: {  	v2 =	vld [tilespmem:$0x10]  }
0x28: {  	v3 =	vld [tilespmem:$0x210]  }
0x29: {  	v57 =	vld [tilespmem:$0x20]  }
0x2a: {  	v59 =	vld [tilespmem:$0x220];
	v0 =	vshll.u32 v0, $0x7  }
0x2b: {  	v61 =	vld [tilespmem:$0x30];
	v1 =	vshll.u32 v1, $0x7;
	[tilespmem:$0x400] =	vst v0  }
0x2c: {  	v7 =	vld [tilespmem:$0x40];
	v58 =	vshll.u32 v2, $0x7;
	[tilespmem:$0x800] =	vst v1  }
0x2d: {  	v11 =	vld [tilespmem:$0x50];
	v3 =	vshll.u32 v3, $0x7;
	[tilespmem:$0x410] =	vst v58  }
0x2e: {  	v15 =	vld [tilespmem:$0x60];
	v62 =	vshll.u32 v57, $0x7;
	[tilespmem:$0x810] =	vst v3  }
0x2f: {  	v19 =	vld [tilespmem:$0x70];
	v2 =	vshll.u32 v59, $0x7;
	[tilespmem:$0x420] =	vst v62  }
0x30: {  	v23 =	vld [tilespmem:$0x80];
	v8 =	vshll.u32 v61, $0x7;
	[tilespmem:$0x820] =	vst v2  }
0x31: {  	v27 =	vld [tilespmem:$0x90];
	v12 =	vshll.u32 v7, $0x7;
	[tilespmem:$0x430] =	vst v8  }
0x32: {  	v31 =	vld [tilespmem:$0xA0];
	v16 =	vshll.u32 v11, $0x7;
	[tilespmem:$0x440] =	vst v12  }
0x33: {  	v35 =	vld [tilespmem:$0xB0];
	v20 =	vshll.u32 v15, $0x7;
	[tilespmem:$0x450] =	vst v16  }
0x34: {  	v39 =	vld [tilespmem:$0xC0];
	v24 =	vshll.u32 v19, $0x7;
	[tilespmem:$0x460] =	vst v20  }
0x35: {  	v43 =	vld [tilespmem:$0xD0];
	v28 =	vshll.u32 v23, $0x7;
	[tilespmem:$0x470] =	vst v24  }
0x36: {  	v47 =	vld [tilespmem:$0xE0];
	v32 =	vshll.u32 v27, $0x7;
	[tilespmem:$0x480] =	vst v28  }
0x37: {  	v36 =	vshll.u32 v31, $0x7;
	[tilespmem:$0x490] =	vst v32  }
0x38: {  	v40 =	vshll.u32 v35, $0x7;
	[tilespmem:$0x4A0] =	vst v36  }
0x39: {  	v44 =	vshll.u32 v39, $0x7;
	[tilespmem:$0x4B0] =	vst v40  }
0x3a: {  	v48 =	vshll.u32 v43, $0x7;
	[tilespmem:$0x4C0] =	vst v44  }
0x3b: {  	v63 =	vld [tilespmem:$0x230];
	v52 =	vshll.u32 v47, $0x7;
	[tilespmem:$0x4D0] =	vst v48  }
0x3c: {  	v9 =	vld [tilespmem:$0x240];
	v0 =	vor.u32 $0x1, v0;
	[tilespmem:$0x4E0] =	vst v52  }
0x3d: {  	v13 =	vld [tilespmem:$0x250];
	v56 =	vor.u32 $0x1, v1;
	[tilespmem:$0x600] =	vst v0  }
0x3e: {  	v60 =	vor.u32 $0x1, v3;
	[tilespmem:$0xA00] =	vst v56  }
0x3f: {  	v6 =	vor.u32 $0x1, v2;
	[tilespmem:$0xA10] =	vst v60  }
0x40: {  	v1 =	vshll.u32 v63, $0x7;
	[tilespmem:$0xA20] =	vst v6  }
0x41: {  	v3 =	vshll.u32 v9, $0x7;
	[tilespmem:$0x830] =	vst v1  }
0x42: {  	v17 =	vld [tilespmem:$0x260];
	v2 =	vshll.u32 v13, $0x7;
	[tilespmem:$0x840] =	vst v3  }
0x43: {  	v21 =	vld [tilespmem:$0x270];
	v0 =	vor.u32 $0x1, v58;
	[tilespmem:$0x850] =	vst v2  }
0x44: {  	v25 =	vld [tilespmem:$0x280];
	v10 =	vor.u32 $0x1, v1;
	[tilespmem:$0x610] =	vst v0  }
0x45: {  	v51 =	vld [tilespmem:$0xF0];
	v14 =	vor.u32 $0x1, v3;
	[tilespmem:$0xA30] =	vst v10  }
0x46: {  	v55 =	vld [tilespmem:$0x100];
	v18 =	vor.u32 $0x1, v2;
	[tilespmem:$0xA40] =	vst v14  }
0x47: {  	v1 =	vshll.u32 v17, $0x7;
	[tilespmem:$0xA50] =	vst v18  }
0x48: {  	v3 =	vshll.u32 v21, $0x7;
	[tilespmem:$0x860] =	vst v1  }
0x49: {  	v2 =	vshll.u32 v25, $0x7;
	[tilespmem:$0x870] =	vst v3  }
0x4a: {  	v56 =	vshll.u32 v51, $0x7;
	[tilespmem:$0x880] =	vst v2  }
0x4b: {  	v29 =	vld [tilespmem:$0x290];
	v60 =	vshll.u32 v55, $0x7;
	[tilespmem:$0x4F0] =	vst v56  }
0x4c: {  	v33 =	vld [tilespmem:$0x2A0];
	v0 =	vor.u32 $0x1, v62;
	[tilespmem:$0x500] =	vst v60  }
0x4d: {  	v37 =	vld [tilespmem:$0x2B0];
	v22 =	vor.u32 $0x1, v1;
	[tilespmem:$0x620] =	vst v0  }
0x4e: {  	v26 =	vor.u32 $0x1, v3;
	[tilespmem:$0xA60] =	vst v22  }
0x4f: {  	v30 =	vor.u32 $0x1, v2;
	[tilespmem:$0xA70] =	vst v26  }
0x50: {  	v1 =	vshll.u32 v29, $0x7;
	[tilespmem:$0xA80] =	vst v30  }
0x51: {  	v3 =	vshll.u32 v33, $0x7;
	[tilespmem:$0x890] =	vst v1  }
0x52: {  	v41 =	vld [tilespmem:$0x2C0];
	v2 =	vshll.u32 v37, $0x7;
	[tilespmem:$0x8A0] =	vst v3  }
0x53: {  	v45 =	vld [tilespmem:$0x2D0];
	v0 =	vor.u32 $0x1, v8;
	[tilespmem:$0x8B0] =	vst v2  }
0x54: {  	v49 =	vld [tilespmem:$0x2E0];
	v34 =	vor.u32 $0x1, v1;
	[tilespmem:$0x630] =	vst v0  }
0x55: {  	v38 =	vor.u32 $0x1, v3;
	[tilespmem:$0xA90] =	vst v34  }
0x56: {  	v42 =	vor.u32 $0x1, v2;
	[tilespmem:$0xAA0] =	vst v38  }
0x57: {  	v1 =	vshll.u32 v41, $0x7;
	[tilespmem:$0xAB0] =	vst v42  }
0x58: {  	v3 =	vshll.u32 v45, $0x7;
	[tilespmem:$0x8C0] =	vst v1  }
0x59: {  	v53 =	vld [tilespmem:$0x2F0];
	v2 =	vshll.u32 v49, $0x7;
	[tilespmem:$0x8D0] =	vst v3  }
0x5a: {  	v57 =	vld [tilespmem:$0x300];
	v0 =	vor.u32 $0x1, v12;
	[tilespmem:$0x8E0] =	vst v2  }
0x5b: {  	v59 =	vld [tilespmem:$0x110];
	v46 =	vor.u32 $0x1, v1;
	[tilespmem:$0x640] =	vst v0  }
0x5c: {  	v61 =	vld [tilespmem:$0x310];
	v50 =	vor.u32 $0x1, v3;
	[tilespmem:$0xAC0] =	vst v46  }
0x5d: {  	v54 =	vor.u32 $0x1, v2;
	[tilespmem:$0xAD0] =	vst v50  }
0x5e: {  	v1 =	vshll.u32 v53, $0x7;
	[tilespmem:$0xAE0] =	vst v54  }
0x5f: {  	v3 =	vshll.u32 v57, $0x7;
	[tilespmem:$0x8F0] =	vst v1  }
0x60: {  	v5 =	vshll.u32 v59, $0x7;
	[tilespmem:$0x900] =	vst v3  }
0x61: {  	v63 =	vld [tilespmem:$0x120];
	v2 =	vshll.u32 v61, $0x7;
	[tilespmem:$0x510] =	vst v5  }
0x62: {  	v0 =	vor.u32 $0x1, v16;
	[tilespmem:$0x910] =	vst v2  }
0x63: {  	v6 =	vld [tilespmem:$0x320];
	v58 =	vor.u32 $0x1, v1;
	[tilespmem:$0x650] =	vst v0  }
0x64: {  	v62 =	vor.u32 $0x1, v3;
	[tilespmem:$0xAF0] =	vst v58  }
0x65: {  	v7 =	vor.u32 $0x1, v2;
	[tilespmem:$0xB00] =	vst v62  }
0x66: {  	v10 =	vld [tilespmem:$0x330];
	v9 =	vshll.u32 v63, $0x7;
	[tilespmem:$0xB10] =	vst v7  }
0x67: {  	v14 =	vld [tilespmem:$0x340];
	v0 =	vor.u32 $0x1, v20;
	[tilespmem:$0x520] =	vst v9  }
0x68: {  	v18 =	vld [tilespmem:$0x350];
	v1 =	vshll.u32 v6, $0x7;
	[tilespmem:$0x660] =	vst v0  }
0x69: {  	v0 =	vor.u32 $0x1, v24;
	[tilespmem:$0x920] =	vst v1  }
0x6a: {  	v8 =	vld [tilespmem:$0x130];
	v11 =	vor.u32 $0x1, v1;
	[tilespmem:$0x670] =	vst v0  }
0x6b: {  	v3 =	vshll.u32 v10, $0x7;
	[tilespmem:$0xB20] =	vst v11  }
0x6c: {  	v2 =	vshll.u32 v14, $0x7;
	[tilespmem:$0x930] =	vst v3  }
0x6d: {  	v1 =	vshll.u32 v18, $0x7;
	[tilespmem:$0x940] =	vst v2  }
0x6e: {  	v22 =	vld [tilespmem:$0x360];
	v0 =	vor.u32 $0x1, v28;
	[tilespmem:$0x950] =	vst v1  }
0x6f: {  	v26 =	vld [tilespmem:$0x370];
	v13 =	vshll.u32 v8, $0x7;
	[tilespmem:$0x680] =	vst v0  }
0x70: {  	v30 =	vld [tilespmem:$0x380];
	v15 =	vor.u32 $0x1, v3;
	[tilespmem:$0x530] =	vst v13  }
0x71: {  	v19 =	vor.u32 $0x1, v2;
	[tilespmem:$0xB30] =	vst v15  }
0x72: {  	v12 =	vld [tilespmem:$0x140];
	v23 =	vor.u32 $0x1, v1;
	[tilespmem:$0xB40] =	vst v19  }
0x73: {  	v3 =	vshll.u32 v22, $0x7;
	[tilespmem:$0xB50] =	vst v23  }
0x74: {  	v2 =	vshll.u32 v26, $0x7;
	[tilespmem:$0x960] =	vst v3  }
0x75: {  	v1 =	vshll.u32 v30, $0x7;
	[tilespmem:$0x970] =	vst v2  }
0x76: {  	v34 =	vld [tilespmem:$0x390];
	v0 =	vor.u32 $0x1, v32;
	[tilespmem:$0x980] =	vst v1  }
0x77: {  	v38 =	vld [tilespmem:$0x3A0];
	v17 =	vshll.u32 v12, $0x7;
	[tilespmem:$0x690] =	vst v0  }
0x78: {  	v42 =	vld [tilespmem:$0x3B0];
	v27 =	vor.u32 $0x1, v3;
	[tilespmem:$0x540] =	vst v17  }
0x79: {  	v31 =	vor.u32 $0x1, v2;
	[tilespmem:$0xB60] =	vst v27  }
0x7a: {  	v16 =	vld [tilespmem:$0x150];
	v35 =	vor.u32 $0x1, v1;
	[tilespmem:$0xB70] =	vst v31  }
0x7b: {  	v3 =	vshll.u32 v34, $0x7;
	[tilespmem:$0xB80] =	vst v35  }
0x7c: {  	v2 =	vshll.u32 v38, $0x7;
	[tilespmem:$0x990] =	vst v3  }
0x7d: {  	v1 =	vshll.u32 v42, $0x7;
	[tilespmem:$0x9A0] =	vst v2  }
0x7e: {  	v0 =	vor.u32 $0x1, v36;
	[tilespmem:$0x9B0] =	vst v1  }
0x7f: {  	v20 =	vld [tilespmem:$0x160];
	v21 =	vshll.u32 v16, $0x7;
	[tilespmem:$0x6A0] =	vst v0  }
0x80: {  	v39 =	vor.u32 $0x1, v3;
	[tilespmem:$0x550] =	vst v21  }
0x81: {  	v24 =	vld [tilespmem:$0x170];
	v43 =	vor.u32 $0x1, v2;
	[tilespmem:$0xB90] =	vst v39  }
0x82: {  	v46 =	vor.u32 $0x1, v1;
	[tilespmem:$0xBA0] =	vst v43  }
0x83: {  	v28 =	vld [tilespmem:$0x180];
	v0 =	vor.u32 $0x1, v40;
	[tilespmem:$0xBB0] =	vst v46  }
0x84: {  	v25 =	vshll.u32 v20, $0x7;
	[tilespmem:$0x6B0] =	vst v0  }
0x85: {  	v32 =	vld [tilespmem:$0x190];
	v0 =	vor.u32 $0x1, v44;
	[tilespmem:$0x560] =	vst v25  }
0x86: {  	v29 =	vshll.u32 v24, $0x7;
	[tilespmem:$0x6C0] =	vst v0  }
0x87: {  	v36 =	vld [tilespmem:$0x1A0];
	v0 =	vor.u32 $0x1, v48;
	[tilespmem:$0x570] =	vst v29  }
0x88: {  	v33 =	vshll.u32 v28, $0x7;
	[tilespmem:$0x6D0] =	vst v0  }
0x89: {  	v40 =	vld [tilespmem:$0x1B0];
	v0 =	vor.u32 $0x1, v52;
	[tilespmem:$0x580] =	vst v33  }
0x8a: {  	v37 =	vshll.u32 v32, $0x7;
	[tilespmem:$0x6E0] =	vst v0  }
0x8b: {  	v0 =	vor.u32 $0x1, v56;
	[tilespmem:$0x590] =	vst v37  }
0x8c: {  	v41 =	vshll.u32 v36, $0x7;
	[tilespmem:$0x6F0] =	vst v0  }
0x8d: {  	v0 =	vor.u32 $0x1, v60;
	[tilespmem:$0x5A0] =	vst v41  }
0x8e: {  	v45 =	vshll.u32 v40, $0x7;
	[tilespmem:$0x700] =	vst v0  }
0x8f: {  	v0 =	vor.u32 $0x1, v5;
	[tilespmem:$0x5B0] =	vst v45  }
0x90: {  	[tilespmem:$0x710] =	vst v0;
	v0 =	vor.u32 $0x1, v9  }
0x91: {  	[tilespmem:$0x720] =	vst v0;
	v0 =	vor.u32 $0x1, v13  }
0x92: {  	[tilespmem:$0x730] =	vst v0;
	v0 =	vor.u32 $0x1, v17  }
0x93: {  	[tilespmem:$0x740] =	vst v0;
	v0 =	vor.u32 $0x1, v21  }
0x94: {  	[tilespmem:$0x750] =	vst v0;
	v0 =	vor.u32 $0x1, v25  }
0x95: {  	v44 =	vld [tilespmem:$0x1C0];
	[tilespmem:$0x760] =	vst v0;
	v0 =	vor.u32 $0x1, v29  }
0x96: {  	[tilespmem:$0x770] =	vst v0;
	v0 =	vor.u32 $0x1, v33  }
0x97: {  	[tilespmem:$0x780] =	vst v0;
	v0 =	vor.u32 $0x1, v37  }
0x98: {  	[tilespmem:$0x790] =	vst v0;
	v0 =	vor.u32 $0x1, v41  }
0x99: {  	v48 =	vld [tilespmem:$0x3C0];
	[tilespmem:$0x7A0] =	vst v0;
	v0 =	vor.u32 $0x1, v45  }
0x9a: {  	v47 =	vshll.u32 v44, $0x7;
	[tilespmem:$0x7B0] =	vst v0  }
0x9b: {  	[tilespmem:$0x5C0] =	vst v47  }
0x9c: {  	v49 =	vld [tilespmem:$0x1D0]  }
0x9d: {  	v50 =	vld [tilespmem:$0x3D0]  }
0x9e: {  	v1 =	vshll.u32 v48, $0x7;
	v52 =	vld [tilespmem:$0x1E0]  }
0x9f: {  	v51 =	vor.u32 $0x1, v1;
	[tilespmem:$0x9C0] =	vst v1;
	v54 =	vld [tilespmem:$0x3E0]  }
0xa0: {  	v0 =	vor.u32 $0x1, v47;
	[tilespmem:$0xBC0] =	vst v51;
	v56 =	vld [tilespmem:$0x1F0]  }
0xa1: {  	[tilespmem:$0x7C0] =	vst v0;
	v58 =	vld [tilespmem:$0x3F0];
	v53 =	vshll.u32 v49, $0x7  }
0xa2: {  	v3 =	vshll.u32 v50, $0x7;
	[tilespmem:$0x5D0] =	vst v53  }
0xa3: {  	v57 =	vshll.u32 v52, $0x7;
	[tilespmem:$0x9D0] =	vst v3  }
0xa4: {  	v2 =	vshll.u32 v54, $0x7;
	[tilespmem:$0x5E0] =	vst v57  }
0xa5: {  	v60 =	vshll.u32 v56, $0x7;
	[tilespmem:$0x9E0] =	vst v2  }
0xa6: {  	v1 =	vshll.u32 v58, $0x7;
	[tilespmem:$0x5F0] =	vst v60  }
0xa7: {  	v0 =	vor.u32 $0x1, v53;
	[tilespmem:$0x9F0] =	vst v1  }
0xa8: {  	v55 =	vor.u32 $0x1, v3;
	[tilespmem:$0x7D0] =	vst v0  }
0xa9: {  	v59 =	vor.u32 $0x1, v2;
	[tilespmem:$0xBD0] =	vst v55  }
0xaa: {  	s9 =	rddreg [dreg:$0x9];
	v61 =	vor.u32 $0x1, v1;
	[tilespmem:$0xBE0] =	vst v59  }
0xab: {  	s10 =	rddreg [dreg:$0xa];
	v0 =	vor.u32 $0x1, v57;
	[tilespmem:$0xBF0] =	vst v61  }
0xac: {  	s1 =	rddreg [dreg:$0xb];
	[tilespmem:$0x7E0] =	vst v0;
	v0 =	vor.u32 $0x1, v60  }
0xad: {  	s8 =	rddreg [dreg:$0xc];
	[tilespmem:$0x7F0] =	vst v0  }
0xae: {  	[tilespmem:s10], [sflag:$0x1] =	stream.indirect.gather [hbm4b:s3+s7], $0x1, s9, s7, $0xb8;
	[tilespmem:$0x1600] =	vst v63  }
0xaf: {  	s9 =	rddreg [dreg:$0xd]  }
0xb0: {  	s10 =	rddreg [dreg:$0xe]  }
0xb1: {  	[tilespmem:s8], [sflag:$0x1] =	stream.indirect.gather [hbm4b:s3+s7], $0x1, s1, s7, $0xb8;
	[tilespmem:$0x1600] =	vst v63  }
0xb2: {  	s1 =	rddreg [dreg:$0xf]  }
0xb3: {  	s8 =	rddreg [dreg:$0x10]  }
0xb4: {  	[tilespmem:s10], [sflag:$0x1] =	stream.indirect.gather [hbm4b:s4+s7], $0x1, s9, s7, $0xb8;
	[tilespmem:$0x1600] =	vst v63  }
0xb5: {  	s9 =	rddreg [dreg:$0x11]  }
0xb6: {  	[tilespmem:s8], [sflag:$0x1] =	stream.indirect.gather [hbm4b:s4+s7], $0x1, s1, s7, $0xb8;
	[tilespmem:$0x1600] =	vst v63  }
0xb7: {  	s10 =	rddreg [dreg:$0x12]  }
0xb8: {  	[tilespmem:s10], [sflag:$0x1] =	stream.indirect.gather [hbm4b:s3+s7], $0x1, s9, s7, $0xb8;
	[tilespmem:$0x1600] =	vst v63  }
0xb9: {  	s9 =	simm.s32 $0x680;
	s10 =	simm.s32 $0xE80  }
0xba: {  	[tilespmem:s10], [sflag:$0x1] =	stream.indirect.gather [hbm4b:s3+s7], $0x1, s9, s7, $0xb8;
	[tilespmem:$0x1600] =	vst v63  }
0xbb: {  	s9 =	simm.s32 $0x880  }
0xbc: {  	[tilespmem:s11], [sflag:$0x1] =	stream.indirect.gather [hbm4b:s4+s7], $0x1, s9, s7, $0xb8;
	[tilespmem:$0x1600] =	vst v63  }
0xbd: {  	_ = 	snop  }
0xbe: {  	[tilespmem:s13], [sflag:$0x1] =	stream.indirect.gather [hbm4b:s4+s7], $0x1, s12, s7, $0xb8;
	[tilespmem:$0x1600] =	vst v63  }
0xbf: {  	_ = 	snop  }
0xc0: {  	[tilespmem:s15], [sflag:$0x1] =	stream.indirect.gather [hbm4b:s3+s7], $0x1, s14, s7, $0xb8;
	[tilespmem:$0x1600] =	vst v63  }
0xc1: {  	_ = 	snop  }
0xc2: {  	[tilespmem:s17], [sflag:$0x1] =	stream.indirect.gather [hbm4b:s3+s7], $0x1, s16, s7, $0xb8;
	[tilespmem:$0x1600] =	vst v63  }
0xc3: {  	_ = 	snop  }
0xc4: {  	[tilespmem:s19], [sflag:$0x1] =	stream.indirect.gather [hbm4b:s4+s7], $0x1, s18, s7, $0xb8;
	[tilespmem:$0x1600] =	vst v63  }
0xc5: {  	_ = 	snop  }
0xc6: {  	[tilespmem:s21], [sflag:$0x1] =	stream.indirect.gather [hbm4b:s4+s7], $0x1, s20, s7, $0xb8;
	[tilespmem:$0x1600] =	vst v63  }
0xc7: {  	_ = 	snop  }
0xc8: {  	[tilespmem:s23], [sflag:$0x1] =	stream.indirect.gather [hbm4b:s3+s7], $0x1, s22, s7, $0xb8;
	[tilespmem:$0x1600] =	vst v63  }
0xc9: {  	_ = 	snop  }
0xca: {  	[tilespmem:s25], [sflag:$0x1] =	stream.indirect.gather [hbm4b:s3+s7], $0x1, s24, s7, $0xb8;
	[tilespmem:$0x1600] =	vst v63  }
0xcb: {  	_ = 	snop  }
0xcc: {  	[tilespmem:s28], [sflag:$0x1] =	stream.indirect.gather [hbm4b:s4+s7], $0x1, s26, s7, $0xb8;
	[tilespmem:$0x1600] =	vst v63  }
0xcd: {  	_ = 	snop  }
0xce: {  	[tilespmem:s30], [sflag:$0x1] =	stream.indirect.gather [hbm4b:s4+s7], $0x1, s29, s7, $0xb8;
	[tilespmem:$0x1600] =	vst v63  }
0xcf: {  	_ =	swait.ge [sflag:s6], $0x80  }
0xd0: {  	[sflag:s6] =	ssyncset.done $0x0  }
0xd1: {  	[sflag:s6] =	ssyncadd.s32 $0xFFFFFF80  }
0xd2: {  	_ =	swait.ge [sflag:s6], $0x80  }
0xd3: {  	[sflag:s6] =	ssyncset.done $0x0  }
0xd4: {  	[sflag:s6] =	ssyncadd.s32 $0xFFFFFF80  }
0xd5: {  	_ =	swait.ge [sflag:s6], $0x80  }
0xd6: {  	[sflag:s6] =	ssyncset.done $0x0  }
0xd7: {  	[sflag:s6] =	ssyncadd.s32 $0xFFFFFF80  }
0xd8: {  	_ =	swait.ge [sflag:s6], $0x80  }
0xd9: {  	[sflag:s6] =	ssyncset.done $0x0  }
0xda: {  	[sflag:s6] =	ssyncadd.s32 $0xFFFFFF80  }
0xdb: {  	_ =	swait.ge [sflag:s6], $0x80  }
0xdc: {  	[sflag:s6] =	ssyncset.done $0x0  }
0xdd: {  	[sflag:s6] =	ssyncadd.s32 $0xFFFFFF80  }
0xde: {  	_ =	swait.ge [sflag:s6], $0x80  }
0xdf: {  	[sflag:s6] =	ssyncset.done $0x0  }
0xe0: {  	[sflag:s6] =	ssyncadd.s32 $0xFFFFFF80  }
0xe1: {  	_ =	swait.ge [sflag:s6], $0x80  }
0xe2: {  	[sflag:s6] =	ssyncset.done $0x0  }
0xe3: {  	[sflag:s6] =	ssyncadd.s32 $0xFFFFFF80  }
0xe4: {  	_ =	swait.ge [sflag:s6], $0x80  }
0xe5: {  	[sflag:s6] =	ssyncset.done $0x0  }
0xe6: {  	[sflag:s6] =	ssyncadd.s32 $0xFFFFFF80  }
0xe7: {  	_ =	swait.ge [sflag:s6], $0x80  }
0xe8: {  	[sflag:s6] =	ssyncset.done $0x0  }
0xe9: {  	[sflag:s6] =	ssyncadd.s32 $0xFFFFFF80  }
0xea: {  	_ =	swait.ge [sflag:s6], $0x80  }
0xeb: {  	[sflag:s6] =	ssyncset.done $0x0  }
0xec: {  	[sflag:s6] =	ssyncadd.s32 $0xFFFFFF80  }
0xed: {  	_ =	swait.ge [sflag:s6], $0x80  }
0xee: {  	[sflag:s6] =	ssyncset.done $0x0  }
0xef: {  	[sflag:s6] =	ssyncadd.s32 $0xFFFFFF80  }
0xf0: {  	_ =	swait.ge [sflag:s6], $0x80  }
0xf1: {  	[sflag:s6] =	ssyncset.done $0x0  }
0xf2: {  	[sflag:s6] =	ssyncadd.s32 $0xFFFFFF80  }
0xf3: {  	_ =	swait.ge [sflag:s6], $0x80  }
0xf4: {  	[sflag:s6] =	ssyncset.done $0x0  }
0xf5: {  	[sflag:s6] =	ssyncadd.s32 $0xFFFFFF80  }
0xf6: {  	_ =	swait.ge [sflag:s6], $0x80  }
0xf7: {  	[sflag:s6] =	ssyncset.done $0x0  }
0xf8: {  	[sflag:s6] =	ssyncadd.s32 $0xFFFFFF80  }
0xf9: {  	_ =	swait.ge [sflag:s6], $0x80  }
0xfa: {  	[sflag:s6] =	ssyncset.done $0x0  }
0xfb: {  	[sflag:s6] =	ssyncadd.s32 $0xFFFFFF80  }
0xfc: {  	_ =	swait.ge [sflag:s6], $0x80  }
0xfd: {  	[sflag:s6] =	ssyncset.done $0x0  }
0xfe: {  	[sflag:s6] =	ssyncadd.s32 $0xFFFFFF80  }
0xff: {  	v62 =	vld [tilespmem:$0xC00]  }
0x100: {  	v63 =	vld [tilespmem:$0x1000];
	_ =	sdelay $0x4  }
0x101: {  	v0 =	vsub.f32 v63, v62;
	_ =	sdelay $0x1  }
0x102: {  	v0 =	vadd.f32 $0.0e+00, v0;
	_ =	sdelay $0x1  }
0x103: {  	v0 =	vmul.f32 $1.442695020e+00, v0;
	_ =	sdelay $0x1  }
0x104: {  	(erf) = vpow2.f32 v0  }
0x105: {  	v4 =	vld [tilespmem:$0xE00]  }
0x106: {  	v5 =	vld [tilespmem:$0x1200];
	_ =	sdelay $0x4  }
0x107: {  	v0 =	vsub.f32 v5, v4;
	_ =	sdelay $0x1  }
0x108: {  	v0 =	vadd.f32 $0.0e+00, v0;
	v6 =	vpop (erf)  }
0x109: {  	v1 =	vadd.f32 $1.000000000e+00, v6  }
0x10a: {  	v0 =	vmul.f32 $1.442695020e+00, v0  }
0x10b: {  	(erf) = vrcp.f32 v1  }
0x10c: {  	(erf) = vpow2.f32 v0  }
0x10d: {  	v7 =	vld [tilespmem:$0xC10]  }
0x10e: {  	v8 =	vld [tilespmem:$0x1010];
	_ =	sdelay $0x4  }
0x10f: {  	v1 =	vsub.f32 v8, v7  }
0x110: {  	v0 =	vpop (erf)  }
0x111: {  	v1 =	vadd.f32 $0.0e+00, v1;
	v9 =	vpop (erf)  }
0x112: {  	v2 =	vadd.f32 $1.000000000e+00, v9  }
0x113: {  	v1 =	vmul.f32 $1.442695020e+00, v1  }
0x114: {  	(erf) = vrcp.f32 v2  }
0x115: {  	(erf) = vpow2.f32 v1  }
0x116: {  	v10 =	vld [tilespmem:$0xE10]  }
0x117: {  	v11 =	vld [tilespmem:$0x1210];
	_ =	sdelay $0x4  }
0x118: {  	v2 =	vsub.f32 v11, v10  }
0x119: {  	v1 =	vpop (erf)  }
0x11a: {  	v2 =	vadd.f32 $0.0e+00, v2;
	v12 =	vpop (erf)  }
0x11b: {  	v3 =	vadd.f32 $1.000000000e+00, v12  }
0x11c: {  	v2 =	vmul.f32 $1.442695020e+00, v2  }
0x11d: {  	(erf) = vrcp.f32 v3  }
0x11e: {  	(erf) = vpow2.f32 v2  }
0x11f: {  	v13 =	vld [tilespmem:$0xC20]  }
0x120: {  	v14 =	vld [tilespmem:$0x1020];
	_ =	sdelay $0x4  }
0x121: {  	v3 =	vsub.f32 v14, v13  }
0x122: {  	v2 =	vpop (erf)  }
0x123: {  	v3 =	vadd.f32 $0.0e+00, v3;
	v4 =	vpop (erf)  }
0x124: {  	v4 =	vadd.f32 $1.000000000e+00, v4  }
0x125: {  	v3 =	vmul.f32 $1.442695020e+00, v3  }
0x126: {  	(erf) = vrcp.f32 v4  }
0x127: {  	(erf) = vpow2.f32 v3  }
0x128: {  	v15 =	vld [tilespmem:$0xE20]  }
0x129: {  	v16 =	vld [tilespmem:$0x1220];
	_ =	sdelay $0x4  }
0x12a: {  	v4 =	vsub.f32 v16, v15  }
0x12b: {  	v3 =	vpop (erf)  }
0x12c: {  	v4 =	vadd.f32 $0.0e+00, v4;
	v5 =	vpop (erf)  }
0x12d: {  	v5 =	vadd.f32 $1.000000000e+00, v5  }
0x12e: {  	v4 =	vmul.f32 $1.442695020e+00, v4  }
0x12f: {  	(erf) = vrcp.f32 v5  }
0x130: {  	(erf) = vpow2.f32 v4  }
0x131: {  	v17 =	vld [tilespmem:$0xC30]  }
0x132: {  	v18 =	vld [tilespmem:$0x1030];
	_ =	sdelay $0x4  }
0x133: {  	v5 =	vsub.f32 v18, v17  }
0x134: {  	v4 =	vpop (erf)  }
0x135: {  	v5 =	vadd.f32 $0.0e+00, v5;
	v6 =	vpop (erf)  }
0x136: {  	v6 =	vadd.f32 $1.000000000e+00, v6  }
0x137: {  	v5 =	vmul.f32 $1.442695020e+00, v5  }
0x138: {  	(erf) = vrcp.f32 v6  }
0x139: {  	(erf) = vpow2.f32 v5  }
0x13a: {  	v19 =	vld [tilespmem:$0xE30]  }
0x13b: {  	v20 =	vld [tilespmem:$0x1230];
	_ =	sdelay $0x4  }
0x13c: {  	v6 =	vsub.f32 v20, v19  }
0x13d: {  	v5 =	vpop (erf)  }
0x13e: {  	v6 =	vadd.f32 $0.0e+00, v6;
	v7 =	vpop (erf)  }
0x13f: {  	v7 =	vadd.f32 $1.000000000e+00, v7  }
0x140: {  	v6 =	vmul.f32 $1.442695020e+00, v6  }
0x141: {  	(erf) = vrcp.f32 v7  }
0x142: {  	(erf) = vpow2.f32 v6  }
0x143: {  	v21 =	vld [tilespmem:$0xC40]  }
0x144: {  	v22 =	vld [tilespmem:$0x1040];
	_ =	sdelay $0x4  }
0x145: {  	v7 =	vsub.f32 v22, v21  }
0x146: {  	v6 =	vpop (erf)  }
0x147: {  	v7 =	vadd.f32 $0.0e+00, v7;
	v8 =	vpop (erf)  }
0x148: {  	v8 =	vadd.f32 $1.000000000e+00, v8  }
0x149: {  	v7 =	vmul.f32 $1.442695020e+00, v7  }
0x14a: {  	(erf) = vrcp.f32 v8  }
0x14b: {  	(erf) = vpow2.f32 v7  }
0x14c: {  	v23 =	vld [tilespmem:$0xE40]  }
0x14d: {  	v24 =	vld [tilespmem:$0x1240];
	_ =	sdelay $0x4  }
0x14e: {  	v8 =	vsub.f32 v24, v23  }
0x14f: {  	v7 =	vpop (erf)  }
0x150: {  	v8 =	vadd.f32 $0.0e+00, v8;
	v9 =	vpop (erf)  }
0x151: {  	v9 =	vadd.f32 $1.000000000e+00, v9  }
0x152: {  	v8 =	vmul.f32 $1.442695020e+00, v8  }
0x153: {  	(erf) = vrcp.f32 v9  }
0x154: {  	(erf) = vpow2.f32 v8  }
0x155: {  	v25 =	vld [tilespmem:$0xC50]  }
0x156: {  	v26 =	vld [tilespmem:$0x1050];
	_ =	sdelay $0x4  }
0x157: {  	v9 =	vsub.f32 v26, v25  }
0x158: {  	v8 =	vpop (erf)  }
0x159: {  	v9 =	vadd.f32 $0.0e+00, v9;
	v10 =	vpop (erf)  }
0x15a: {  	v10 =	vadd.f32 $1.000000000e+00, v10  }
0x15b: {  	v9 =	vmul.f32 $1.442695020e+00, v9  }
0x15c: {  	(erf) = vrcp.f32 v10  }
0x15d: {  	(erf) = vpow2.f32 v9  }
0x15e: {  	v27 =	vld [tilespmem:$0xE50]  }
0x15f: {  	v28 =	vld [tilespmem:$0x1250];
	_ =	sdelay $0x4  }
0x160: {  	v10 =	vsub.f32 v28, v27  }
0x161: {  	v9 =	vpop (erf)  }
0x162: {  	v10 =	vadd.f32 $0.0e+00, v10;
	v11 =	vpop (erf)  }
0x163: {  	v11 =	vadd.f32 $1.000000000e+00, v11  }
0x164: {  	v10 =	vmul.f32 $1.442695020e+00, v10  }
0x165: {  	(erf) = vrcp.f32 v11  }
0x166: {  	(erf) = vpow2.f32 v10  }
0x167: {  	v29 =	vld [tilespmem:$0xC60]  }
0x168: {  	v30 =	vld [tilespmem:$0x1060];
	_ =	sdelay $0x4  }
0x169: {  	v11 =	vsub.f32 v30, v29  }
0x16a: {  	v10 =	vpop (erf)  }
0x16b: {  	v11 =	vadd.f32 $0.0e+00, v11;
	v12 =	vpop (erf)  }
0x16c: {  	v12 =	vadd.f32 $1.000000000e+00, v12  }
0x16d: {  	v11 =	vmul.f32 $1.442695020e+00, v11  }
0x16e: {  	(erf) = vrcp.f32 v12  }
0x16f: {  	(erf) = vpow2.f32 v11  }
0x170: {  	v31 =	vld [tilespmem:$0xE60]  }
0x171: {  	v32 =	vld [tilespmem:$0x1260];
	_ =	sdelay $0x4  }
0x172: {  	v12 =	vsub.f32 v32, v31  }
0x173: {  	v11 =	vpop (erf)  }
0x174: {  	v12 =	vadd.f32 $0.0e+00, v12;
	v13 =	vpop (erf)  }
0x175: {  	v13 =	vadd.f32 $1.000000000e+00, v13  }
0x176: {  	v12 =	vmul.f32 $1.442695020e+00, v12  }
0x177: {  	(erf) = vrcp.f32 v13  }
0x178: {  	(erf) = vpow2.f32 v12  }
0x179: {  	v33 =	vld [tilespmem:$0xC70]  }
0x17a: {  	v34 =	vld [tilespmem:$0x1070];
	_ =	sdelay $0x4  }
0x17b: {  	v13 =	vsub.f32 v34, v33  }
0x17c: {  	v12 =	vpop (erf)  }
0x17d: {  	v13 =	vadd.f32 $0.0e+00, v13;
	v14 =	vpop (erf)  }
0x17e: {  	v14 =	vadd.f32 $1.000000000e+00, v14  }
0x17f: {  	v13 =	vmul.f32 $1.442695020e+00, v13  }
0x180: {  	(erf) = vrcp.f32 v14  }
0x181: {  	(erf) = vpow2.f32 v13  }
0x182: {  	v35 =	vld [tilespmem:$0xE70]  }
0x183: {  	v36 =	vld [tilespmem:$0x1270];
	_ =	sdelay $0x4  }
0x184: {  	v14 =	vsub.f32 v36, v35  }
0x185: {  	v13 =	vpop (erf)  }
0x186: {  	v14 =	vadd.f32 $0.0e+00, v14;
	v15 =	vpop (erf)  }
0x187: {  	v15 =	vadd.f32 $1.000000000e+00, v15  }
0x188: {  	v14 =	vmul.f32 $1.442695020e+00, v14  }
0x189: {  	(erf) = vrcp.f32 v15  }
0x18a: {  	(erf) = vpow2.f32 v14  }
0x18b: {  	v37 =	vld [tilespmem:$0xC80]  }
0x18c: {  	v38 =	vld [tilespmem:$0x1080];
	_ =	sdelay $0x4  }
0x18d: {  	v15 =	vsub.f32 v38, v37  }
0x18e: {  	v14 =	vpop (erf)  }
0x18f: {  	v15 =	vadd.f32 $0.0e+00, v15;
	v16 =	vpop (erf)  }
0x190: {  	v16 =	vadd.f32 $1.000000000e+00, v16  }
0x191: {  	v15 =	vmul.f32 $1.442695020e+00, v15  }
0x192: {  	(erf) = vrcp.f32 v16  }
0x193: {  	(erf) = vpow2.f32 v15  }
0x194: {  	v39 =	vld [tilespmem:$0xE80]  }
0x195: {  	v40 =	vld [tilespmem:$0x1280];
	_ =	sdelay $0x4  }
0x196: {  	v16 =	vsub.f32 v40, v39  }
0x197: {  	v15 =	vpop (erf)  }
0x198: {  	v16 =	vadd.f32 $0.0e+00, v16;
	v17 =	vpop (erf)  }
0x199: {  	v17 =	vadd.f32 $1.000000000e+00, v17  }
0x19a: {  	v16 =	vmul.f32 $1.442695020e+00, v16  }
0x19b: {  	(erf) = vrcp.f32 v17  }
0x19c: {  	(erf) = vpow2.f32 v16  }
0x19d: {  	v41 =	vld [tilespmem:$0xC90]  }
0x19e: {  	v42 =	vld [tilespmem:$0x1090];
	_ =	sdelay $0x4  }
0x19f: {  	v17 =	vsub.f32 v42, v41  }
0x1a0: {  	v16 =	vpop (erf)  }
0x1a1: {  	v17 =	vadd.f32 $0.0e+00, v17;
	v18 =	vpop (erf)  }
0x1a2: {  	v18 =	vadd.f32 $1.000000000e+00, v18  }
0x1a3: {  	v17 =	vmul.f32 $1.442695020e+00, v17  }
0x1a4: {  	(erf) = vrcp.f32 v18  }
0x1a5: {  	(erf) = vpow2.f32 v17  }
0x1a6: {  	v43 =	vld [tilespmem:$0xE90]  }
0x1a7: {  	v44 =	vld [tilespmem:$0x1290];
	_ =	sdelay $0x4  }
0x1a8: {  	v18 =	vsub.f32 v44, v43  }
0x1a9: {  	v17 =	vpop (erf)  }
0x1aa: {  	v18 =	vadd.f32 $0.0e+00, v18;
	v19 =	vpop (erf)  }
0x1ab: {  	v19 =	vadd.f32 $1.000000000e+00, v19  }
0x1ac: {  	v18 =	vmul.f32 $1.442695020e+00, v18  }
0x1ad: {  	(erf) = vrcp.f32 v19  }
0x1ae: {  	(erf) = vpow2.f32 v18  }
0x1af: {  	v45 =	vld [tilespmem:$0xCA0]  }
0x1b0: {  	v46 =	vld [tilespmem:$0x10A0];
	_ =	sdelay $0x4  }
0x1b1: {  	v19 =	vsub.f32 v46, v45  }
0x1b2: {  	v18 =	vpop (erf)  }
0x1b3: {  	v19 =	vadd.f32 $0.0e+00, v19;
	v20 =	vpop (erf)  }
0x1b4: {  	v20 =	vadd.f32 $1.000000000e+00, v20  }
0x1b5: {  	v19 =	vmul.f32 $1.442695020e+00, v19  }
0x1b6: {  	(erf) = vrcp.f32 v20  }
0x1b7: {  	(erf) = vpow2.f32 v19  }
0x1b8: {  	v47 =	vld [tilespmem:$0xEA0]  }
0x1b9: {  	v48 =	vld [tilespmem:$0x12A0];
	_ =	sdelay $0x4  }
0x1ba: {  	v20 =	vsub.f32 v48, v47  }
0x1bb: {  	v19 =	vpop (erf)  }
0x1bc: {  	v20 =	vadd.f32 $0.0e+00, v20;
	v21 =	vpop (erf)  }
0x1bd: {  	v21 =	vadd.f32 $1.000000000e+00, v21  }
0x1be: {  	v20 =	vmul.f32 $1.442695020e+00, v20  }
0x1bf: {  	(erf) = vrcp.f32 v21  }
0x1c0: {  	(erf) = vpow2.f32 v20  }
0x1c1: {  	v49 =	vld [tilespmem:$0xCB0]  }
0x1c2: {  	v50 =	vld [tilespmem:$0x10B0];
	_ =	sdelay $0x4  }
0x1c3: {  	v21 =	vsub.f32 v50, v49  }
0x1c4: {  	v20 =	vpop (erf)  }
0x1c5: {  	v21 =	vadd.f32 $0.0e+00, v21;
	v22 =	vpop (erf)  }
0x1c6: {  	v22 =	vadd.f32 $1.000000000e+00, v22  }
0x1c7: {  	v21 =	vmul.f32 $1.442695020e+00, v21  }
0x1c8: {  	(erf) = vrcp.f32 v22  }
0x1c9: {  	(erf) = vpow2.f32 v21  }
0x1ca: {  	v51 =	vld [tilespmem:$0xEB0]  }
0x1cb: {  	v52 =	vld [tilespmem:$0x12B0];
	_ =	sdelay $0x4  }
0x1cc: {  	v22 =	vsub.f32 v52, v51  }
0x1cd: {  	v21 =	vpop (erf)  }
0x1ce: {  	v22 =	vadd.f32 $0.0e+00, v22;
	v23 =	vpop (erf)  }
0x1cf: {  	v23 =	vadd.f32 $1.000000000e+00, v23  }
0x1d0: {  	v22 =	vmul.f32 $1.442695020e+00, v22  }
0x1d1: {  	(erf) = vrcp.f32 v23  }
0x1d2: {  	(erf) = vpow2.f32 v22  }
0x1d3: {  	v53 =	vld [tilespmem:$0xCC0]  }
0x1d4: {  	v54 =	vld [tilespmem:$0x10C0];
	_ =	sdelay $0x4  }
0x1d5: {  	v23 =	vsub.f32 v54, v53  }
0x1d6: {  	v22 =	vpop (erf)  }
0x1d7: {  	v23 =	vadd.f32 $0.0e+00, v23;
	v24 =	vpop (erf)  }
0x1d8: {  	v24 =	vadd.f32 $1.000000000e+00, v24  }
0x1d9: {  	v23 =	vmul.f32 $1.442695020e+00, v23  }
0x1da: {  	(erf) = vrcp.f32 v24  }
0x1db: {  	(erf) = vpow2.f32 v23  }
0x1dc: {  	v55 =	vld [tilespmem:$0xEC0]  }
0x1dd: {  	v56 =	vld [tilespmem:$0x12C0];
	_ =	sdelay $0x4  }
0x1de: {  	v24 =	vsub.f32 v56, v55  }
0x1df: {  	v23 =	vpop (erf)  }
0x1e0: {  	v24 =	vadd.f32 $0.0e+00, v24;
	v25 =	vpop (erf)  }
0x1e1: {  	v25 =	vadd.f32 $1.000000000e+00, v25  }
0x1e2: {  	v24 =	vmul.f32 $1.442695020e+00, v24  }
0x1e3: {  	(erf) = vrcp.f32 v25  }
0x1e4: {  	(erf) = vpow2.f32 v24  }
0x1e5: {  	v57 =	vld [tilespmem:$0xCD0]  }
0x1e6: {  	v58 =	vld [tilespmem:$0x10D0];
	_ =	sdelay $0x4  }
0x1e7: {  	v25 =	vsub.f32 v58, v57  }
0x1e8: {  	v24 =	vpop (erf)  }
0x1e9: {  	v25 =	vadd.f32 $0.0e+00, v25;
	v26 =	vpop (erf)  }
0x1ea: {  	v26 =	vadd.f32 $1.000000000e+00, v26  }
0x1eb: {  	v25 =	vmul.f32 $1.442695020e+00, v25  }
0x1ec: {  	(erf) = vrcp.f32 v26  }
0x1ed: {  	(erf) = vpow2.f32 v25  }
0x1ee: {  	v59 =	vld [tilespmem:$0xED0]  }
0x1ef: {  	v60 =	vld [tilespmem:$0x12D0];
	_ =	sdelay $0x4  }
0x1f0: {  	v26 =	vsub.f32 v60, v59  }
0x1f1: {  	v25 =	vpop (erf)  }
0x1f2: {  	v26 =	vadd.f32 $0.0e+00, v26;
	v27 =	vpop (erf)  }
0x1f3: {  	v27 =	vadd.f32 $1.000000000e+00, v27  }
0x1f4: {  	v26 =	vmul.f32 $1.442695020e+00, v26  }
0x1f5: {  	(erf) = vrcp.f32 v27  }
0x1f6: {  	(erf) = vpow2.f32 v26  }
0x1f7: {  	v61 =	vld [tilespmem:$0xCE0]  }
0x1f8: {  	v62 =	vld [tilespmem:$0x10E0];
	_ =	sdelay $0x4  }
0x1f9: {  	v27 =	vsub.f32 v62, v61  }
0x1fa: {  	v26 =	vpop (erf)  }
0x1fb: {  	v27 =	vadd.f32 $0.0e+00, v27;
	v28 =	vpop (erf)  }
0x1fc: {  	v28 =	vadd.f32 $1.000000000e+00, v28  }
0x1fd: {  	v27 =	vmul.f32 $1.442695020e+00, v27  }
0x1fe: {  	(erf) = vrcp.f32 v28  }
0x1ff: {  	(erf) = vpow2.f32 v27  }
0x200: {  	v63 =	vld [tilespmem:$0xEE0]  }
0x201: {  	v32 =	vld [tilespmem:$0x12E0];
	_ =	sdelay $0x4  }
0x202: {  	v28 =	vsub.f32 v32, v63  }
0x203: {  	v27 =	vpop (erf)  }
0x204: {  	v28 =	vadd.f32 $0.0e+00, v28;
	v29 =	vpop (erf)  }
0x205: {  	v29 =	vadd.f32 $1.000000000e+00, v29  }
0x206: {  	v28 =	vmul.f32 $1.442695020e+00, v28  }
0x207: {  	(erf) = vrcp.f32 v29  }
0x208: {  	(erf) = vpow2.f32 v28  }
0x209: {  	v33 =	vld [tilespmem:$0xCF0]  }
0x20a: {  	v34 =	vld [tilespmem:$0x10F0];
	_ =	sdelay $0x4  }
0x20b: {  	v29 =	vsub.f32 v34, v33  }
0x20c: {  	v28 =	vpop (erf)  }
0x20d: {  	v29 =	vadd.f32 $0.0e+00, v29;
	v30 =	vpop (erf)  }
0x20e: {  	v30 =	vadd.f32 $1.000000000e+00, v30  }
0x20f: {  	v29 =	vmul.f32 $1.442695020e+00, v29  }
0x210: {  	(erf) = vrcp.f32 v30  }
0x211: {  	(erf) = vpow2.f32 v29  }
0x212: {  	v35 =	vld [tilespmem:$0xEF0]  }
0x213: {  	v36 =	vld [tilespmem:$0x12F0];
	_ =	sdelay $0x4  }
0x214: {  	v30 =	vsub.f32 v36, v35  }
0x215: {  	v29 =	vpop (erf)  }
0x216: {  	v30 =	vadd.f32 $0.0e+00, v30;
	v31 =	vpop (erf)  }
0x217: {  	v31 =	vadd.f32 $1.000000000e+00, v31  }
0x218: {  	v30 =	vmul.f32 $1.442695020e+00, v30  }
0x219: {  	(erf) = vrcp.f32 v31  }
0x21a: {  	(erf) = vpow2.f32 v30  }
0x21b: {  	v37 =	vld [tilespmem:$0xD00]  }
0x21c: {  	v38 =	vld [tilespmem:$0x1100];
	_ =	sdelay $0x4  }
0x21d: {  	v31 =	vsub.f32 v38, v37  }
0x21e: {  	v30 =	vpop (erf)  }
0x21f: {  	v31 =	vadd.f32 $0.0e+00, v31;
	v32 =	vpop (erf)  }
0x220: {  	v32 =	vadd.f32 $1.000000000e+00, v32  }
0x221: {  	v31 =	vmul.f32 $1.442695020e+00, v31  }
0x222: {  	(erf) = vrcp.f32 v32  }
0x223: {  	(erf) = vpow2.f32 v31  }
0x224: {  	v39 =	vld [tilespmem:$0xF00]  }
0x225: {  	v40 =	vld [tilespmem:$0x1300];
	_ =	sdelay $0x4  }
0x226: {  	v32 =	vsub.f32 v40, v39  }
0x227: {  	v31 =	vpop (erf)  }
0x228: {  	v32 =	vadd.f32 $0.0e+00, v32;
	v33 =	vpop (erf)  }
0x229: {  	v33 =	vadd.f32 $1.000000000e+00, v33  }
0x22a: {  	v32 =	vmul.f32 $1.442695020e+00, v32  }
0x22b: {  	(erf) = vrcp.f32 v33  }
0x22c: {  	(erf) = vpow2.f32 v32  }
0x22d: {  	v41 =	vld [tilespmem:$0xD10]  }
0x22e: {  	v42 =	vld [tilespmem:$0x1110];
	_ =	sdelay $0x4  }
0x22f: {  	v33 =	vsub.f32 v42, v41  }
0x230: {  	v32 =	vpop (erf)  }
0x231: {  	v33 =	vadd.f32 $0.0e+00, v33;
	v34 =	vpop (erf)  }
0x232: {  	v34 =	vadd.f32 $1.000000000e+00, v34  }
0x233: {  	v33 =	vmul.f32 $1.442695020e+00, v33  }
0x234: {  	(erf) = vrcp.f32 v34  }
0x235: {  	(erf) = vpow2.f32 v33  }
0x236: {  	v43 =	vld [tilespmem:$0xF10]  }
0x237: {  	v44 =	vld [tilespmem:$0x1310];
	_ =	sdelay $0x4  }
0x238: {  	v34 =	vsub.f32 v44, v43  }
0x239: {  	v33 =	vpop (erf)  }
0x23a: {  	v34 =	vadd.f32 $0.0e+00, v34;
	v35 =	vpop (erf)  }
0x23b: {  	v35 =	vadd.f32 $1.000000000e+00, v35  }
0x23c: {  	v34 =	vmul.f32 $1.442695020e+00, v34  }
0x23d: {  	(erf) = vrcp.f32 v35  }
0x23e: {  	(erf) = vpow2.f32 v34  }
0x23f: {  	v45 =	vld [tilespmem:$0xD20]  }
0x240: {  	v46 =	vld [tilespmem:$0x1120];
	_ =	sdelay $0x4  }
0x241: {  	v35 =	vsub.f32 v46, v45  }
0x242: {  	v34 =	vpop (erf)  }
0x243: {  	v35 =	vadd.f32 $0.0e+00, v35;
	v36 =	vpop (erf)  }
0x244: {  	v36 =	vadd.f32 $1.000000000e+00, v36  }
0x245: {  	v35 =	vmul.f32 $1.442695020e+00, v35  }
0x246: {  	(erf) = vrcp.f32 v36  }
0x247: {  	(erf) = vpow2.f32 v35  }
0x248: {  	v47 =	vld [tilespmem:$0xF20]  }
0x249: {  	v48 =	vld [tilespmem:$0x1320];
	_ =	sdelay $0x4  }
0x24a: {  	v36 =	vsub.f32 v48, v47  }
0x24b: {  	v35 =	vpop (erf)  }
0x24c: {  	v36 =	vadd.f32 $0.0e+00, v36;
	v37 =	vpop (erf)  }
0x24d: {  	v37 =	vadd.f32 $1.000000000e+00, v37  }
0x24e: {  	v36 =	vmul.f32 $1.442695020e+00, v36  }
0x24f: {  	(erf) = vrcp.f32 v37  }
0x250: {  	(erf) = vpow2.f32 v36  }
0x251: {  	v49 =	vld [tilespmem:$0xD30]  }
0x252: {  	v50 =	vld [tilespmem:$0x1130];
	_ =	sdelay $0x4  }
0x253: {  	v37 =	vsub.f32 v50, v49  }
0x254: {  	v36 =	vpop (erf)  }
0x255: {  	v37 =	vadd.f32 $0.0e+00, v37;
	v38 =	vpop (erf)  }
0x256: {  	v38 =	vadd.f32 $1.000000000e+00, v38  }
0x257: {  	v37 =	vmul.f32 $1.442695020e+00, v37  }
0x258: {  	(erf) = vrcp.f32 v38  }
0x259: {  	(erf) = vpow2.f32 v37  }
0x25a: {  	v51 =	vld [tilespmem:$0xF30]  }
0x25b: {  	v52 =	vld [tilespmem:$0x1330];
	_ =	sdelay $0x4  }
0x25c: {  	v38 =	vsub.f32 v52, v51  }
0x25d: {  	v37 =	vpop (erf)  }
0x25e: {  	v38 =	vadd.f32 $0.0e+00, v38;
	v39 =	vpop (erf)  }
0x25f: {  	v39 =	vadd.f32 $1.000000000e+00, v39  }
0x260: {  	v38 =	vmul.f32 $1.442695020e+00, v38  }
0x261: {  	(erf) = vrcp.f32 v39  }
0x262: {  	(erf) = vpow2.f32 v38  }
0x263: {  	v53 =	vld [tilespmem:$0xD40]  }
0x264: {  	v54 =	vld [tilespmem:$0x1140];
	_ =	sdelay $0x4  }
0x265: {  	v39 =	vsub.f32 v54, v53  }
0x266: {  	v38 =	vpop (erf)  }
0x267: {  	v39 =	vadd.f32 $0.0e+00, v39;
	v40 =	vpop (erf)  }
0x268: {  	v40 =	vadd.f32 $1.000000000e+00, v40  }
0x269: {  	v39 =	vmul.f32 $1.442695020e+00, v39  }
0x26a: {  	(erf) = vrcp.f32 v40  }
0x26b: {  	(erf) = vpow2.f32 v39  }
0x26c: {  	v55 =	vld [tilespmem:$0xF40]  }
0x26d: {  	v56 =	vld [tilespmem:$0x1340];
	_ =	sdelay $0x4  }
0x26e: {  	v40 =	vsub.f32 v56, v55  }
0x26f: {  	v39 =	vpop (erf)  }
0x270: {  	v40 =	vadd.f32 $0.0e+00, v40;
	v41 =	vpop (erf)  }
0x271: {  	v41 =	vadd.f32 $1.000000000e+00, v41  }
0x272: {  	v40 =	vmul.f32 $1.442695020e+00, v40  }
0x273: {  	(erf) = vrcp.f32 v41  }
0x274: {  	(erf) = vpow2.f32 v40  }
0x275: {  	v57 =	vld [tilespmem:$0xD50]  }
0x276: {  	v58 =	vld [tilespmem:$0x1150];
	_ =	sdelay $0x4  }
0x277: {  	v41 =	vsub.f32 v58, v57  }
0x278: {  	v40 =	vpop (erf)  }
0x279: {  	v41 =	vadd.f32 $0.0e+00, v41;
	v42 =	vpop (erf)  }
0x27a: {  	v42 =	vadd.f32 $1.000000000e+00, v42  }
0x27b: {  	v41 =	vmul.f32 $1.442695020e+00, v41  }
0x27c: {  	(erf) = vrcp.f32 v42  }
0x27d: {  	(erf) = vpow2.f32 v41  }
0x27e: {  	v59 =	vld [tilespmem:$0xF50]  }
0x27f: {  	v60 =	vld [tilespmem:$0x1350];
	_ =	sdelay $0x4  }
0x280: {  	v42 =	vsub.f32 v60, v59  }
0x281: {  	v41 =	vpop (erf)  }
0x282: {  	v42 =	vadd.f32 $0.0e+00, v42;
	v43 =	vpop (erf)  }
0x283: {  	v43 =	vadd.f32 $1.000000000e+00, v43  }
0x284: {  	v42 =	vmul.f32 $1.442695020e+00, v42  }
0x285: {  	(erf) = vrcp.f32 v43  }
0x286: {  	(erf) = vpow2.f32 v42  }
0x287: {  	v61 =	vld [tilespmem:$0xD60]  }
0x288: {  	v62 =	vld [tilespmem:$0x1160];
	_ =	sdelay $0x4  }
0x289: {  	v43 =	vsub.f32 v62, v61  }
0x28a: {  	v42 =	vpop (erf)  }
0x28b: {  	v43 =	vadd.f32 $0.0e+00, v43;
	v44 =	vpop (erf)  }
0x28c: {  	v44 =	vadd.f32 $1.000000000e+00, v44  }
0x28d: {  	v43 =	vmul.f32 $1.442695020e+00, v43  }
0x28e: {  	(erf) = vrcp.f32 v44  }
0x28f: {  	(erf) = vpow2.f32 v43  }
0x290: {  	v63 =	vld [tilespmem:$0xF60]  }
0x291: {  	v48 =	vld [tilespmem:$0x1360];
	_ =	sdelay $0x4  }
0x292: {  	v44 =	vsub.f32 v48, v63  }
0x293: {  	v43 =	vpop (erf)  }
0x294: {  	v44 =	vadd.f32 $0.0e+00, v44;
	v45 =	vpop (erf)  }
0x295: {  	v45 =	vadd.f32 $1.000000000e+00, v45  }
0x296: {  	v44 =	vmul.f32 $1.442695020e+00, v44  }
0x297: {  	(erf) = vrcp.f32 v45  }
0x298: {  	(erf) = vpow2.f32 v44  }
0x299: {  	v49 =	vld [tilespmem:$0xD70]  }
0x29a: {  	v50 =	vld [tilespmem:$0x1170];
	_ =	sdelay $0x4  }
0x29b: {  	v45 =	vsub.f32 v50, v49  }
0x29c: {  	v44 =	vpop (erf)  }
0x29d: {  	v45 =	vadd.f32 $0.0e+00, v45;
	v46 =	vpop (erf)  }
0x29e: {  	v46 =	vadd.f32 $1.000000000e+00, v46  }
0x29f: {  	v45 =	vmul.f32 $1.442695020e+00, v45  }
0x2a0: {  	(erf) = vrcp.f32 v46  }
0x2a1: {  	(erf) = vpow2.f32 v45  }
0x2a2: {  	v51 =	vld [tilespmem:$0xF70]  }
0x2a3: {  	v52 =	vld [tilespmem:$0x1370];
	_ =	sdelay $0x4  }
0x2a4: {  	v46 =	vsub.f32 v52, v51  }
0x2a5: {  	v45 =	vpop (erf)  }
0x2a6: {  	v46 =	vadd.f32 $0.0e+00, v46;
	v47 =	vpop (erf)  }
0x2a7: {  	v47 =	vadd.f32 $1.000000000e+00, v47  }
0x2a8: {  	v46 =	vmul.f32 $1.442695020e+00, v46  }
0x2a9: {  	(erf) = vrcp.f32 v47  }
0x2aa: {  	(erf) = vpow2.f32 v46  }
0x2ab: {  	v53 =	vld [tilespmem:$0xD80]  }
0x2ac: {  	v54 =	vld [tilespmem:$0x1180];
	_ =	sdelay $0x4  }
0x2ad: {  	v47 =	vsub.f32 v54, v53  }
0x2ae: {  	v46 =	vpop (erf)  }
0x2af: {  	v47 =	vadd.f32 $0.0e+00, v47;
	v48 =	vpop (erf)  }
0x2b0: {  	v48 =	vadd.f32 $1.000000000e+00, v48  }
0x2b1: {  	v47 =	vmul.f32 $1.442695020e+00, v47  }
0x2b2: {  	(erf) = vrcp.f32 v48  }
0x2b3: {  	(erf) = vpow2.f32 v47  }
0x2b4: {  	v55 =	vld [tilespmem:$0xF80]  }
0x2b5: {  	v56 =	vld [tilespmem:$0x1380];
	_ =	sdelay $0x4  }
0x2b6: {  	v48 =	vsub.f32 v56, v55  }
0x2b7: {  	v47 =	vpop (erf)  }
0x2b8: {  	v48 =	vadd.f32 $0.0e+00, v48;
	v49 =	vpop (erf)  }
0x2b9: {  	v49 =	vadd.f32 $1.000000000e+00, v49  }
0x2ba: {  	v48 =	vmul.f32 $1.442695020e+00, v48  }
0x2bb: {  	(erf) = vrcp.f32 v49  }
0x2bc: {  	(erf) = vpow2.f32 v48  }
0x2bd: {  	v57 =	vld [tilespmem:$0xD90]  }
0x2be: {  	v58 =	vld [tilespmem:$0x1190];
	_ =	sdelay $0x4  }
0x2bf: {  	v49 =	vsub.f32 v58, v57  }
0x2c0: {  	v48 =	vpop (erf)  }
0x2c1: {  	v49 =	vadd.f32 $0.0e+00, v49;
	v50 =	vpop (erf)  }
0x2c2: {  	v50 =	vadd.f32 $1.000000000e+00, v50  }
0x2c3: {  	v49 =	vmul.f32 $1.442695020e+00, v49  }
0x2c4: {  	(erf) = vrcp.f32 v50  }
0x2c5: {  	(erf) = vpow2.f32 v49  }
0x2c6: {  	v59 =	vld [tilespmem:$0xF90]  }
0x2c7: {  	v60 =	vld [tilespmem:$0x1390];
	_ =	sdelay $0x4  }
0x2c8: {  	v50 =	vsub.f32 v60, v59  }
0x2c9: {  	v49 =	vpop (erf)  }
0x2ca: {  	v50 =	vadd.f32 $0.0e+00, v50;
	v51 =	vpop (erf)  }
0x2cb: {  	v51 =	vadd.f32 $1.000000000e+00, v51  }
0x2cc: {  	v50 =	vmul.f32 $1.442695020e+00, v50  }
0x2cd: {  	(erf) = vrcp.f32 v51  }
0x2ce: {  	(erf) = vpow2.f32 v50  }
0x2cf: {  	v61 =	vld [tilespmem:$0xDA0]  }
0x2d0: {  	v62 =	vld [tilespmem:$0x11A0];
	_ =	sdelay $0x4  }
0x2d1: {  	v51 =	vsub.f32 v62, v61  }
0x2d2: {  	v50 =	vpop (erf)  }
0x2d3: {  	v51 =	vadd.f32 $0.0e+00, v51;
	v52 =	vpop (erf)  }
0x2d4: {  	v52 =	vadd.f32 $1.000000000e+00, v52  }
0x2d5: {  	v51 =	vmul.f32 $1.442695020e+00, v51  }
0x2d6: {  	(erf) = vrcp.f32 v52  }
0x2d7: {  	(erf) = vpow2.f32 v51  }
0x2d8: {  	v63 =	vld [tilespmem:$0xFA0]  }
0x2d9: {  	v56 =	vld [tilespmem:$0x13A0];
	_ =	sdelay $0x4  }
0x2da: {  	v52 =	vsub.f32 v56, v63  }
0x2db: {  	v51 =	vpop (erf)  }
0x2dc: {  	v52 =	vadd.f32 $0.0e+00, v52;
	v53 =	vpop (erf)  }
0x2dd: {  	v53 =	vadd.f32 $1.000000000e+00, v53  }
0x2de: {  	v52 =	vmul.f32 $1.442695020e+00, v52  }
0x2df: {  	(erf) = vrcp.f32 v53  }
0x2e0: {  	(erf) = vpow2.f32 v52  }
0x2e1: {  	v57 =	vld [tilespmem:$0xDB0]  }
0x2e2: {  	v58 =	vld [tilespmem:$0x11B0];
	_ =	sdelay $0x4  }
0x2e3: {  	v53 =	vsub.f32 v58, v57  }
0x2e4: {  	v52 =	vpop (erf)  }
0x2e5: {  	v53 =	vadd.f32 $0.0e+00, v53;
	v54 =	vpop (erf)  }
0x2e6: {  	v54 =	vadd.f32 $1.000000000e+00, v54  }
0x2e7: {  	v53 =	vmul.f32 $1.442695020e+00, v53  }
0x2e8: {  	(erf) = vrcp.f32 v54  }
0x2e9: {  	(erf) = vpow2.f32 v53  }
0x2ea: {  	v59 =	vld [tilespmem:$0xFB0]  }
0x2eb: {  	v60 =	vld [tilespmem:$0x13B0];
	_ =	sdelay $0x4  }
0x2ec: {  	v54 =	vsub.f32 v60, v59  }
0x2ed: {  	v53 =	vpop (erf)  }
0x2ee: {  	v54 =	vadd.f32 $0.0e+00, v54;
	v55 =	vpop (erf)  }
0x2ef: {  	v55 =	vadd.f32 $1.000000000e+00, v55  }
0x2f0: {  	v54 =	vmul.f32 $1.442695020e+00, v54  }
0x2f1: {  	(erf) = vrcp.f32 v55  }
0x2f2: {  	(erf) = vpow2.f32 v54  }
0x2f3: {  	v61 =	vld [tilespmem:$0xDC0]  }
0x2f4: {  	v62 =	vld [tilespmem:$0x11C0];
	_ =	sdelay $0x4  }
0x2f5: {  	v55 =	vsub.f32 v62, v61  }
0x2f6: {  	v54 =	vpop (erf)  }
0x2f7: {  	v55 =	vadd.f32 $0.0e+00, v55;
	v56 =	vpop (erf)  }
0x2f8: {  	v56 =	vadd.f32 $1.000000000e+00, v56  }
0x2f9: {  	v55 =	vmul.f32 $1.442695020e+00, v55  }
0x2fa: {  	(erf) = vrcp.f32 v56  }
0x2fb: {  	(erf) = vpow2.f32 v55  }
0x2fc: {  	v63 =	vld [tilespmem:$0xFC0]  }
0x2fd: {  	v60 =	vld [tilespmem:$0x13C0];
	_ =	sdelay $0x4  }
0x2fe: {  	v56 =	vsub.f32 v60, v63  }
0x2ff: {  	v55 =	vpop (erf)  }
0x300: {  	v56 =	vadd.f32 $0.0e+00, v56;
	v57 =	vpop (erf)  }
0x301: {  	v57 =	vadd.f32 $1.000000000e+00, v57  }
0x302: {  	v56 =	vmul.f32 $1.442695020e+00, v56  }
0x303: {  	(erf) = vrcp.f32 v57  }
0x304: {  	(erf) = vpow2.f32 v56  }
0x305: {  	v61 =	vld [tilespmem:$0xDD0]  }
0x306: {  	v62 =	vld [tilespmem:$0x11D0];
	_ =	sdelay $0x4  }
0x307: {  	v57 =	vsub.f32 v62, v61  }
0x308: {  	v56 =	vpop (erf)  }
0x309: {  	v57 =	vadd.f32 $0.0e+00, v57;
	v58 =	vpop (erf)  }
0x30a: {  	v58 =	vadd.f32 $1.000000000e+00, v58  }
0x30b: {  	v57 =	vmul.f32 $1.442695020e+00, v57  }
0x30c: {  	(erf) = vrcp.f32 v58  }
0x30d: {  	(erf) = vpow2.f32 v57  }
0x30e: {  	v63 =	vld [tilespmem:$0xFD0]  }
0x30f: {  	v60 =	vld [tilespmem:$0x13D0];
	_ =	sdelay $0x4  }
0x310: {  	v58 =	vsub.f32 v60, v63  }
0x311: {  	v57 =	vpop (erf)  }
0x312: {  	v58 =	vadd.f32 $0.0e+00, v58;
	v59 =	vpop (erf)  }
0x313: {  	v59 =	vadd.f32 $1.000000000e+00, v59  }
0x314: {  	v58 =	vmul.f32 $1.442695020e+00, v58  }
0x315: {  	(erf) = vrcp.f32 v59  }
0x316: {  	(erf) = vpow2.f32 v58  }
0x317: {  	v61 =	vld [tilespmem:$0xDE0]  }
0x318: {  	v62 =	vld [tilespmem:$0x11E0];
	_ =	sdelay $0x4  }
0x319: {  	v58 =	vsub.f32 v62, v61  }
0x31a: {  	v59 =	vpop (erf)  }
0x31b: {  	v58 =	vadd.f32 $0.0e+00, v58;
	v60 =	vpop (erf)  }
0x31c: {  	v60 =	vadd.f32 $1.000000000e+00, v60  }
0x31d: {  	v58 =	vmul.f32 $1.442695020e+00, v58  }
0x31e: {  	(erf) = vrcp.f32 v60  }
0x31f: {  	(erf) = vpow2.f32 v58  }
0x320: {  	v60 =	vld [tilespmem:$0x13E0]  }
0x321: {  	v58 =	vld [tilespmem:$0xFE0];
	_ =	sdelay $0x4  }
0x322: {  	v58 =	vsub.f32 v60, v58  }
0x323: {  	v60 =	vpop (erf)  }
0x324: {  	v58 =	vadd.f32 $0.0e+00, v58;
	v61 =	vpop (erf)  }
0x325: {  	v61 =	vadd.f32 $1.000000000e+00, v61  }
0x326: {  	v58 =	vmul.f32 $1.442695020e+00, v58  }
0x327: {  	(erf) = vrcp.f32 v61  }
0x328: {  	(erf) = vpow2.f32 v58  }
0x329: {  	v61 =	vld [tilespmem:$0x11F0]  }
0x32a: {  	v58 =	vld [tilespmem:$0xDF0];
	_ =	sdelay $0x4  }
0x32b: {  	v58 =	vsub.f32 v61, v58  }
0x32c: {  	v61 =	vpop (erf)  }
0x32d: {  	v58 =	vadd.f32 $0.0e+00, v58;
	v62 =	vpop (erf)  }
0x32e: {  	v62 =	vadd.f32 $1.000000000e+00, v62  }
0x32f: {  	v58 =	vmul.f32 $1.442695020e+00, v58  }
0x330: {  	(erf) = vrcp.f32 v62  }
0x331: {  	(erf) = vpow2.f32 v58  }
0x332: {  	v62 =	vld [tilespmem:$0x13F0]  }
0x333: {  	v58 =	vld [tilespmem:$0xFF0];
	_ =	sdelay $0x1  }
0x334: {  	v0 =	vadd.f32 v1, v0;
	v63 =	vadd.f32 v5, v4  }
0x335: {  	v1 =	vadd.f32 v3, v2;
	v3 =	vadd.f32 v7, v6  }
0x336: {  	v0 =	vmul.f32 $5.000000000e-01, v0;
	v10 =	vadd.f32 v11, v10;
	v13 =	vadd.f32 v13, v12  }
0x337: {  	v1 =	vmul.f32 $5.000000000e-01, v1;
	v15 =	vadd.f32 v15, v14;
	v4 =	vsub.f32 v62, v58  }
0x338: {  	[tilespmem:$0x1400] =	vst v0;
	v0 =	vmul.f32 $5.000000000e-01, v13;
	v21 =	vadd.f32 v21, v20;
	v58 =	vmul.f32 $5.000000000e-01, v63;
	v63 =	vpop (erf)  }
0x339: {  	[tilespmem:$0x1410] =	vst v1;
	v1 =	vmul.f32 $5.000000000e-01, v15;
	v23 =	vadd.f32 v23, v22;
	v4 =	vadd.f32 $0.0e+00, v4;
	v11 =	vpop (erf)  }
0x33a: {  	[tilespmem:$0x1460] =	vst v0;
	v0 =	vmul.f32 $5.000000000e-01, v21;
	v29 =	vadd.f32 v29, v28;
	v6 =	vadd.f32 $1.000000000e+00, v11  }
0x33b: {  	[tilespmem:$0x1470] =	vst v1;
	v1 =	vmul.f32 $5.000000000e-01, v23;
	v31 =	vadd.f32 v31, v30;
	v4 =	vmul.f32 $1.442695020e+00, v4  }
0x33c: {  	[tilespmem:$0x14A0] =	vst v0;
	v0 =	vmul.f32 $5.000000000e-01, v29;
	v32 =	vadd.f32 v33, v32;
	(erf) = vrcp.f32 v6  }
0x33d: {  	[tilespmem:$0x14B0] =	vst v1;
	v1 =	vmul.f32 $5.000000000e-01, v31;
	v39 =	vadd.f32 v39, v38;
	(erf) = vpow2.f32 v4  }
0x33e: {  	[tilespmem:$0x14E0] =	vst v0;
	v34 =	vadd.f32 v35, v34;
	v35 =	vmul.f32 $5.000000000e-01, v32;
	v41 =	vadd.f32 v41, v40  }
0x33f: {  	[tilespmem:$0x14F0] =	vst v1;
	v1 =	vmul.f32 $5.000000000e-01, v39;
	v47 =	vadd.f32 v47, v46  }
0x340: {  	[tilespmem:$0x1500] =	vst v35;
	v0 =	vmul.f32 $5.000000000e-01, v41;
	v49 =	vadd.f32 v49, v48  }
0x341: {  	[tilespmem:$0x1530] =	vst v1;
	v1 =	vmul.f32 $5.000000000e-01, v47;
	v55 =	vadd.f32 v55, v54  }
0x342: {  	[tilespmem:$0x1540] =	vst v0;
	v0 =	vmul.f32 $5.000000000e-01, v49  }
0x343: {  	[tilespmem:$0x1570] =	vst v1;
	v1 =	vmul.f32 $5.000000000e-01, v55  }
0x344: {  	[tilespmem:$0x1580] =	vst v0  }
0x345: {  	[tilespmem:$0x15B0] =	vst v1;
	v62 =	vadd.f32 v9, v8;
	v9 =	vmul.f32 $5.000000000e-01, v3;
	v33 =	vpop (erf)  }
0x346: {  	v19 =	vadd.f32 v19, v18;
	v36 =	vadd.f32 v37, v36;
	v3 =	vmul.f32 $5.000000000e-01, v10;
	[tilespmem:$0x1420] =	vst v58;
	v37 =	vpop (erf)  }
0x347: {  	v17 =	vadd.f32 v17, v16;
	v2 =	vmul.f32 $5.000000000e-01, v62;
	[tilespmem:$0x1430] =	vst v9;
	v6 =	vadd.f32 $1.000000000e+00, v37  }
0x348: {  	v27 =	vadd.f32 v27, v26;
	[tilespmem:$0x1450] =	vst v3;
	v3 =	vmul.f32 $5.000000000e-01, v19  }
0x349: {  	v58 =	vadd.f32 v57, v56;
	[tilespmem:$0x1440] =	vst v2;
	v2 =	vmul.f32 $5.000000000e-01, v17;
	(erf) = vrcp.f32 v6  }
0x34a: {  	v25 =	vadd.f32 v25, v24;
	[tilespmem:$0x1490] =	vst v3;
	v3 =	vmul.f32 $5.000000000e-01, v27  }
0x34b: {  	v0 =	vmul.f32 $5.000000000e-01, v58;
	[tilespmem:$0x1480] =	vst v2  }
0x34c: {  	v59 =	vadd.f32 v60, v59;
	v60 =	vadd.f32 v63, v61;
	v2 =	vmul.f32 $5.000000000e-01, v25;
	[tilespmem:$0x14D0] =	vst v3  }
0x34d: {  	v3 =	vmul.f32 $5.000000000e-01, v34;
	[tilespmem:$0x15C0] =	vst v0  }
0x34e: {  	v43 =	vadd.f32 v43, v42;
	v63 =	vmul.f32 $5.000000000e-01, v60;
	[tilespmem:$0x14C0] =	vst v2  }
0x34f: {  	v45 =	vadd.f32 v45, v44;
	v2 =	vmul.f32 $5.000000000e-01, v36;
	[tilespmem:$0x1510] =	vst v3  }
0x350: {  	v51 =	vadd.f32 v51, v50;
	v3 =	vmul.f32 $5.000000000e-01, v43;
	[tilespmem:$0x15E0] =	vst v63  }
0x351: {  	v53 =	vadd.f32 v53, v52;
	[tilespmem:$0x1520] =	vst v2;
	v2 =	vmul.f32 $5.000000000e-01, v45  }
0x352: {  	[tilespmem:$0x1550] =	vst v3;
	v3 =	vmul.f32 $5.000000000e-01, v51;
	v61 =	vpop (erf)  }
0x353: {  	[tilespmem:$0x1560] =	vst v2;
	v2 =	vmul.f32 $5.000000000e-01, v53;
	v62 =	vadd.f32 v61, v33  }
0x354: {  	[tilespmem:$0x1590] =	vst v3;
	v3 =	vmul.f32 $5.000000000e-01, v59  }
0x355: {  	[tilespmem:$0x15A0] =	vst v2;
	v1 =	vmul.f32 $5.000000000e-01, v62  }
0x356: {  	p0 =	sne.s32 s5, $0x1;
	[tilespmem:$0x15D0] =	vst v3  }
.Ltmp0:
0x357: {  	s10 =	rddreg [dreg:$0x7];
	[tilespmem:$0x15F0] =	vst v1;
	(pc) =	sbr.rel @p0 .LBB2_1-.Ltmp0, $4  }
0x358: {  	[hbm4b:s10+s2] =	stream.linear.scatter [tilespmem:s31], [sflag:$0x2], $0x200, $0x38;
	[tilespmem:$0x1600] =	vst v63  }
0x359: {  	_ =	swait.ge [sflag:s0], $0x200  }
0x35a: {  	[sflag:s0] =	ssyncset.done $0x0  }
0x35b: {  	s5 =	sadd.s32 $0xFFFFFFFF, s5;
	[sflag:s0] =	ssyncadd.s32 $0xFFFFFE00  }
0x35c: {  	_ =	sfence.sel $0x180000  }
0x35d: {  	[bflag:$0x0] =	sbarrier.arrive $0xFFFF  }
0x35e: {  	_ =	strace $0x90000047  }
0x35f: {  	s0 =	stileid.u32;
	[bflag:$0x2] =	sbarrier.arrive $0xFFFF  }
0x360: {  	p0 =	sne.s32 s0, $0x0;
	s0 =	rddreg [dreg:$0x4]  }
0x361: {  	s0 =	sadd.s32 @!p0 $0x100000, s0  }
0x362: {  	[sflag:s0] =	ssyncadd.tile.s32 @!p0 $0x1;
	_ =	shalt  }
.Lfunc_end2:
_tile_overlayer_lowered:
.L_overlay_start_2:
0x363: {  	(tag) =	ssettag $0x2  }
0x364: {  	s0 =	rddreg [dreg:$0x0];
	s2 =	stileid.u32  }
0x365: {  	s1 =	rddreg [dreg:$0x1];
	p0 =	sne.s32 s2, $0x0  }
0x366: {  	s3 =	rddreg [dreg:$0x2];
	[bflag:$0x3] =	sbarrier.arrive $0xFFFF;
	s2 =	simm.s32 @!p0 $0x1C02  }
0x367: {  	[timem:s3], [sflag:s2] =	dma.local @!p0 [hbm:s0], s1  }
0x368: {  	s0 =	simm.s32 @!p0 $0x2  }
0x369: {  	_ =	swait.ge @!p0 [sflag:s0], s1  }
0x36a: {  	s1 =	ssub.s32 @!p0 $0x0, s1;
	[sflag:s0] =	ssyncset.done @!p0 $0x0  }
0x36b: {  	[sflag:s0] =	ssyncadd.s32 @!p0 s1  }
0x36c: {  	[bflag:$0x3] =	sbarrier.arrive $0xFFFF  }
0x36d: {  	_ =	shalt  }

</sc_bundles>
